<compile_context>
chip_gen: v7x
topology: tpu7x:2x2x1
jax: 0.10.2.dev20260603
libtpu: 0.0.44.dev20260713+nightly
codegen_flags: <defaults>
</compile_context>

<pallas_src>
import functools

import jax
import jax.numpy as jnp
from jax import lax
from jax.experimental import pallas as pl
from jax.experimental.pallas import tpu as pltpu
from jax.experimental.pallas import tpu_sc as plsc

NC = 2
NS = 16
NW = NC * NS
LANES = 16
BM = 2000

F32 = jnp.float32



def _sc_degree(src, n):
    e = src.shape[0]
    epw = e // NW
    mesh = plsc.VectorSubcoreMesh(core_axis_name="c", subcore_axis_name="s")

    @functools.partial(
        pl.kernel,
        out_type=jax.ShapeDtypeStruct((NW, n), F32),
        mesh=mesh,
        scratch_types=[
            pltpu.VMEM((epw,), jnp.int32),
            pltpu.VMEM((n,), F32),
        ],
        compiler_params=pltpu.CompilerParams(needs_layout_passes=False),
    )
    def deg_kernel(src_hbm, out_hbm, src_v, deg_v):
        c = lax.axis_index("c")
        s = lax.axis_index("s")
        w = s * NC + c
        pltpu.sync_copy(src_hbm.at[pl.ds(w * epw, epw)], src_v)
        z16 = jnp.zeros((LANES,), F32)
        ones16 = jnp.ones((LANES,), F32)

        UNR = 5

        def zero_body(i, carry):
            for u in range(UNR):
                deg_v[pl.ds((i * UNR + u) * LANES, LANES)] = z16
            return carry

        lax.fori_loop(0, n // (LANES * UNR), zero_body, 0)

        def count_body(i, carry):
            for u in range(UNR):
                idx = src_v[pl.ds((i * UNR + u) * LANES, LANES)]
                plsc.addupdate_scatter(deg_v, [idx], ones16)
            return carry

        lax.fori_loop(0, epw // (LANES * UNR), count_body, 0)
        pltpu.sync_copy(deg_v, out_hbm.at[w])

    return deg_kernel(src)


def _sc_propagate(q, src, dst, n):
    e = src.shape[0]
    d = q.shape[1]
    epw = e // NW
    K = 40
    nchunks = epw // K
    NB = 6
    ngroups = nchunks // NB
    tail = nchunks - ngroups * NB
    RPT = (n // NS) // 8 * 8
    RPT_LAST = n - (NS - 1) * RPT
    ZR = 8
    mesh = plsc.VectorSubcoreMesh(core_axis_name="c", subcore_axis_name="s")

    scratch = ([pltpu.VMEM((epw,), jnp.int32) for _ in range(2)] +
               [pltpu.VMEM((K, d), F32) for _ in range(NB)] +
               [pltpu.VMEM_SHARED((n, d), F32)] +
               [pltpu.SemaphoreType.DMA for _ in range(2 * NB)])

    @functools.partial(
        pl.kernel,
        out_type=jax.ShapeDtypeStruct((NC, n, d), F32),
        mesh=mesh,
        scratch_types=scratch,
        compiler_params=pltpu.CompilerParams(needs_layout_passes=False),
    )
    def prop_kernel(q_hbm, src_hbm, dst_hbm, out_hbm, *scr):
        sidx_all = scr[0]
        didx_all = scr[1]
        rows = scr[2:2 + NB]
        acc = scr[2 + NB]
        gsem = scr[3 + NB:3 + 2 * NB]
        ssem = scr[3 + 2 * NB:3 + 3 * NB]

        c = lax.axis_index("c")
        s = lax.axis_index("s")
        w = s * NC + c
        z16 = jnp.zeros((LANES,), F32)

        pltpu.async_copy(src_hbm.at[pl.ds(w * epw, epw)], sidx_all, ssem[0])
        pltpu.async_copy(dst_hbm.at[pl.ds(w * epw, epw)], didx_all, ssem[0])

        def zb(i, carry):
            for j in range(d // LANES):
                rows[0][i, pl.ds(j * LANES, LANES)] = z16
            return carry

        lax.fori_loop(0, K, zb, 0)
        r0 = s * RPT
        nz = jnp.where(s == NS - 1, RPT_LAST // ZR, RPT // ZR)

        def zcopy(t, carry):
            pltpu.async_copy(rows[0].at[pl.ds(0, ZR)],
                             acc.at[pl.ds(r0 + t * ZR, ZR)], gsem[0])
            return carry

        lax.fori_loop(0, nz, zcopy, 0)

        def zdrain(t, carry):
            pltpu.make_async_copy(rows[0].at[pl.ds(0, ZR)],
                                  acc.at[pl.ds(r0, ZR)], gsem[0]).wait()
            return carry

        lax.fori_loop(0, nz, zdrain, 0)
        pltpu.make_async_copy(src_hbm.at[pl.ds(w * epw, epw)], sidx_all,
                              ssem[0]).wait()
        pltpu.make_async_copy(dst_hbm.at[pl.ds(w * epw, epw)], didx_all,
                              ssem[0]).wait()
        plsc.subcore_barrier()

        def start_gather(ch, b):
            pltpu.async_copy(q_hbm.at[sidx_all.at[pl.ds(ch * K, K)]],
                             rows[b], gsem[b])

        def wait_gather_start_scatter(ch, b):
            pltpu.make_async_copy(q_hbm.at[sidx_all.at[pl.ds(ch * K, K)]],
                                  rows[b], gsem[b]).wait()
            pltpu.async_copy(rows[b], acc.at[didx_all.at[pl.ds(ch * K, K)]],
                             ssem[b], add=True)

        def wait_scatter(ch, b):
            pltpu.make_async_copy(rows[b],
                                  acc.at[didx_all.at[pl.ds(ch * K, K)]],
                                  ssem[b]).wait()

        def group(g, carry):
            for b in range(NB):
                @pl.when(g > 0)
                def _():
                    wait_scatter(0, b)
                start_gather(g * NB + b, b)
            for b in range(NB):
                wait_gather_start_scatter(g * NB + b, b)
            return carry

        lax.fori_loop(0, ngroups, group, 0)

        for b in range(tail):
            wait_scatter(0, b)
            start_gather(ngroups * NB + b, b)
        for b in range(tail):
            wait_gather_start_scatter(ngroups * NB + b, b)
        for b in range(NB):
            wait_scatter(0, b)

        plsc.subcore_barrier()

        @pl.when(s < NS - 1)
        def _():
            pltpu.sync_copy(acc.at[pl.ds(r0, RPT)],
                            out_hbm.at[c, pl.ds(r0, RPT)])

        @pl.when(s == NS - 1)
        def _():
            pltpu.sync_copy(acc.at[pl.ds(r0, RPT_LAST)],
                            out_hbm.at[c, pl.ds(r0, RPT_LAST)])

    return prop_kernel(q, src, dst)



def _tc_prep(deg_parts, x, w0, w1):
    n, d = x.shape
    nb = n // BM

    def body(degp_ref, x_ref, w0_ref, w1_ref, dis_ref, a_ref, q_ref):
        deg = jnp.sum(degp_ref[...], axis=1)
        dis = jnp.where(deg > 0, 1.0 / jnp.sqrt(jnp.maximum(deg, 1e-12)), 0.0)
        dis_ref[...] = dis[:, None]
        xb = x_ref[...]
        a_ref[...] = jnp.dot(xb, w0_ref[...], preferred_element_type=F32)
        q_ref[...] = jnp.dot(xb * dis[:, None], w1_ref[...],
                             preferred_element_type=F32)

    return pl.pallas_call(
        body,
        grid=(nb,),
        in_specs=[
            pl.BlockSpec((BM, NW), lambda i: (i, 0)),
            pl.BlockSpec((BM, d), lambda i: (i, 0)),
            pl.BlockSpec(w0.shape, lambda i: (0, 0)),
            pl.BlockSpec(w1.shape, lambda i: (0, 0)),
        ],
        out_specs=[
            pl.BlockSpec((BM, 1), lambda i: (i, 0)),
            pl.BlockSpec((BM, w0.shape[1]), lambda i: (i, 0)),
            pl.BlockSpec((BM, w1.shape[1]), lambda i: (i, 0)),
        ],
        out_shape=[
            jax.ShapeDtypeStruct((n, 1), F32),
            jax.ShapeDtypeStruct((n, w0.shape[1]), F32),
            jax.ShapeDtypeStruct((n, w1.shape[1]), F32),
        ],
    )(deg_parts, x, w0, w1)


def _bn_from_stats(ps_ref, z, gamma, beta, n):
    m = ps_ref[0, :] / n
    v = jnp.maximum(ps_ref[1, :] / n - m * m, 0.0)
    inv = 1.0 / jnp.sqrt(v + 1e-5)
    return (z - m[None, :]) * inv[None, :] * gamma + beta


def _acc_stats(ps_ref, z, first):
    p = jnp.stack([jnp.sum(z, axis=0), jnp.sum(z * z, axis=0)])

    @pl.when(first)
    def _():
        ps_ref[...] = p

    @pl.when(jnp.logical_not(first))
    def _():
        ps_ref[...] = ps_ref[...] + p


def _tc_mid(a, r, dis, gamma, beta, w0n, w1n):
    n, d = a.shape
    nb = n // BM

    def body(a_ref, r_ref, dis_ref, g_ref, b_ref, w0_ref, w1_ref,
             a2_ref, q2_ref, z_scr, ps_scr):
        i = pl.program_id(0)

        @pl.when(i < nb)
        def _():
            z = a_ref[...] - dis_ref[...] * (r_ref[0] + r_ref[1])
            z_scr[pl.ds(lax.rem(i, nb) * BM, BM), :] = z
            _acc_stats(ps_scr, z, i == 0)

        @pl.when(i >= nb)
        def _():
            j = lax.rem(i, nb)
            z = z_scr[pl.ds(j * BM, BM), :]
            h = jnp.maximum(
                _bn_from_stats(ps_scr, z, g_ref[...], b_ref[...], n), 0.0)
            a2_ref[...] = jnp.dot(h, w0_ref[...], preferred_element_type=F32)
            q2_ref[...] = jnp.dot(h * dis_ref[...], w1_ref[...],
                                  preferred_element_type=F32)

    ph = lambda i: (lax.rem(i, nb), 0)
    ph0 = lambda i: (jnp.where(i < nb, i, 0), 0)

    return pl.pallas_call(
        body,
        grid=(2 * nb,),
        in_specs=[
            pl.BlockSpec((BM, d), ph0),
            pl.BlockSpec((NC, BM, d), lambda i: (0, jnp.where(i < nb, i, 0), 0)),
            pl.BlockSpec((BM, 1), ph),
            pl.BlockSpec(gamma.shape, lambda i: (0, 0)),
            pl.BlockSpec(beta.shape, lambda i: (0, 0)),
            pl.BlockSpec(w0n.shape, lambda i: (0, 0)),
            pl.BlockSpec(w1n.shape, lambda i: (0, 0)),
        ],
        out_specs=[
            pl.BlockSpec((BM, w0n.shape[1]), lambda i: (jnp.maximum(i - nb, 0), 0)),
            pl.BlockSpec((BM, w1n.shape[1]), lambda i: (jnp.maximum(i - nb, 0), 0)),
        ],
        out_shape=[
            jax.ShapeDtypeStruct((n, w0n.shape[1]), F32),
            jax.ShapeDtypeStruct((n, w1n.shape[1]), F32),
        ],
        scratch_shapes=[pltpu.VMEM((n, d), F32), pltpu.VMEM((2, d), F32)],
    )(a, r, dis, gamma, beta, w0n, w1n)


def _tc_final(a, r, dis, gamma2, beta2, wf1, gamma3, beta3, wf2, bf2):
    n, d = a.shape
    dm = wf1.shape[1]
    do = wf2.shape[1]
    nb = n // BM

    def body(a_ref, r_ref, dis_ref, g2_ref, b2_ref, w1_ref, g3_ref, b3_ref,
             w2_ref, bf_ref, out_ref, mean_ref, z_scr, g_scr, ps2, ps3, hs):
        i = pl.program_id(0)
        j = lax.rem(i, nb)

        @pl.when(i < nb)
        def _():
            z = a_ref[...] - dis_ref[...] * (r_ref[0] + r_ref[1])
            z_scr[pl.ds(j * BM, BM), :] = z
            _acc_stats(ps2, z, i == 0)

        @pl.when(jnp.logical_and(i >= nb, i < 2 * nb))
        def _():
            z = z_scr[pl.ds(j * BM, BM), :]
            h2 = jnp.maximum(
                _bn_from_stats(ps2, z, g2_ref[...], b2_ref[...], n), 0.0)
            gm = jnp.dot(h2, w1_ref[...], preferred_element_type=F32)
            g_scr[pl.ds(j * BM, BM), :] = gm
            _acc_stats(ps3, gm, i == nb)

        @pl.when(i >= 2 * nb)
        def _():
            gm = g_scr[pl.ds(j * BM, BM), :]
            h3 = jnp.maximum(
                _bn_from_stats(ps3, gm, g3_ref[...], b3_ref[...], n), 0.0)
            out_ref[...] = jnp.dot(h3, w2_ref[...],
                                   preferred_element_type=F32) + bf_ref[...]
            bsum = jnp.sum(h3, axis=0)[None]

            @pl.when(i == 2 * nb)
            def _():
                hs[...] = bsum

            @pl.when(i > 2 * nb)
            def _():
                hs[...] = hs[...] + bsum

            @pl.when(i == 3 * nb - 1)
            def _():
                mean_ref[...] = jnp.dot(hs[...] / n, w2_ref[...],
                                        preferred_element_type=F32) + bf_ref[...]

    ph0 = lambda i: (jnp.where(i < nb, i, 0), 0)

    return pl.pallas_call(
        body,
        grid=(3 * nb,),
        in_specs=[
            pl.BlockSpec((BM, d), ph0),
            pl.BlockSpec((NC, BM, d), lambda i: (0, jnp.where(i < nb, i, 0), 0)),
            pl.BlockSpec((BM, 1), ph0),
            pl.BlockSpec(gamma2.shape, lambda i: (0, 0)),
            pl.BlockSpec(beta2.shape, lambda i: (0, 0)),
            pl.BlockSpec(wf1.shape, lambda i: (0, 0)),
            pl.BlockSpec(gamma3.shape, lambda i: (0, 0)),
            pl.BlockSpec(beta3.shape, lambda i: (0, 0)),
            pl.BlockSpec(wf2.shape, lambda i: (0, 0)),
            pl.BlockSpec(bf2.shape, lambda i: (0, 0)),
        ],
        out_specs=[
            pl.BlockSpec((BM, do), lambda i: (jnp.maximum(i - 2 * nb, 0), 0)),
            pl.BlockSpec((1, do), lambda i: (0, 0)),
        ],
        out_shape=[
            jax.ShapeDtypeStruct((n, do), F32),
            jax.ShapeDtypeStruct((1, do), F32),
        ],
        scratch_shapes=[pltpu.VMEM((n, d), F32), pltpu.VMEM((n, dm), F32),
                        pltpu.VMEM((2, d), F32), pltpu.VMEM((2, dm), F32),
                        pltpu.VMEM((1, dm), F32)],
    )(a, r, dis, gamma2, beta2, wf1, gamma3, beta3, wf2, bf2)



def kernel(x, edge_index, W1_0, W1_1, b1, gamma1, beta1, W2_0, W2_1, b2,
           gamma2, beta2, Wf1, bf1, gamma3, beta3, Wf2, bf2):
    n = x.shape[0]
    g1 = gamma1[None, :]
    bt1 = beta1[None, :]
    g2 = gamma2[None, :]
    bt2 = beta2[None, :]
    g3 = gamma3[None, :]
    bt3 = beta3[None, :]
    bf2r = bf2[None, :]

    src = edge_index[0]
    dst = edge_index[1]
    deg_parts = _sc_degree(src, n).T
    dis, a1, q1 = _tc_prep(deg_parts, x, W1_0, W1_1)
    r1 = _sc_propagate(q1, src, dst, n)
    a2, q2 = _tc_mid(a1, r1, dis, g1, bt1, W2_0, W2_1)
    r2 = _sc_propagate(q2, src, dst, n)
    out, x_mean = _tc_final(a2, r2, dis, g2, bt2, Wf1, g3, bt3, Wf2, bf2r)
    return (out, x_mean)

# --- scband reference (transcript-rebuilt; emitter-appended) ---
"""Pipeline reference for scband-graph-encoder-609885356345 (READ-ONLY COPY).

The authoritative reference and input builder live on the scoring server;
editing this copy changes nothing except your own understanding.
"""

import jax, jax.numpy as jnp
import numpy as np

N = 10000
E = 320000
D_IN = 128
D_OUT = 64

def _glorot(key, shape):
    fan_in = shape[0]
    return jax.random.normal(key, shape, dtype=jnp.float32) / np.sqrt(fan_in)

def setup_inputs(seed: int = 0):
    key = jax.random.key(seed)
    ks = jax.random.split(key, 12)
    inp = {}
    inp["x"] = jax.random.normal(ks[0], (N, D_IN), dtype=jnp.float32)
    inp["edge_index"] = jax.random.randint(ks[1], (2, E), 0, N, dtype=jnp.int32)
    inp["W1_0"] = _glorot(ks[2], (D_IN, 128))
    inp["W1_1"] = _glorot(ks[3], (D_IN, 128))
    inp["b1"] = jnp.zeros((128,), jnp.float32)
    inp["gamma1"] = jnp.ones((128,), jnp.float32)
    inp["beta1"] = jnp.zeros((128,), jnp.float32)
    inp["W2_0"] = _glorot(ks[4], (128, 128))
    inp["W2_1"] = _glorot(ks[5], (128, 128))
    inp["b2"] = jnp.zeros((128,), jnp.float32)
    inp["gamma2"] = jnp.ones((128,), jnp.float32)
    inp["beta2"] = jnp.zeros((128,), jnp.float32)
    inp["Wf1"] = _glorot(ks[6], (128, 64))
    inp["bf1"] = jnp.zeros((64,), jnp.float32)
    inp["gamma3"] = jnp.ones((64,), jnp.float32)
    inp["beta3"] = jnp.zeros((64,), jnp.float32)
    inp["Wf2"] = _glorot(ks[7], (64, D_OUT))
    inp["bf2"] = jnp.zeros((D_OUT,), jnp.float32)
    return inp

def _bn(x, g, b):
    m = jnp.mean(x, axis=0)
    v = jnp.mean((x - m) ** 2, axis=0)
    return (x - m) / jnp.sqrt(v + 1e-5) * g + b

def _cheb(x, src, dst, W0, W1, b):
    # PyG ChebConv K=2, sym normalization, lambda_max=2.0:
    # Tx_0 = x; Tx_1 = L_hat x = -D^{-1/2} A D^{-1/2} x (scaled Laplacian has zero diag)
    n = x.shape[0]
    deg = jnp.zeros((n,), x.dtype).at[src].add(1.0)
    dis = jnp.where(deg > 0, 1.0 / jnp.sqrt(jnp.maximum(deg, 1e-12)), 0.0)
    norm = -(dis[src] * dis[dst])
    Tx1 = jnp.zeros_like(x).at[dst].add(norm[:, None] * x[src])
    return x @ W0 + Tx1 @ W1 + b

def reference(x, edge_index, W1_0, W1_1, b1, gamma1, beta1, W2_0, W2_1, b2, gamma2, beta2, Wf1, bf1, gamma3, beta3, Wf2, bf2):
    src = edge_index[0]
    dst = edge_index[1]
    h = _cheb(x, src, dst, W1_0, W1_1, b1)
    h = jax.nn.relu(_bn(h, gamma1, beta1))
    h = _cheb(h, src, dst, W2_0, W2_1, b2)
    h = jax.nn.relu(_bn(h, gamma2, beta2))
    h = h @ Wf1 + bf1
    h = jax.nn.relu(_bn(h, gamma3, beta3))
    # dropout is identity in eval mode
    out = h @ Wf2 + bf2
    # global_mean_pool with batch=None -> single graph mean over all nodes
    x_mean = jnp.mean(out, axis=0, keepdims=True)
    return (out, x_mean)

if __name__ == "__main__":
    import jax
    _d = setup_inputs()
    print(jax.jit(kernel)(*tuple(_d.values())))

</pallas_src>

<mosaic_0001>
#map = affine_map<(d0, d1) -> (0)>
#map1 = affine_map<(d0, d1) -> (0, 0)>
module attributes {stable_mosaic.version = 14 : i64} {
  func.func @deg_kernel(%arg0: i32, %arg1: i32, %arg2: memref<320000xi32, #tpu.memory_space<hbm>>, %arg3: memref<32x10000xf32, #tpu.memory_space<hbm>>, %arg4: memref<10000xi32, #tpu.memory_space<vmem>>, %arg5: memref<10000xf32, #tpu.memory_space<vmem>>) attributes {dimension_semantics = [#tpu.dimension_semantics<core_parallel>, #tpu.dimension_semantics<subcore_parallel>], iteration_bounds = array<i64: 2, 16>, scalar_prefetch = 0 : i64, scratch_operands = 2 : i64, tpu.core_type = #tpu.core_type<sc_vector_subcore>, window_params = [{transform_indices = #map}, {transform_indices = #map1}]} {
    %mul3A = arith.constant 2 : i32
    %mul3A_0 = arith.muli %arg1, %mul3A : i32
    %add3A = arith.addi %mul3A_0, %arg0 : i32
    %mul3A_1 = arith.constant 10000 : i32
    %mul3A_2 = arith.muli %add3A, %mul3A_1 : i32
    "tpu.region"() ({
      %run_scoped3A = tpu.sem_alloc : memref<!tpu.dma_semaphore, #tpu.memory_space<semaphore_mem>>
      %dma_start3A = tpu.memref_slice %arg2[%mul3A_2] : memref<320000xi32, #tpu.memory_space<hbm>> -> memref<10000xi32, #tpu.memory_space<hbm>>
      %dma_start3A_17 = tpu.memref_slice %arg2[%mul3A_2] : memref<320000xi32, #tpu.memory_space<hbm>> -> memref<10000xi32, #tpu.memory_space<hbm>>
      tpu.enqueue_dma source(%dma_start3A_17 : memref<10000xi32, #tpu.memory_space<hbm>>) target(%arg4 : memref<10000xi32, #tpu.memory_space<vmem>>) target_semaphore(%run_scoped3A : memref<!tpu.dma_semaphore, #tpu.memory_space<semaphore_mem>>)
      %dma_wait3A = tpu.memref_slice %arg2[%mul3A_2] : memref<320000xi32, #tpu.memory_space<hbm>> -> memref<10000xi32, #tpu.memory_space<hbm>>
      %dma_wait3A_18 = tpu.memref_slice %arg2[%mul3A_2] : memref<320000xi32, #tpu.memory_space<hbm>> -> memref<10000xi32, #tpu.memory_space<hbm>>
      tpu.wait_dma2 semaphore(%run_scoped3A : memref<!tpu.dma_semaphore, #tpu.memory_space<semaphore_mem>>) src(%dma_wait3A_18 : memref<10000xi32, #tpu.memory_space<hbm>>) dst(%arg4 : memref<10000xi32, #tpu.memory_space<vmem>>)
      tpu.yield
    }) : () -> ()
    %broadcast_in_dim3A = arith.constant 0.000000e+00 : f32
    %broadcast_in_dim3A_3 = vector.broadcast %broadcast_in_dim3A : f32 to vector<16xf32>
    %broadcast_in_dim3A_4 = arith.constant 1.000000e+00 : f32
    %broadcast_in_dim3A_5 = vector.broadcast %broadcast_in_dim3A_4 : f32 to vector<16xf32>
    %scan3A = arith.constant 0 : i32
    %scan3A_6 = arith.constant 0 : i32
    %scan3A_7 = arith.constant 125 : i32
    %scan3A_8 = arith.addi %scan3A_6, %scan3A_7 : i32
    %scan3A_9 = arith.constant 1 : i32
    scf.for %scan3A_17 = %scan3A_6 to %scan3A_8 step %scan3A_9  : i32 {
      %mul3A_18 = arith.constant 5 : i32
      %mul3A_19 = arith.muli %scan3A_17, %mul3A_18 : i32
      %add3A_20 = arith.constant 0 : i32
      %add3A_21 = arith.addi %mul3A_19, %add3A_20 : i32
      %mul3A_22 = arith.constant 16 : i32
      %mul3A_23 = arith.muli %add3A_21, %mul3A_22 : i32
      %swap3A = arith.index_cast %mul3A_23 : i32 to index
      %swap3A_24 = tpu.vector_load %arg5[%swap3A] {strides = array<i32>} : memref<10000xf32, #tpu.memory_space<vmem>>, vector<16xf32>,
      tpu.vector_store %arg5[%swap3A], %broadcast_in_dim3A_3 {strides = array<i32>} : memref<10000xf32, #tpu.memory_space<vmem>>, vector<16xf32>,
      %mul3A_25 = arith.constant 5 : i32
      %mul3A_26 = arith.muli %scan3A_17, %mul3A_25 : i32
      %add3A_27 = arith.constant 1 : i32
      %add3A_28 = arith.addi %mul3A_26, %add3A_27 : i32
      %mul3A_29 = arith.constant 16 : i32
      %mul3A_30 = arith.muli %add3A_28, %mul3A_29 : i32
      %swap3A_31 = arith.index_cast %mul3A_30 : i32 to index
      %swap3A_32 = tpu.vector_load %arg5[%swap3A_31] {strides = array<i32>} : memref<10000xf32, #tpu.memory_space<vmem>>, vector<16xf32>,
      tpu.vector_store %arg5[%swap3A_31], %broadcast_in_dim3A_3 {strides = array<i32>} : memref<10000xf32, #tpu.memory_space<vmem>>, vector<16xf32>,
      %mul3A_33 = arith.constant 5 : i32
      %mul3A_34 = arith.muli %scan3A_17, %mul3A_33 : i32
      %add3A_35 = arith.constant 2 : i32
      %add3A_36 = arith.addi %mul3A_34, %add3A_35 : i32
      %mul3A_37 = arith.constant 16 : i32
      %mul3A_38 = arith.muli %add3A_36, %mul3A_37 : i32
      %swap3A_39 = arith.index_cast %mul3A_38 : i32 to index
      %swap3A_40 = tpu.vector_load %arg5[%swap3A_39] {strides = array<i32>} : memref<10000xf32, #tpu.memory_space<vmem>>, vector<16xf32>,
      tpu.vector_store %arg5[%swap3A_39], %broadcast_in_dim3A_3 {strides = array<i32>} : memref<10000xf32, #tpu.memory_space<vmem>>, vector<16xf32>,
      %mul3A_41 = arith.constant 5 : i32
      %mul3A_42 = arith.muli %scan3A_17, %mul3A_41 : i32
      %add3A_43 = arith.constant 3 : i32
      %add3A_44 = arith.addi %mul3A_42, %add3A_43 : i32
      %mul3A_45 = arith.constant 16 : i32
      %mul3A_46 = arith.muli %add3A_44, %mul3A_45 : i32
      %swap3A_47 = arith.index_cast %mul3A_46 : i32 to index
      %swap3A_48 = tpu.vector_load %arg5[%swap3A_47] {strides = array<i32>} : memref<10000xf32, #tpu.memory_space<vmem>>, vector<16xf32>,
      tpu.vector_store %arg5[%swap3A_47], %broadcast_in_dim3A_3 {strides = array<i32>} : memref<10000xf32, #tpu.memory_space<vmem>>, vector<16xf32>,
      %mul3A_49 = arith.constant 5 : i32
      %mul3A_50 = arith.muli %scan3A_17, %mul3A_49 : i32
      %add3A_51 = arith.constant 4 : i32
      %add3A_52 = arith.addi %mul3A_50, %add3A_51 : i32
      %mul3A_53 = arith.constant 16 : i32
      %mul3A_54 = arith.muli %add3A_52, %mul3A_53 : i32
      %swap3A_55 = arith.index_cast %mul3A_54 : i32 to index
      %swap3A_56 = tpu.vector_load %arg5[%swap3A_55] {strides = array<i32>} : memref<10000xf32, #tpu.memory_space<vmem>>, vector<16xf32>,
      tpu.vector_store %arg5[%swap3A_55], %broadcast_in_dim3A_3 {strides = array<i32>} : memref<10000xf32, #tpu.memory_space<vmem>>, vector<16xf32>,
    }
    %scan3A_10 = arith.constant 125 : i32
    %scan3A_11 = arith.constant 0 : i32
    %scan3A_12 = arith.constant 0 : i32
    %scan3A_13 = arith.constant 125 : i32
    %scan3A_14 = arith.addi %scan3A_12, %scan3A_13 : i32
    %scan3A_15 = arith.constant 1 : i32
    scf.for %scan3A_17 = %scan3A_12 to %scan3A_14 step %scan3A_15  : i32 {
      %mul3A_18 = arith.constant 5 : i32
      %mul3A_19 = arith.muli %scan3A_17, %mul3A_18 : i32
      %add3A_20 = arith.constant 0 : i32
      %add3A_21 = arith.addi %mul3A_19, %add3A_20 : i32
      %mul3A_22 = arith.constant 16 : i32
      %mul3A_23 = arith.muli %add3A_21, %mul3A_22 : i32
      %get3A = arith.index_cast %mul3A_23 : i32 to index
      %get3A_24 = tpu.vector_load %arg4[%get3A] {strides = array<i32>} : memref<10000xi32, #tpu.memory_space<vmem>>, vector<16xi32>,
      tpu.vector_store_idx %arg5[%get3A_24], %broadcast_in_dim3A_5 {add = true} : memref<10000xf32, #tpu.memory_space<vmem>>[vector<16xi32>], vector<16xf32>,
      %mul3A_25 = arith.constant 5 : i32
      %mul3A_26 = arith.muli %scan3A_17, %mul3A_25 : i32
      %add3A_27 = arith.constant 1 : i32
      %add3A_28 = arith.addi %mul3A_26, %add3A_27 : i32
      %mul3A_29 = arith.constant 16 : i32
      %mul3A_30 = arith.muli %add3A_28, %mul3A_29 : i32
      %get3A_31 = arith.index_cast %mul3A_30 : i32 to index
      %get3A_32 = tpu.vector_load %arg4[%get3A_31] {strides = array<i32>} : memref<10000xi32, #tpu.memory_space<vmem>>, vector<16xi32>,
      tpu.vector_store_idx %arg5[%get3A_32], %broadcast_in_dim3A_5 {add = true} : memref<10000xf32, #tpu.memory_space<vmem>>[vector<16xi32>], vector<16xf32>,
      %mul3A_33 = arith.constant 5 : i32
      %mul3A_34 = arith.muli %scan3A_17, %mul3A_33 : i32
      %add3A_35 = arith.constant 2 : i32
      %add3A_36 = arith.addi %mul3A_34, %add3A_35 : i32
      %mul3A_37 = arith.constant 16 : i32
      %mul3A_38 = arith.muli %add3A_36, %mul3A_37 : i32
      %get3A_39 = arith.index_cast %mul3A_38 : i32 to index
      %get3A_40 = tpu.vector_load %arg4[%get3A_39] {strides = array<i32>} : memref<10000xi32, #tpu.memory_space<vmem>>, vector<16xi32>,
      tpu.vector_store_idx %arg5[%get3A_40], %broadcast_in_dim3A_5 {add = true} : memref<10000xf32, #tpu.memory_space<vmem>>[vector<16xi32>], vector<16xf32>,
      %mul3A_41 = arith.constant 5 : i32
      %mul3A_42 = arith.muli %scan3A_17, %mul3A_41 : i32
      %add3A_43 = arith.constant 3 : i32
      %add3A_44 = arith.addi %mul3A_42, %add3A_43 : i32
      %mul3A_45 = arith.constant 16 : i32
      %mul3A_46 = arith.muli %add3A_44, %mul3A_45 : i32
      %get3A_47 = arith.index_cast %mul3A_46 : i32 to index
      %get3A_48 = tpu.vector_load %arg4[%get3A_47] {strides = array<i32>} : memref<10000xi32, #tpu.memory_space<vmem>>, vector<16xi32>,
      tpu.vector_store_idx %arg5[%get3A_48], %broadcast_in_dim3A_5 {add = true} : memref<10000xf32, #tpu.memory_space<vmem>>[vector<16xi32>], vector<16xf32>,
      %mul3A_49 = arith.constant 5 : i32
      %mul3A_50 = arith.muli %scan3A_17, %mul3A_49 : i32
      %add3A_51 = arith.constant 4 : i32
      %add3A_52 = arith.addi %mul3A_50, %add3A_51 : i32
      %mul3A_53 = arith.constant 16 : i32
      %mul3A_54 = arith.muli %add3A_52, %mul3A_53 : i32
      %get3A_55 = arith.index_cast %mul3A_54 : i32 to index
      %get3A_56 = tpu.vector_load %arg4[%get3A_55] {strides = array<i32>} : memref<10000xi32, #tpu.memory_space<vmem>>, vector<16xi32>,
      tpu.vector_store_idx %arg5[%get3A_56], %broadcast_in_dim3A_5 {add = true} : memref<10000xf32, #tpu.memory_space<vmem>>[vector<16xi32>], vector<16xf32>,
    }
    %scan3A_16 = arith.constant 125 : i32
    "tpu.region"() ({
      %run_scoped3A = tpu.sem_alloc : memref<!tpu.dma_semaphore, #tpu.memory_space<semaphore_mem>>
      %dma_start3A = arith.constant 0 : i32
      %dma_start3A_17 = tpu.memref_slice %arg3[%add3A, %dma_start3A] : memref<32x10000xf32, #tpu.memory_space<hbm>> -> memref<1x10000xf32, #tpu.memory_space<hbm>>
      %dma_start3A_18 = tpu.memref_squeeze %dma_start3A_17 : memref<1x10000xf32, #tpu.memory_space<hbm>> -> memref<10000xf32, #tpu.memory_space<hbm>>
      %dma_start3A_19 = arith.constant 0 : i32
      %dma_start3A_20 = tpu.memref_slice %arg3[%add3A, %dma_start3A_19] : memref<32x10000xf32, #tpu.memory_space<hbm>> -> memref<1x10000xf32, #tpu.memory_space<hbm>>
      %dma_start3A_21 = tpu.memref_squeeze %dma_start3A_20 : memref<1x10000xf32, #tpu.memory_space<hbm>> -> memref<10000xf32, #tpu.memory_space<hbm>>
      tpu.enqueue_dma source(%arg5 : memref<10000xf32, #tpu.memory_space<vmem>>) target(%dma_start3A_21 : memref<10000xf32, #tpu.memory_space<hbm>>) target_semaphore(%run_scoped3A : memref<!tpu.dma_semaphore, #tpu.memory_space<semaphore_mem>>)
      %dma_wait3A = arith.constant 0 : i32
      %dma_wait3A_22 = tpu.memref_slice %arg3[%add3A, %dma_wait3A] : memref<32x10000xf32, #tpu.memory_space<hbm>> -> memref<1x10000xf32, #tpu.memory_space<hbm>>
      %dma_wait3A_23 = tpu.memref_squeeze %dma_wait3A_22 : memref<1x10000xf32, #tpu.memory_space<hbm>> -> memref<10000xf32, #tpu.memory_space<hbm>>
      %dma_wait3A_24 = arith.constant 0 : i32
      %dma_wait3A_25 = tpu.memref_slice %arg3[%add3A, %dma_wait3A_24] : memref<32x10000xf32, #tpu.memory_space<hbm>> -> memref<1x10000xf32, #tpu.memory_space<hbm>>
      %dma_wait3A_26 = tpu.memref_squeeze %dma_wait3A_25 : memref<1x10000xf32, #tpu.memory_space<hbm>> -> memref<10000xf32, #tpu.memory_space<hbm>>
      tpu.wait_dma2 semaphore(%run_scoped3A : memref<!tpu.dma_semaphore, #tpu.memory_space<semaphore_mem>>) src(%arg5 : memref<10000xf32, #tpu.memory_space<vmem>>) dst(%dma_wait3A_26 : memref<10000xf32, #tpu.memory_space<hbm>>)
      tpu.yield
    }) : () -> ()
    return
  }
}

#map = affine_map<(d0, d1) -> (0, 0)>
#map1 = affine_map<(d0, d1) -> (0)>
#map2 = affine_map<(d0, d1) -> (0, 0, 0)>
module attributes {stable_mosaic.version = 14 : i64} {
  func.func @prop_kernel(%arg0: i32, %arg1: i32, %arg2: memref<10000x128xf32, #tpu.memory_space<hbm>>, %arg3: memref<320000xi32, #tpu.memory_space<hbm>>, %arg4: memref<320000xi32, #tpu.memory_space<hbm>>, %arg5: memref<2x10000x128xf32, #tpu.memory_space<hbm>>, %arg6: memref<10000xi32, #tpu.memory_space<vmem>>, %arg7: memref<10000xi32, #tpu.memory_space<vmem>>, %arg8: memref<40x128xf32, #tpu.memory_space<vmem>>, %arg9: memref<40x128xf32, #tpu.memory_space<vmem>>, %arg10: memref<40x128xf32, #tpu.memory_space<vmem>>, %arg11: memref<40x128xf32, #tpu.memory_space<vmem>>, %arg12: memref<40x128xf32, #tpu.memory_space<vmem>>, %arg13: memref<40x128xf32, #tpu.memory_space<vmem>>, %arg14: memref<10000x128xf32, #tpu.memory_space<vmem_shared>>, %arg15: memref<!tpu.dma_semaphore, #tpu.memory_space<semaphore_mem>>, %arg16: memref<!tpu.dma_semaphore, #tpu.memory_space<semaphore_mem>>, %arg17: memref<!tpu.dma_semaphore, #tpu.memory_space<semaphore_mem>>, %arg18: memref<!tpu.dma_semaphore, #tpu.memory_space<semaphore_mem>>, %arg19: memref<!tpu.dma_semaphore, #tpu.memory_space<semaphore_mem>>, %arg20: memref<!tpu.dma_semaphore, #tpu.memory_space<semaphore_mem>>, %arg21: memref<!tpu.dma_semaphore, #tpu.memory_space<semaphore_mem>>, %arg22: memref<!tpu.dma_semaphore, #tpu.memory_space<semaphore_mem>>, %arg23: memref<!tpu.dma_semaphore, #tpu.memory_space<semaphore_mem>>, %arg24: memref<!tpu.dma_semaphore, #tpu.memory_space<semaphore_mem>>, %arg25: memref<!tpu.dma_semaphore, #tpu.memory_space<semaphore_mem>>, %arg26: memref<!tpu.dma_semaphore, #tpu.memory_space<semaphore_mem>>) attributes {dimension_semantics = [#tpu.dimension_semantics<core_parallel>, #tpu.dimension_semantics<subcore_parallel>], iteration_bounds = array<i64: 2, 16>, scalar_prefetch = 0 : i64, scratch_operands = 21 : i64, tpu.core_type = #tpu.core_type<sc_vector_subcore>, window_params = [{transform_indices = #map}, {transform_indices = #map1}, {transform_indices = #map1}, {transform_indices = #map2}]} {
    %mul3A = arith.constant 2 : i32
    %mul3A_0 = arith.muli %arg1, %mul3A : i32
    %add3A = arith.addi %mul3A_0, %arg0 : i32
    %broadcast_in_dim3A = arith.constant 0.000000e+00 : f32
    %broadcast_in_dim3A_1 = vector.broadcast %broadcast_in_dim3A : f32 to vector<16xf32>
    %mul3A_2 = arith.constant 10000 : i32
    %mul3A_3 = arith.muli %add3A, %mul3A_2 : i32
    %dma_start3A = tpu.memref_slice %arg3[%mul3A_3] : memref<320000xi32, #tpu.memory_space<hbm>> -> memref<10000xi32, #tpu.memory_space<hbm>>
    %dma_start3A_4 = tpu.memref_slice %arg3[%mul3A_3] : memref<320000xi32, #tpu.memory_space<hbm>> -> memref<10000xi32, #tpu.memory_space<hbm>>
    tpu.enqueue_dma source(%dma_start3A_4 : memref<10000xi32, #tpu.memory_space<hbm>>) target(%arg6 : memref<10000xi32, #tpu.memory_space<vmem>>) target_semaphore(%arg21 : memref<!tpu.dma_semaphore, #tpu.memory_space<semaphore_mem>>)
    %mul3A_5 = arith.constant 10000 : i32
    %mul3A_6 = arith.muli %add3A, %mul3A_5 : i32
    %dma_start3A_7 = tpu.memref_slice %arg4[%mul3A_6] : memref<320000xi32, #tpu.memory_space<hbm>> -> memref<10000xi32, #tpu.memory_space<hbm>>
    %dma_start3A_8 = tpu.memref_slice %arg4[%mul3A_6] : memref<320000xi32, #tpu.memory_space<hbm>> -> memref<10000xi32, #tpu.memory_space<hbm>>
    tpu.enqueue_dma source(%dma_start3A_8 : memref<10000xi32, #tpu.memory_space<hbm>>) target(%arg7 : memref<10000xi32, #tpu.memory_space<vmem>>) target_semaphore(%arg21 : memref<!tpu.dma_semaphore, #tpu.memory_space<semaphore_mem>>)
    %scan3A = arith.constant 0 : i32
    %scan3A_9 = arith.constant 0 : i32
    %scan3A_10 = arith.constant 40 : i32
    %scan3A_11 = arith.addi %scan3A_9, %scan3A_10 : i32
    %scan3A_12 = arith.constant 1 : i32
    scf.for %scan3A_168 = %scan3A_9 to %scan3A_11 step %scan3A_12  : i32 {
      %swap3A = arith.index_cast %scan3A_168 : i32 to index
      %swap3A_169 = arith.constant 0 : index
      %swap3A_170 = tpu.vector_load %arg8[%swap3A, %swap3A_169] {strides = array<i32>} : memref<40x128xf32, #tpu.memory_space<vmem>>, vector<16xf32>,
      tpu.vector_store %arg8[%swap3A, %swap3A_169], %broadcast_in_dim3A_1 {strides = array<i32>} : memref<40x128xf32, #tpu.memory_space<vmem>>, vector<16xf32>,
      %swap3A_171 = arith.index_cast %scan3A_168 : i32 to index
      %swap3A_172 = arith.constant 16 : index
      %swap3A_173 = tpu.vector_load %arg8[%swap3A_171, %swap3A_172] {strides = array<i32>} : memref<40x128xf32, #tpu.memory_space<vmem>>, vector<16xf32>,
      tpu.vector_store %arg8[%swap3A_171, %swap3A_172], %broadcast_in_dim3A_1 {strides = array<i32>} : memref<40x128xf32, #tpu.memory_space<vmem>>, vector<16xf32>,
      %swap3A_174 = arith.index_cast %scan3A_168 : i32 to index
      %swap3A_175 = arith.constant 32 : index
      %swap3A_176 = tpu.vector_load %arg8[%swap3A_174, %swap3A_175] {strides = array<i32>} : memref<40x128xf32, #tpu.memory_space<vmem>>, vector<16xf32>,
      tpu.vector_store %arg8[%swap3A_174, %swap3A_175], %broadcast_in_dim3A_1 {strides = array<i32>} : memref<40x128xf32, #tpu.memory_space<vmem>>, vector<16xf32>,
      %swap3A_177 = arith.index_cast %scan3A_168 : i32 to index
      %swap3A_178 = arith.constant 48 : index
      %swap3A_179 = tpu.vector_load %arg8[%swap3A_177, %swap3A_178] {strides = array<i32>} : memref<40x128xf32, #tpu.memory_space<vmem>>, vector<16xf32>,
      tpu.vector_store %arg8[%swap3A_177, %swap3A_178], %broadcast_in_dim3A_1 {strides = array<i32>} : memref<40x128xf32, #tpu.memory_space<vmem>>, vector<16xf32>,
      %swap3A_180 = arith.index_cast %scan3A_168 : i32 to index
      %swap3A_181 = arith.constant 64 : index
      %swap3A_182 = tpu.vector_load %arg8[%swap3A_180, %swap3A_181] {strides = array<i32>} : memref<40x128xf32, #tpu.memory_space<vmem>>, vector<16xf32>,
      tpu.vector_store %arg8[%swap3A_180, %swap3A_181], %broadcast_in_dim3A_1 {strides = array<i32>} : memref<40x128xf32, #tpu.memory_space<vmem>>, vector<16xf32>,
      %swap3A_183 = arith.index_cast %scan3A_168 : i32 to index
      %swap3A_184 = arith.constant 80 : index
      %swap3A_185 = tpu.vector_load %arg8[%swap3A_183, %swap3A_184] {strides = array<i32>} : memref<40x128xf32, #tpu.memory_space<vmem>>, vector<16xf32>,
      tpu.vector_store %arg8[%swap3A_183, %swap3A_184], %broadcast_in_dim3A_1 {strides = array<i32>} : memref<40x128xf32, #tpu.memory_space<vmem>>, vector<16xf32>,
      %swap3A_186 = arith.index_cast %scan3A_168 : i32 to index
      %swap3A_187 = arith.constant 96 : index
      %swap3A_188 = tpu.vector_load %arg8[%swap3A_186, %swap3A_187] {strides = array<i32>} : memref<40x128xf32, #tpu.memory_space<vmem>>, vector<16xf32>,
      tpu.vector_store %arg8[%swap3A_186, %swap3A_187], %broadcast_in_dim3A_1 {strides = array<i32>} : memref<40x128xf32, #tpu.memory_space<vmem>>, vector<16xf32>,
      %swap3A_189 = arith.index_cast %scan3A_168 : i32 to index
      %swap3A_190 = arith.constant 112 : index
      %swap3A_191 = tpu.vector_load %arg8[%swap3A_189, %swap3A_190] {strides = array<i32>} : memref<40x128xf32, #tpu.memory_space<vmem>>, vector<16xf32>,
      tpu.vector_store %arg8[%swap3A_189, %swap3A_190], %broadcast_in_dim3A_1 {strides = array<i32>} : memref<40x128xf32, #tpu.memory_space<vmem>>, vector<16xf32>,
    }
    %scan3A_13 = arith.constant 40 : i32
    %mul3A_14 = arith.constant 624 : i32
    %mul3A_15 = arith.muli %arg1, %mul3A_14 : i32
    %eq3A = arith.constant 15 : i32
    %eq3A_16 = arith.cmpi eq, %arg1, %eq3A : i32
    %jit3A = arith.constant 80 : i32
    %jit3A_17 = arith.constant 78 : i32
    %select_n3A = arith.select %eq3A_16, %jit3A, %jit3A_17 : i32
    %while3A = arith.constant 0 : i32
    %while3A_18 = arith.constant 0 : i32
    %while3A_19 = arith.subi %select_n3A, %while3A_18 : i32
    %while3A_20 = arith.addi %while3A_18, %while3A_19 : i32
    %while3A_21 = arith.constant 1 : i32
    %while3A_22 = arith.divsi %while3A_19, %while3A_21 : i32
    %while3A_23 = arith.muli %while3A_22, %while3A_21 : i32
    %while3A_24 = arith.addi %while3A_18, %while3A_23 : i32
    %while3A_25 = arith.constant 1 : i32
    scf.for %while3A_168 = %while3A_18 to %while3A_24 step %while3A_25  : i32 {
      %mul3A_169 = arith.constant 8 : i32
      %mul3A_170 = arith.muli %while3A_168, %mul3A_169 : i32
      %add3A_171 = arith.addi %mul3A_15, %mul3A_170 : i32
      %dma_start3A_172 = arith.constant 0 : i32
      %dma_start3A_173 = arith.constant 0 : i32
      %dma_start3A_174 = tpu.memref_slice %arg8[%dma_start3A_172, %dma_start3A_173] : memref<40x128xf32, #tpu.memory_space<vmem>> -> memref<8x128xf32, #tpu.memory_space<vmem>>
      %dma_start3A_175 = arith.constant 0 : i32
      %dma_start3A_176 = tpu.memref_slice %arg14[%add3A_171, %dma_start3A_175] : memref<10000x128xf32, #tpu.memory_space<vmem_shared>> -> memref<8x128xf32, #tpu.memory_space<vmem_shared>>
      %dma_start3A_177 = arith.constant 0 : i32
      %dma_start3A_178 = tpu.memref_slice %arg14[%add3A_171, %dma_start3A_177] : memref<10000x128xf32, #tpu.memory_space<vmem_shared>> -> memref<8x128xf32, #tpu.memory_space<vmem_shared>>
      %dma_start3A_179 = arith.constant 0 : i32
      %dma_start3A_180 = arith.constant 0 : i32
      %dma_start3A_181 = tpu.memref_slice %arg8[%dma_start3A_179, %dma_start3A_180] : memref<40x128xf32, #tpu.memory_space<vmem>> -> memref<8x128xf32, #tpu.memory_space<vmem>>
      tpu.enqueue_dma source(%dma_start3A_181 : memref<8x128xf32, #tpu.memory_space<vmem>>) target(%dma_start3A_178 : memref<8x128xf32, #tpu.memory_space<vmem_shared>>) target_semaphore(%arg15 : memref<!tpu.dma_semaphore, #tpu.memory_space<semaphore_mem>>)
    }
    %while3A_26 = arith.constant 1 : i32
    scf.for %while3A_168 = %while3A_24 to %while3A_20 step %while3A_26  : i32 {
      %mul3A_169 = arith.constant 8 : i32
      %mul3A_170 = arith.muli %while3A_168, %mul3A_169 : i32
      %add3A_171 = arith.addi %mul3A_15, %mul3A_170 : i32
      %dma_start3A_172 = arith.constant 0 : i32
      %dma_start3A_173 = arith.constant 0 : i32
      %dma_start3A_174 = tpu.memref_slice %arg8[%dma_start3A_172, %dma_start3A_173] : memref<40x128xf32, #tpu.memory_space<vmem>> -> memref<8x128xf32, #tpu.memory_space<vmem>>
      %dma_start3A_175 = arith.constant 0 : i32
      %dma_start3A_176 = tpu.memref_slice %arg14[%add3A_171, %dma_start3A_175] : memref<10000x128xf32, #tpu.memory_space<vmem_shared>> -> memref<8x128xf32, #tpu.memory_space<vmem_shared>>
      %dma_start3A_177 = arith.constant 0 : i32
      %dma_start3A_178 = tpu.memref_slice %arg14[%add3A_171, %dma_start3A_177] : memref<10000x128xf32, #tpu.memory_space<vmem_shared>> -> memref<8x128xf32, #tpu.memory_space<vmem_shared>>
      %dma_start3A_179 = arith.constant 0 : i32
      %dma_start3A_180 = arith.constant 0 : i32
      %dma_start3A_181 = tpu.memref_slice %arg8[%dma_start3A_179, %dma_start3A_180] : memref<40x128xf32, #tpu.memory_space<vmem>> -> memref<8x128xf32, #tpu.memory_space<vmem>>
      tpu.enqueue_dma source(%dma_start3A_181 : memref<8x128xf32, #tpu.memory_space<vmem>>) target(%dma_start3A_178 : memref<8x128xf32, #tpu.memory_space<vmem_shared>>) target_semaphore(%arg15 : memref<!tpu.dma_semaphore, #tpu.memory_space<semaphore_mem>>)
    }
    %while3A_27 = arith.constant 0 : i32
    %while3A_28 = arith.constant 0 : i32
    %while3A_29 = arith.subi %select_n3A, %while3A_28 : i32
    %while3A_30 = arith.addi %while3A_28, %while3A_29 : i32
    %while3A_31 = arith.constant 1 : i32
    %while3A_32 = arith.divsi %while3A_29, %while3A_31 : i32
    %while3A_33 = arith.muli %while3A_32, %while3A_31 : i32
    %while3A_34 = arith.addi %while3A_28, %while3A_33 : i32
    %while3A_35 = arith.constant 1 : i32
    scf.for %while3A_168 = %while3A_28 to %while3A_34 step %while3A_35  : i32 {
      %dma_wait3A_169 = arith.constant 0 : i32
      %dma_wait3A_170 = arith.constant 0 : i32
      %dma_wait3A_171 = tpu.memref_slice %arg8[%dma_wait3A_169, %dma_wait3A_170] : memref<40x128xf32, #tpu.memory_space<vmem>> -> memref<8x128xf32, #tpu.memory_space<vmem>>
      %dma_wait3A_172 = arith.constant 0 : i32
      %dma_wait3A_173 = tpu.memref_slice %arg14[%mul3A_15, %dma_wait3A_172] : memref<10000x128xf32, #tpu.memory_space<vmem_shared>> -> memref<8x128xf32, #tpu.memory_space<vmem_shared>>
      %dma_wait3A_174 = arith.constant 0 : i32
      %dma_wait3A_175 = tpu.memref_slice %arg14[%mul3A_15, %dma_wait3A_174] : memref<10000x128xf32, #tpu.memory_space<vmem_shared>> -> memref<8x128xf32, #tpu.memory_space<vmem_shared>>
      %dma_wait3A_176 = arith.constant 0 : i32
      %dma_wait3A_177 = arith.constant 0 : i32
      %dma_wait3A_178 = tpu.memref_slice %arg8[%dma_wait3A_176, %dma_wait3A_177] : memref<40x128xf32, #tpu.memory_space<vmem>> -> memref<8x128xf32, #tpu.memory_space<vmem>>
      tpu.wait_dma2 semaphore(%arg15 : memref<!tpu.dma_semaphore, #tpu.memory_space<semaphore_mem>>) src(%dma_wait3A_178 : memref<8x128xf32, #tpu.memory_space<vmem>>) dst(%dma_wait3A_175 : memref<8x128xf32, #tpu.memory_space<vmem_shared>>)
    }
    %while3A_36 = arith.constant 1 : i32
    scf.for %while3A_168 = %while3A_34 to %while3A_30 step %while3A_36  : i32 {
      %dma_wait3A_169 = arith.constant 0 : i32
      %dma_wait3A_170 = arith.constant 0 : i32
      %dma_wait3A_171 = tpu.memref_slice %arg8[%dma_wait3A_169, %dma_wait3A_170] : memref<40x128xf32, #tpu.memory_space<vmem>> -> memref<8x128xf32, #tpu.memory_space<vmem>>
      %dma_wait3A_172 = arith.constant 0 : i32
      %dma_wait3A_173 = tpu.memref_slice %arg14[%mul3A_15, %dma_wait3A_172] : memref<10000x128xf32, #tpu.memory_space<vmem_shared>> -> memref<8x128xf32, #tpu.memory_space<vmem_shared>>
      %dma_wait3A_174 = arith.constant 0 : i32
      %dma_wait3A_175 = tpu.memref_slice %arg14[%mul3A_15, %dma_wait3A_174] : memref<10000x128xf32, #tpu.memory_space<vmem_shared>> -> memref<8x128xf32, #tpu.memory_space<vmem_shared>>
      %dma_wait3A_176 = arith.constant 0 : i32
      %dma_wait3A_177 = arith.constant 0 : i32
      %dma_wait3A_178 = tpu.memref_slice %arg8[%dma_wait3A_176, %dma_wait3A_177] : memref<40x128xf32, #tpu.memory_space<vmem>> -> memref<8x128xf32, #tpu.memory_space<vmem>>
      tpu.wait_dma2 semaphore(%arg15 : memref<!tpu.dma_semaphore, #tpu.memory_space<semaphore_mem>>) src(%dma_wait3A_178 : memref<8x128xf32, #tpu.memory_space<vmem>>) dst(%dma_wait3A_175 : memref<8x128xf32, #tpu.memory_space<vmem_shared>>)
    }
    %mul3A_37 = arith.constant 10000 : i32
    %mul3A_38 = arith.muli %add3A, %mul3A_37 : i32
    %dma_wait3A = tpu.memref_slice %arg3[%mul3A_38] : memref<320000xi32, #tpu.memory_space<hbm>> -> memref<10000xi32, #tpu.memory_space<hbm>>
    %dma_wait3A_39 = tpu.memref_slice %arg3[%mul3A_38] : memref<320000xi32, #tpu.memory_space<hbm>> -> memref<10000xi32, #tpu.memory_space<hbm>>
    tpu.wait_dma2 semaphore(%arg21 : memref<!tpu.dma_semaphore, #tpu.memory_space<semaphore_mem>>) src(%dma_wait3A_39 : memref<10000xi32, #tpu.memory_space<hbm>>) dst(%arg6 : memref<10000xi32, #tpu.memory_space<vmem>>)
    %mul3A_40 = arith.constant 10000 : i32
    %mul3A_41 = arith.muli %add3A, %mul3A_40 : i32
    %dma_wait3A_42 = tpu.memref_slice %arg4[%mul3A_41] : memref<320000xi32, #tpu.memory_space<hbm>> -> memref<10000xi32, #tpu.memory_space<hbm>>
    %dma_wait3A_43 = tpu.memref_slice %arg4[%mul3A_41] : memref<320000xi32, #tpu.memory_space<hbm>> -> memref<10000xi32, #tpu.memory_space<hbm>>
    tpu.wait_dma2 semaphore(%arg21 : memref<!tpu.dma_semaphore, #tpu.memory_space<semaphore_mem>>) src(%dma_wait3A_43 : memref<10000xi32, #tpu.memory_space<hbm>>) dst(%arg7 : memref<10000xi32, #tpu.memory_space<vmem>>)
    %barrier3A = arith.constant 0 : index
    tpu.barrier barrier_id(%barrier3A)
    %scan3A_44 = arith.constant 0 : i32
    %scan3A_45 = arith.constant 0 : i32
    %scan3A_46 = arith.constant 41 : i32
    %scan3A_47 = arith.addi %scan3A_45, %scan3A_46 : i32
    %scan3A_48 = arith.constant 1 : i32
    scf.for %scan3A_168 = %scan3A_45 to %scan3A_47 step %scan3A_48  : i32 {
      %gt3A = arith.constant 0 : i32
      %gt3A_169 = arith.cmpi sgt, %scan3A_168, %gt3A : i32
      %convert_element_type3A_170 = arith.extui %gt3A_169 : i1 to i32
      %cond3A_171 = arith.constant 0 : i32
      %cond3A_172 = arith.cmpi ne, %convert_element_type3A_170, %cond3A_171 : i32
      scf.if %cond3A_172 {
        %dma_wait3A_354 = arith.constant 0 : i32
        %dma_wait3A_355 = tpu.memref_slice %arg7[%dma_wait3A_354] : memref<10000xi32, #tpu.memory_space<vmem>> -> memref<40xi32, #tpu.memory_space<vmem>>
        %dma_wait3A_356 = arith.constant 0 : i32
        %dma_wait3A_357 = arith.constant 0 : i32
        %dma_wait3A_358 = tpu.memref_slice %arg14[%dma_wait3A_356, %dma_wait3A_357] : memref<10000x128xf32, #tpu.memory_space<vmem_shared>> -> memref<10000x128xf32, #tpu.memory_space<vmem_shared>>
        tpu.wait_indirect_dma semaphore(%arg21 : memref<!tpu.dma_semaphore, #tpu.memory_space<semaphore_mem>>) src(%arg8 : memref<40x128xf32, #tpu.memory_space<vmem>>) dst(%dma_wait3A_358 : memref<10000x128xf32, #tpu.memory_space<vmem_shared>>)
      } else {
      }
      %mul3A_173 = arith.constant 6 : i32
      %mul3A_174 = arith.muli %scan3A_168, %mul3A_173 : i32
      %add3A_175 = arith.constant 0 : i32
      %add3A_176 = arith.addi %mul3A_174, %add3A_175 : i32
      %mul3A_177 = arith.constant 40 : i32
      %mul3A_178 = arith.muli %add3A_176, %mul3A_177 : i32
      %dma_start3A_179 = tpu.memref_slice %arg6[%mul3A_178] : memref<10000xi32, #tpu.memory_space<vmem>> -> memref<40xi32, #tpu.memory_space<vmem>>
      %dma_start3A_180 = arith.constant 0 : i32
      %dma_start3A_181 = arith.constant 0 : i32
      %dma_start3A_182 = tpu.memref_slice %arg2[%dma_start3A_180, %dma_start3A_181] : memref<10000x128xf32, #tpu.memory_space<hbm>> -> memref<10000x128xf32, #tpu.memory_space<hbm>>
      tpu.enqueue_indirect_dma source(%dma_start3A_182 : memref<10000x128xf32, #tpu.memory_space<hbm>>) target(%arg8 : memref<40x128xf32, #tpu.memory_space<vmem>>) offsets(%dma_start3A_179 : memref<40xi32, #tpu.memory_space<vmem>>) semaphore(%arg15 : memref<!tpu.dma_semaphore, #tpu.memory_space<semaphore_mem>>)
      %gt3A_183 = arith.constant 0 : i32
      %gt3A_184 = arith.cmpi sgt, %scan3A_168, %gt3A_183 : i32
      %convert_element_type3A_185 = arith.extui %gt3A_184 : i1 to i32
      %cond3A_186 = arith.constant 0 : i32
      %cond3A_187 = arith.cmpi ne, %convert_element_type3A_185, %cond3A_186 : i32
      scf.if %cond3A_187 {
        %dma_wait3A_354 = arith.constant 0 : i32
        %dma_wait3A_355 = tpu.memref_slice %arg7[%dma_wait3A_354] : memref<10000xi32, #tpu.memory_space<vmem>> -> memref<40xi32, #tpu.memory_space<vmem>>
        %dma_wait3A_356 = arith.constant 0 : i32
        %dma_wait3A_357 = arith.constant 0 : i32
        %dma_wait3A_358 = tpu.memref_slice %arg14[%dma_wait3A_356, %dma_wait3A_357] : memref<10000x128xf32, #tpu.memory_space<vmem_shared>> -> memref<10000x128xf32, #tpu.memory_space<vmem_shared>>
        tpu.wait_indirect_dma semaphore(%arg22 : memref<!tpu.dma_semaphore, #tpu.memory_space<semaphore_mem>>) src(%arg9 : memref<40x128xf32, #tpu.memory_space<vmem>>) dst(%dma_wait3A_358 : memref<10000x128xf32, #tpu.memory_space<vmem_shared>>)
      } else {
      }
      %mul3A_188 = arith.constant 6 : i32
      %mul3A_189 = arith.muli %scan3A_168, %mul3A_188 : i32
      %add3A_190 = arith.constant 1 : i32
      %add3A_191 = arith.addi %mul3A_189, %add3A_190 : i32
      %mul3A_192 = arith.constant 40 : i32
      %mul3A_193 = arith.muli %add3A_191, %mul3A_192 : i32
      %dma_start3A_194 = tpu.memref_slice %arg6[%mul3A_193] : memref<10000xi32, #tpu.memory_space<vmem>> -> memref<40xi32, #tpu.memory_space<vmem>>
      %dma_start3A_195 = arith.constant 0 : i32
      %dma_start3A_196 = arith.constant 0 : i32
      %dma_start3A_197 = tpu.memref_slice %arg2[%dma_start3A_195, %dma_start3A_196] : memref<10000x128xf32, #tpu.memory_space<hbm>> -> memref<10000x128xf32, #tpu.memory_space<hbm>>
      tpu.enqueue_indirect_dma source(%dma_start3A_197 : memref<10000x128xf32, #tpu.memory_space<hbm>>) target(%arg9 : memref<40x128xf32, #tpu.memory_space<vmem>>) offsets(%dma_start3A_194 : memref<40xi32, #tpu.memory_space<vmem>>) semaphore(%arg16 : memref<!tpu.dma_semaphore, #tpu.memory_space<semaphore_mem>>)
      %gt3A_198 = arith.constant 0 : i32
      %gt3A_199 = arith.cmpi sgt, %scan3A_168, %gt3A_198 : i32
      %convert_element_type3A_200 = arith.extui %gt3A_199 : i1 to i32
      %cond3A_201 = arith.constant 0 : i32
      %cond3A_202 = arith.cmpi ne, %convert_element_type3A_200, %cond3A_201 : i32
      scf.if %cond3A_202 {
        %dma_wait3A_354 = arith.constant 0 : i32
        %dma_wait3A_355 = tpu.memref_slice %arg7[%dma_wait3A_354] : memref<10000xi32, #tpu.memory_space<vmem>> -> memref<40xi32, #tpu.memory_space<vmem>>
        %dma_wait3A_356 = arith.constant 0 : i32
        %dma_wait3A_357 = arith.constant 0 : i32
        %dma_wait3A_358 = tpu.memref_slice %arg14[%dma_wait3A_356, %dma_wait3A_357] : memref<10000x128xf32, #tpu.memory_space<vmem_shared>> -> memref<10000x128xf32, #tpu.memory_space<vmem_shared>>
        tpu.wait_indirect_dma semaphore(%arg23 : memref<!tpu.dma_semaphore, #tpu.memory_space<semaphore_mem>>) src(%arg10 : memref<40x128xf32, #tpu.memory_space<vmem>>) dst(%dma_wait3A_358 : memref<10000x128xf32, #tpu.memory_space<vmem_shared>>)
      } else {
      }
      %mul3A_203 = arith.constant 6 : i32
      %mul3A_204 = arith.muli %scan3A_168, %mul3A_203 : i32
      %add3A_205 = arith.constant 2 : i32
      %add3A_206 = arith.addi %mul3A_204, %add3A_205 : i32
      %mul3A_207 = arith.constant 40 : i32
      %mul3A_208 = arith.muli %add3A_206, %mul3A_207 : i32
      %dma_start3A_209 = tpu.memref_slice %arg6[%mul3A_208] : memref<10000xi32, #tpu.memory_space<vmem>> -> memref<40xi32, #tpu.memory_space<vmem>>
      %dma_start3A_210 = arith.constant 0 : i32
      %dma_start3A_211 = arith.constant 0 : i32
      %dma_start3A_212 = tpu.memref_slice %arg2[%dma_start3A_210, %dma_start3A_211] : memref<10000x128xf32, #tpu.memory_space<hbm>> -> memref<10000x128xf32, #tpu.memory_space<hbm>>
      tpu.enqueue_indirect_dma source(%dma_start3A_212 : memref<10000x128xf32, #tpu.memory_space<hbm>>) target(%arg10 : memref<40x128xf32, #tpu.memory_space<vmem>>) offsets(%dma_start3A_209 : memref<40xi32, #tpu.memory_space<vmem>>) semaphore(%arg17 : memref<!tpu.dma_semaphore, #tpu.memory_space<semaphore_mem>>)
      %gt3A_213 = arith.constant 0 : i32
      %gt3A_214 = arith.cmpi sgt, %scan3A_168, %gt3A_213 : i32
      %convert_element_type3A_215 = arith.extui %gt3A_214 : i1 to i32
      %cond3A_216 = arith.constant 0 : i32
      %cond3A_217 = arith.cmpi ne, %convert_element_type3A_215, %cond3A_216 : i32
      scf.if %cond3A_217 {
        %dma_wait3A_354 = arith.constant 0 : i32
        %dma_wait3A_355 = tpu.memref_slice %arg7[%dma_wait3A_354] : memref<10000xi32, #tpu.memory_space<vmem>> -> memref<40xi32, #tpu.memory_space<vmem>>
        %dma_wait3A_356 = arith.constant 0 : i32
        %dma_wait3A_357 = arith.constant 0 : i32
        %dma_wait3A_358 = tpu.memref_slice %arg14[%dma_wait3A_356, %dma_wait3A_357] : memref<10000x128xf32, #tpu.memory_space<vmem_shared>> -> memref<10000x128xf32, #tpu.memory_space<vmem_shared>>
        tpu.wait_indirect_dma semaphore(%arg24 : memref<!tpu.dma_semaphore, #tpu.memory_space<semaphore_mem>>) src(%arg11 : memref<40x128xf32, #tpu.memory_space<vmem>>) dst(%dma_wait3A_358 : memref<10000x128xf32, #tpu.memory_space<vmem_shared>>)
      } else {
      }
      %mul3A_218 = arith.constant 6 : i32
      %mul3A_219 = arith.muli %scan3A_168, %mul3A_218 : i32
      %add3A_220 = arith.constant 3 : i32
      %add3A_221 = arith.addi %mul3A_219, %add3A_220 : i32
      %mul3A_222 = arith.constant 40 : i32
      %mul3A_223 = arith.muli %add3A_221, %mul3A_222 : i32
      %dma_start3A_224 = tpu.memref_slice %arg6[%mul3A_223] : memref<10000xi32, #tpu.memory_space<vmem>> -> memref<40xi32, #tpu.memory_space<vmem>>
      %dma_start3A_225 = arith.constant 0 : i32
      %dma_start3A_226 = arith.constant 0 : i32
      %dma_start3A_227 = tpu.memref_slice %arg2[%dma_start3A_225, %dma_start3A_226] : memref<10000x128xf32, #tpu.memory_space<hbm>> -> memref<10000x128xf32, #tpu.memory_space<hbm>>
      tpu.enqueue_indirect_dma source(%dma_start3A_227 : memref<10000x128xf32, #tpu.memory_space<hbm>>) target(%arg11 : memref<40x128xf32, #tpu.memory_space<vmem>>) offsets(%dma_start3A_224 : memref<40xi32, #tpu.memory_space<vmem>>) semaphore(%arg18 : memref<!tpu.dma_semaphore, #tpu.memory_space<semaphore_mem>>)
      %gt3A_228 = arith.constant 0 : i32
      %gt3A_229 = arith.cmpi sgt, %scan3A_168, %gt3A_228 : i32
      %convert_element_type3A_230 = arith.extui %gt3A_229 : i1 to i32
      %cond3A_231 = arith.constant 0 : i32
      %cond3A_232 = arith.cmpi ne, %convert_element_type3A_230, %cond3A_231 : i32
      scf.if %cond3A_232 {
        %dma_wait3A_354 = arith.constant 0 : i32
        %dma_wait3A_355 = tpu.memref_slice %arg7[%dma_wait3A_354] : memref<10000xi32, #tpu.memory_space<vmem>> -> memref<40xi32, #tpu.memory_space<vmem>>
        %dma_wait3A_356 = arith.constant 0 : i32
        %dma_wait3A_357 = arith.constant 0 : i32
        %dma_wait3A_358 = tpu.memref_slice %arg14[%dma_wait3A_356, %dma_wait3A_357] : memref<10000x128xf32, #tpu.memory_space<vmem_shared>> -> memref<10000x128xf32, #tpu.memory_space<vmem_shared>>
        tpu.wait_indirect_dma semaphore(%arg25 : memref<!tpu.dma_semaphore, #tpu.memory_space<semaphore_mem>>) src(%arg12 : memref<40x128xf32, #tpu.memory_space<vmem>>) dst(%dma_wait3A_358 : memref<10000x128xf32, #tpu.memory_space<vmem_shared>>)
      } else {
      }
      %mul3A_233 = arith.constant 6 : i32
      %mul3A_234 = arith.muli %scan3A_168, %mul3A_233 : i32
      %add3A_235 = arith.constant 4 : i32
      %add3A_236 = arith.addi %mul3A_234, %add3A_235 : i32
      %mul3A_237 = arith.constant 40 : i32
      %mul3A_238 = arith.muli %add3A_236, %mul3A_237 : i32
      %dma_start3A_239 = tpu.memref_slice %arg6[%mul3A_238] : memref<10000xi32, #tpu.memory_space<vmem>> -> memref<40xi32, #tpu.memory_space<vmem>>
      %dma_start3A_240 = arith.constant 0 : i32
      %dma_start3A_241 = arith.constant 0 : i32
      %dma_start3A_242 = tpu.memref_slice %arg2[%dma_start3A_240, %dma_start3A_241] : memref<10000x128xf32, #tpu.memory_space<hbm>> -> memref<10000x128xf32, #tpu.memory_space<hbm>>
      tpu.enqueue_indirect_dma source(%dma_start3A_242 : memref<10000x128xf32, #tpu.memory_space<hbm>>) target(%arg12 : memref<40x128xf32, #tpu.memory_space<vmem>>) offsets(%dma_start3A_239 : memref<40xi32, #tpu.memory_space<vmem>>) semaphore(%arg19 : memref<!tpu.dma_semaphore, #tpu.memory_space<semaphore_mem>>)
      %gt3A_243 = arith.constant 0 : i32
      %gt3A_244 = arith.cmpi sgt, %scan3A_168, %gt3A_243 : i32
      %convert_element_type3A_245 = arith.extui %gt3A_244 : i1 to i32
      %cond3A_246 = arith.constant 0 : i32
      %cond3A_247 = arith.cmpi ne, %convert_element_type3A_245, %cond3A_246 : i32
      scf.if %cond3A_247 {
        %dma_wait3A_354 = arith.constant 0 : i32
        %dma_wait3A_355 = tpu.memref_slice %arg7[%dma_wait3A_354] : memref<10000xi32, #tpu.memory_space<vmem>> -> memref<40xi32, #tpu.memory_space<vmem>>
        %dma_wait3A_356 = arith.constant 0 : i32
        %dma_wait3A_357 = arith.constant 0 : i32
        %dma_wait3A_358 = tpu.memref_slice %arg14[%dma_wait3A_356, %dma_wait3A_357] : memref<10000x128xf32, #tpu.memory_space<vmem_shared>> -> memref<10000x128xf32, #tpu.memory_space<vmem_shared>>
        tpu.wait_indirect_dma semaphore(%arg26 : memref<!tpu.dma_semaphore, #tpu.memory_space<semaphore_mem>>) src(%arg13 : memref<40x128xf32, #tpu.memory_space<vmem>>) dst(%dma_wait3A_358 : memref<10000x128xf32, #tpu.memory_space<vmem_shared>>)
      } else {
      }
      %mul3A_248 = arith.constant 6 : i32
      %mul3A_249 = arith.muli %scan3A_168, %mul3A_248 : i32
      %add3A_250 = arith.constant 5 : i32
      %add3A_251 = arith.addi %mul3A_249, %add3A_250 : i32
      %mul3A_252 = arith.constant 40 : i32
      %mul3A_253 = arith.muli %add3A_251, %mul3A_252 : i32
      %dma_start3A_254 = tpu.memref_slice %arg6[%mul3A_253] : memref<10000xi32, #tpu.memory_space<vmem>> -> memref<40xi32, #tpu.memory_space<vmem>>
      %dma_start3A_255 = arith.constant 0 : i32
      %dma_start3A_256 = arith.constant 0 : i32
      %dma_start3A_257 = tpu.memref_slice %arg2[%dma_start3A_255, %dma_start3A_256] : memref<10000x128xf32, #tpu.memory_space<hbm>> -> memref<10000x128xf32, #tpu.memory_space<hbm>>
      tpu.enqueue_indirect_dma source(%dma_start3A_257 : memref<10000x128xf32, #tpu.memory_space<hbm>>) target(%arg13 : memref<40x128xf32, #tpu.memory_space<vmem>>) offsets(%dma_start3A_254 : memref<40xi32, #tpu.memory_space<vmem>>) semaphore(%arg20 : memref<!tpu.dma_semaphore, #tpu.memory_space<semaphore_mem>>)
      %mul3A_258 = arith.constant 6 : i32
      %mul3A_259 = arith.muli %scan3A_168, %mul3A_258 : i32
      %add3A_260 = arith.constant 0 : i32
      %add3A_261 = arith.addi %mul3A_259, %add3A_260 : i32
      %mul3A_262 = arith.constant 40 : i32
      %mul3A_263 = arith.muli %add3A_261, %mul3A_262 : i32
      %dma_wait3A_264 = tpu.memref_slice %arg6[%mul3A_263] : memref<10000xi32, #tpu.memory_space<vmem>> -> memref<40xi32, #tpu.memory_space<vmem>>
      %dma_wait3A_265 = arith.constant 0 : i32
      %dma_wait3A_266 = arith.constant 0 : i32
      %dma_wait3A_267 = tpu.memref_slice %arg2[%dma_wait3A_265, %dma_wait3A_266] : memref<10000x128xf32, #tpu.memory_space<hbm>> -> memref<10000x128xf32, #tpu.memory_space<hbm>>
      tpu.wait_indirect_dma semaphore(%arg15 : memref<!tpu.dma_semaphore, #tpu.memory_space<semaphore_mem>>) src(%dma_wait3A_267 : memref<10000x128xf32, #tpu.memory_space<hbm>>) dst(%arg8 : memref<40x128xf32, #tpu.memory_space<vmem>>)
      %mul3A_268 = arith.constant 40 : i32
      %mul3A_269 = arith.muli %add3A_261, %mul3A_268 : i32
      %dma_start3A_270 = tpu.memref_slice %arg7[%mul3A_269] : memref<10000xi32, #tpu.memory_space<vmem>> -> memref<40xi32, #tpu.memory_space<vmem>>
      %dma_start3A_271 = arith.constant 0 : i32
      %dma_start3A_272 = arith.constant 0 : i32
      %dma_start3A_273 = tpu.memref_slice %arg14[%dma_start3A_271, %dma_start3A_272] : memref<10000x128xf32, #tpu.memory_space<vmem_shared>> -> memref<10000x128xf32, #tpu.memory_space<vmem_shared>>
      tpu.enqueue_indirect_dma source(%arg8 : memref<40x128xf32, #tpu.memory_space<vmem>>) target(%dma_start3A_273 : memref<10000x128xf32, #tpu.memory_space<vmem_shared>>) offsets(%dma_start3A_270 : memref<40xi32, #tpu.memory_space<vmem>>) semaphore(%arg21 : memref<!tpu.dma_semaphore, #tpu.memory_space<semaphore_mem>>) {add = true}
      %mul3A_274 = arith.constant 6 : i32
      %mul3A_275 = arith.muli %scan3A_168, %mul3A_274 : i32
      %add3A_276 = arith.constant 1 : i32
      %add3A_277 = arith.addi %mul3A_275, %add3A_276 : i32
      %mul3A_278 = arith.constant 40 : i32
      %mul3A_279 = arith.muli %add3A_277, %mul3A_278 : i32
      %dma_wait3A_280 = tpu.memref_slice %arg6[%mul3A_279] : memref<10000xi32, #tpu.memory_space<vmem>> -> memref<40xi32, #tpu.memory_space<vmem>>
      %dma_wait3A_281 = arith.constant 0 : i32
      %dma_wait3A_282 = arith.constant 0 : i32
      %dma_wait3A_283 = tpu.memref_slice %arg2[%dma_wait3A_281, %dma_wait3A_282] : memref<10000x128xf32, #tpu.memory_space<hbm>> -> memref<10000x128xf32, #tpu.memory_space<hbm>>
      tpu.wait_indirect_dma semaphore(%arg16 : memref<!tpu.dma_semaphore, #tpu.memory_space<semaphore_mem>>) src(%dma_wait3A_283 : memref<10000x128xf32, #tpu.memory_space<hbm>>) dst(%arg9 : memref<40x128xf32, #tpu.memory_space<vmem>>)
      %mul3A_284 = arith.constant 40 : i32
      %mul3A_285 = arith.muli %add3A_277, %mul3A_284 : i32
      %dma_start3A_286 = tpu.memref_slice %arg7[%mul3A_285] : memref<10000xi32, #tpu.memory_space<vmem>> -> memref<40xi32, #tpu.memory_space<vmem>>
      %dma_start3A_287 = arith.constant 0 : i32
      %dma_start3A_288 = arith.constant 0 : i32
      %dma_start3A_289 = tpu.memref_slice %arg14[%dma_start3A_287, %dma_start3A_288] : memref<10000x128xf32, #tpu.memory_space<vmem_shared>> -> memref<10000x128xf32, #tpu.memory_space<vmem_shared>>
      tpu.enqueue_indirect_dma source(%arg9 : memref<40x128xf32, #tpu.memory_space<vmem>>) target(%dma_start3A_289 : memref<10000x128xf32, #tpu.memory_space<vmem_shared>>) offsets(%dma_start3A_286 : memref<40xi32, #tpu.memory_space<vmem>>) semaphore(%arg22 : memref<!tpu.dma_semaphore, #tpu.memory_space<semaphore_mem>>) {add = true}
      %mul3A_290 = arith.constant 6 : i32
      %mul3A_291 = arith.muli %scan3A_168, %mul3A_290 : i32
      %add3A_292 = arith.constant 2 : i32
      %add3A_293 = arith.addi %mul3A_291, %add3A_292 : i32
      %mul3A_294 = arith.constant 40 : i32
      %mul3A_295 = arith.muli %add3A_293, %mul3A_294 : i32
      %dma_wait3A_296 = tpu.memref_slice %arg6[%mul3A_295] : memref<10000xi32, #tpu.memory_space<vmem>> -> memref<40xi32, #tpu.memory_space<vmem>>
      %dma_wait3A_297 = arith.constant 0 : i32
      %dma_wait3A_298 = arith.constant 0 : i32
      %dma_wait3A_299 = tpu.memref_slice %arg2[%dma_wait3A_297, %dma_wait3A_298] : memref<10000x128xf32, #tpu.memory_space<hbm>> -> memref<10000x128xf32, #tpu.memory_space<hbm>>
      tpu.wait_indirect_dma semaphore(%arg17 : memref<!tpu.dma_semaphore, #tpu.memory_space<semaphore_mem>>) src(%dma_wait3A_299 : memref<10000x128xf32, #tpu.memory_space<hbm>>) dst(%arg10 : memref<40x128xf32, #tpu.memory_space<vmem>>)
      %mul3A_300 = arith.constant 40 : i32
      %mul3A_301 = arith.muli %add3A_293, %mul3A_300 : i32
      %dma_start3A_302 = tpu.memref_slice %arg7[%mul3A_301] : memref<10000xi32, #tpu.memory_space<vmem>> -> memref<40xi32, #tpu.memory_space<vmem>>
      %dma_start3A_303 = arith.constant 0 : i32
      %dma_start3A_304 = arith.constant 0 : i32
      %dma_start3A_305 = tpu.memref_slice %arg14[%dma_start3A_303, %dma_start3A_304] : memref<10000x128xf32, #tpu.memory_space<vmem_shared>> -> memref<10000x128xf32, #tpu.memory_space<vmem_shared>>
      tpu.enqueue_indirect_dma source(%arg10 : memref<40x128xf32, #tpu.memory_space<vmem>>) target(%dma_start3A_305 : memref<10000x128xf32, #tpu.memory_space<vmem_shared>>) offsets(%dma_start3A_302 : memref<40xi32, #tpu.memory_space<vmem>>) semaphore(%arg23 : memref<!tpu.dma_semaphore, #tpu.memory_space<semaphore_mem>>) {add = true}
      %mul3A_306 = arith.constant 6 : i32
      %mul3A_307 = arith.muli %scan3A_168, %mul3A_306 : i32
      %add3A_308 = arith.constant 3 : i32
      %add3A_309 = arith.addi %mul3A_307, %add3A_308 : i32
      %mul3A_310 = arith.constant 40 : i32
      %mul3A_311 = arith.muli %add3A_309, %mul3A_310 : i32
      %dma_wait3A_312 = tpu.memref_slice %arg6[%mul3A_311] : memref<10000xi32, #tpu.memory_space<vmem>> -> memref<40xi32, #tpu.memory_space<vmem>>
      %dma_wait3A_313 = arith.constant 0 : i32
      %dma_wait3A_314 = arith.constant 0 : i32
      %dma_wait3A_315 = tpu.memref_slice %arg2[%dma_wait3A_313, %dma_wait3A_314] : memref<10000x128xf32, #tpu.memory_space<hbm>> -> memref<10000x128xf32, #tpu.memory_space<hbm>>
      tpu.wait_indirect_dma semaphore(%arg18 : memref<!tpu.dma_semaphore, #tpu.memory_space<semaphore_mem>>) src(%dma_wait3A_315 : memref<10000x128xf32, #tpu.memory_space<hbm>>) dst(%arg11 : memref<40x128xf32, #tpu.memory_space<vmem>>)
      %mul3A_316 = arith.constant 40 : i32
      %mul3A_317 = arith.muli %add3A_309, %mul3A_316 : i32
      %dma_start3A_318 = tpu.memref_slice %arg7[%mul3A_317] : memref<10000xi32, #tpu.memory_space<vmem>> -> memref<40xi32, #tpu.memory_space<vmem>>
      %dma_start3A_319 = arith.constant 0 : i32
      %dma_start3A_320 = arith.constant 0 : i32
      %dma_start3A_321 = tpu.memref_slice %arg14[%dma_start3A_319, %dma_start3A_320] : memref<10000x128xf32, #tpu.memory_space<vmem_shared>> -> memref<10000x128xf32, #tpu.memory_space<vmem_shared>>
      tpu.enqueue_indirect_dma source(%arg11 : memref<40x128xf32, #tpu.memory_space<vmem>>) target(%dma_start3A_321 : memref<10000x128xf32, #tpu.memory_space<vmem_shared>>) offsets(%dma_start3A_318 : memref<40xi32, #tpu.memory_space<vmem>>) semaphore(%arg24 : memref<!tpu.dma_semaphore, #tpu.memory_space<semaphore_mem>>) {add = true}
      %mul3A_322 = arith.constant 6 : i32
      %mul3A_323 = arith.muli %scan3A_168, %mul3A_322 : i32
      %add3A_324 = arith.constant 4 : i32
      %add3A_325 = arith.addi %mul3A_323, %add3A_324 : i32
      %mul3A_326 = arith.constant 40 : i32
      %mul3A_327 = arith.muli %add3A_325, %mul3A_326 : i32
      %dma_wait3A_328 = tpu.memref_slice %arg6[%mul3A_327] : memref<10000xi32, #tpu.memory_space<vmem>> -> memref<40xi32, #tpu.memory_space<vmem>>
      %dma_wait3A_329 = arith.constant 0 : i32
      %dma_wait3A_330 = arith.constant 0 : i32
      %dma_wait3A_331 = tpu.memref_slice %arg2[%dma_wait3A_329, %dma_wait3A_330] : memref<10000x128xf32, #tpu.memory_space<hbm>> -> memref<10000x128xf32, #tpu.memory_space<hbm>>
      tpu.wait_indirect_dma semaphore(%arg19 : memref<!tpu.dma_semaphore, #tpu.memory_space<semaphore_mem>>) src(%dma_wait3A_331 : memref<10000x128xf32, #tpu.memory_space<hbm>>) dst(%arg12 : memref<40x128xf32, #tpu.memory_space<vmem>>)
      %mul3A_332 = arith.constant 40 : i32
      %mul3A_333 = arith.muli %add3A_325, %mul3A_332 : i32
      %dma_start3A_334 = tpu.memref_slice %arg7[%mul3A_333] : memref<10000xi32, #tpu.memory_space<vmem>> -> memref<40xi32, #tpu.memory_space<vmem>>
      %dma_start3A_335 = arith.constant 0 : i32
      %dma_start3A_336 = arith.constant 0 : i32
      %dma_start3A_337 = tpu.memref_slice %arg14[%dma_start3A_335, %dma_start3A_336] : memref<10000x128xf32, #tpu.memory_space<vmem_shared>> -> memref<10000x128xf32, #tpu.memory_space<vmem_shared>>
      tpu.enqueue_indirect_dma source(%arg12 : memref<40x128xf32, #tpu.memory_space<vmem>>) target(%dma_start3A_337 : memref<10000x128xf32, #tpu.memory_space<vmem_shared>>) offsets(%dma_start3A_334 : memref<40xi32, #tpu.memory_space<vmem>>) semaphore(%arg25 : memref<!tpu.dma_semaphore, #tpu.memory_space<semaphore_mem>>) {add = true}
      %mul3A_338 = arith.constant 6 : i32
      %mul3A_339 = arith.muli %scan3A_168, %mul3A_338 : i32
      %add3A_340 = arith.constant 5 : i32
      %add3A_341 = arith.addi %mul3A_339, %add3A_340 : i32
      %mul3A_342 = arith.constant 40 : i32
      %mul3A_343 = arith.muli %add3A_341, %mul3A_342 : i32
      %dma_wait3A_344 = tpu.memref_slice %arg6[%mul3A_343] : memref<10000xi32, #tpu.memory_space<vmem>> -> memref<40xi32, #tpu.memory_space<vmem>>
      %dma_wait3A_345 = arith.constant 0 : i32
      %dma_wait3A_346 = arith.constant 0 : i32
      %dma_wait3A_347 = tpu.memref_slice %arg2[%dma_wait3A_345, %dma_wait3A_346] : memref<10000x128xf32, #tpu.memory_space<hbm>> -> memref<10000x128xf32, #tpu.memory_space<hbm>>
      tpu.wait_indirect_dma semaphore(%arg20 : memref<!tpu.dma_semaphore, #tpu.memory_space<semaphore_mem>>) src(%dma_wait3A_347 : memref<10000x128xf32, #tpu.memory_space<hbm>>) dst(%arg13 : memref<40x128xf32, #tpu.memory_space<vmem>>)
      %mul3A_348 = arith.constant 40 : i32
      %mul3A_349 = arith.muli %add3A_341, %mul3A_348 : i32
      %dma_start3A_350 = tpu.memref_slice %arg7[%mul3A_349] : memref<10000xi32, #tpu.memory_space<vmem>> -> memref<40xi32, #tpu.memory_space<vmem>>
      %dma_start3A_351 = arith.constant 0 : i32
      %dma_start3A_352 = arith.constant 0 : i32
      %dma_start3A_353 = tpu.memref_slice %arg14[%dma_start3A_351, %dma_start3A_352] : memref<10000x128xf32, #tpu.memory_space<vmem_shared>> -> memref<10000x128xf32, #tpu.memory_space<vmem_shared>>
      tpu.enqueue_indirect_dma source(%arg13 : memref<40x128xf32, #tpu.memory_space<vmem>>) target(%dma_start3A_353 : memref<10000x128xf32, #tpu.memory_space<vmem_shared>>) offsets(%dma_start3A_350 : memref<40xi32, #tpu.memory_space<vmem>>) semaphore(%arg26 : memref<!tpu.dma_semaphore, #tpu.memory_space<semaphore_mem>>) {add = true}
    }
    %scan3A_49 = arith.constant 41 : i32
    %dma_wait3A_50 = arith.constant 0 : i32
    %dma_wait3A_51 = tpu.memref_slice %arg7[%dma_wait3A_50] : memref<10000xi32, #tpu.memory_space<vmem>> -> memref<40xi32, #tpu.memory_space<vmem>>
    %dma_wait3A_52 = arith.constant 0 : i32
    %dma_wait3A_53 = arith.constant 0 : i32
    %dma_wait3A_54 = tpu.memref_slice %arg14[%dma_wait3A_52, %dma_wait3A_53] : memref<10000x128xf32, #tpu.memory_space<vmem_shared>> -> memref<10000x128xf32, #tpu.memory_space<vmem_shared>>
    tpu.wait_indirect_dma semaphore(%arg21 : memref<!tpu.dma_semaphore, #tpu.memory_space<semaphore_mem>>) src(%arg8 : memref<40x128xf32, #tpu.memory_space<vmem>>) dst(%dma_wait3A_54 : memref<10000x128xf32, #tpu.memory_space<vmem_shared>>)
    %dma_start3A_55 = arith.constant 9840 : i32
    %dma_start3A_56 = tpu.memref_slice %arg6[%dma_start3A_55] : memref<10000xi32, #tpu.memory_space<vmem>> -> memref<40xi32, #tpu.memory_space<vmem>>
    %dma_start3A_57 = arith.constant 0 : i32
    %dma_start3A_58 = arith.constant 0 : i32
    %dma_start3A_59 = tpu.memref_slice %arg2[%dma_start3A_57, %dma_start3A_58] : memref<10000x128xf32, #tpu.memory_space<hbm>> -> memref<10000x128xf32, #tpu.memory_space<hbm>>
    tpu.enqueue_indirect_dma source(%dma_start3A_59 : memref<10000x128xf32, #tpu.memory_space<hbm>>) target(%arg8 : memref<40x128xf32, #tpu.memory_space<vmem>>) offsets(%dma_start3A_56 : memref<40xi32, #tpu.memory_space<vmem>>) semaphore(%arg15 : memref<!tpu.dma_semaphore, #tpu.memory_space<semaphore_mem>>)
    %dma_wait3A_60 = arith.constant 0 : i32
    %dma_wait3A_61 = tpu.memref_slice %arg7[%dma_wait3A_60] : memref<10000xi32, #tpu.memory_space<vmem>> -> memref<40xi32, #tpu.memory_space<vmem>>
    %dma_wait3A_62 = arith.constant 0 : i32
    %dma_wait3A_63 = arith.constant 0 : i32
    %dma_wait3A_64 = tpu.memref_slice %arg14[%dma_wait3A_62, %dma_wait3A_63] : memref<10000x128xf32, #tpu.memory_space<vmem_shared>> -> memref<10000x128xf32, #tpu.memory_space<vmem_shared>>
    tpu.wait_indirect_dma semaphore(%arg22 : memref<!tpu.dma_semaphore, #tpu.memory_space<semaphore_mem>>) src(%arg9 : memref<40x128xf32, #tpu.memory_space<vmem>>) dst(%dma_wait3A_64 : memref<10000x128xf32, #tpu.memory_space<vmem_shared>>)
    %dma_start3A_65 = arith.constant 9880 : i32
    %dma_start3A_66 = tpu.memref_slice %arg6[%dma_start3A_65] : memref<10000xi32, #tpu.memory_space<vmem>> -> memref<40xi32, #tpu.memory_space<vmem>>
    %dma_start3A_67 = arith.constant 0 : i32
    %dma_start3A_68 = arith.constant 0 : i32
    %dma_start3A_69 = tpu.memref_slice %arg2[%dma_start3A_67, %dma_start3A_68] : memref<10000x128xf32, #tpu.memory_space<hbm>> -> memref<10000x128xf32, #tpu.memory_space<hbm>>
    tpu.enqueue_indirect_dma source(%dma_start3A_69 : memref<10000x128xf32, #tpu.memory_space<hbm>>) target(%arg9 : memref<40x128xf32, #tpu.memory_space<vmem>>) offsets(%dma_start3A_66 : memref<40xi32, #tpu.memory_space<vmem>>) semaphore(%arg16 : memref<!tpu.dma_semaphore, #tpu.memory_space<semaphore_mem>>)
    %dma_wait3A_70 = arith.constant 0 : i32
    %dma_wait3A_71 = tpu.memref_slice %arg7[%dma_wait3A_70] : memref<10000xi32, #tpu.memory_space<vmem>> -> memref<40xi32, #tpu.memory_space<vmem>>
    %dma_wait3A_72 = arith.constant 0 : i32
    %dma_wait3A_73 = arith.constant 0 : i32
    %dma_wait3A_74 = tpu.memref_slice %arg14[%dma_wait3A_72, %dma_wait3A_73] : memref<10000x128xf32, #tpu.memory_space<vmem_shared>> -> memref<10000x128xf32, #tpu.memory_space<vmem_shared>>
    tpu.wait_indirect_dma semaphore(%arg23 : memref<!tpu.dma_semaphore, #tpu.memory_space<semaphore_mem>>) src(%arg10 : memref<40x128xf32, #tpu.memory_space<vmem>>) dst(%dma_wait3A_74 : memref<10000x128xf32, #tpu.memory_space<vmem_shared>>)
    %dma_start3A_75 = arith.constant 9920 : i32
    %dma_start3A_76 = tpu.memref_slice %arg6[%dma_start3A_75] : memref<10000xi32, #tpu.memory_space<vmem>> -> memref<40xi32, #tpu.memory_space<vmem>>
    %dma_start3A_77 = arith.constant 0 : i32
    %dma_start3A_78 = arith.constant 0 : i32
    %dma_start3A_79 = tpu.memref_slice %arg2[%dma_start3A_77, %dma_start3A_78] : memref<10000x128xf32, #tpu.memory_space<hbm>> -> memref<10000x128xf32, #tpu.memory_space<hbm>>
    tpu.enqueue_indirect_dma source(%dma_start3A_79 : memref<10000x128xf32, #tpu.memory_space<hbm>>) target(%arg10 : memref<40x128xf32, #tpu.memory_space<vmem>>) offsets(%dma_start3A_76 : memref<40xi32, #tpu.memory_space<vmem>>) semaphore(%arg17 : memref<!tpu.dma_semaphore, #tpu.memory_space<semaphore_mem>>)
    %dma_wait3A_80 = arith.constant 0 : i32
    %dma_wait3A_81 = tpu.memref_slice %arg7[%dma_wait3A_80] : memref<10000xi32, #tpu.memory_space<vmem>> -> memref<40xi32, #tpu.memory_space<vmem>>
    %dma_wait3A_82 = arith.constant 0 : i32
    %dma_wait3A_83 = arith.constant 0 : i32
    %dma_wait3A_84 = tpu.memref_slice %arg14[%dma_wait3A_82, %dma_wait3A_83] : memref<10000x128xf32, #tpu.memory_space<vmem_shared>> -> memref<10000x128xf32, #tpu.memory_space<vmem_shared>>
    tpu.wait_indirect_dma semaphore(%arg24 : memref<!tpu.dma_semaphore, #tpu.memory_space<semaphore_mem>>) src(%arg11 : memref<40x128xf32, #tpu.memory_space<vmem>>) dst(%dma_wait3A_84 : memref<10000x128xf32, #tpu.memory_space<vmem_shared>>)
    %dma_start3A_85 = arith.constant 9960 : i32
    %dma_start3A_86 = tpu.memref_slice %arg6[%dma_start3A_85] : memref<10000xi32, #tpu.memory_space<vmem>> -> memref<40xi32, #tpu.memory_space<vmem>>
    %dma_start3A_87 = arith.constant 0 : i32
    %dma_start3A_88 = arith.constant 0 : i32
    %dma_start3A_89 = tpu.memref_slice %arg2[%dma_start3A_87, %dma_start3A_88] : memref<10000x128xf32, #tpu.memory_space<hbm>> -> memref<10000x128xf32, #tpu.memory_space<hbm>>
    tpu.enqueue_indirect_dma source(%dma_start3A_89 : memref<10000x128xf32, #tpu.memory_space<hbm>>) target(%arg11 : memref<40x128xf32, #tpu.memory_space<vmem>>) offsets(%dma_start3A_86 : memref<40xi32, #tpu.memory_space<vmem>>) semaphore(%arg18 : memref<!tpu.dma_semaphore, #tpu.memory_space<semaphore_mem>>)
    %dma_wait3A_90 = arith.constant 9840 : i32
    %dma_wait3A_91 = tpu.memref_slice %arg6[%dma_wait3A_90] : memref<10000xi32, #tpu.memory_space<vmem>> -> memref<40xi32, #tpu.memory_space<vmem>>
    %dma_wait3A_92 = arith.constant 0 : i32
    %dma_wait3A_93 = arith.constant 0 : i32
    %dma_wait3A_94 = tpu.memref_slice %arg2[%dma_wait3A_92, %dma_wait3A_93] : memref<10000x128xf32, #tpu.memory_space<hbm>> -> memref<10000x128xf32, #tpu.memory_space<hbm>>
    tpu.wait_indirect_dma semaphore(%arg15 : memref<!tpu.dma_semaphore, #tpu.memory_space<semaphore_mem>>) src(%dma_wait3A_94 : memref<10000x128xf32, #tpu.memory_space<hbm>>) dst(%arg8 : memref<40x128xf32, #tpu.memory_space<vmem>>)
    %dma_start3A_95 = arith.constant 9840 : i32
    %dma_start3A_96 = tpu.memref_slice %arg7[%dma_start3A_95] : memref<10000xi32, #tpu.memory_space<vmem>> -> memref<40xi32, #tpu.memory_space<vmem>>
    %dma_start3A_97 = arith.constant 0 : i32
    %dma_start3A_98 = arith.constant 0 : i32
    %dma_start3A_99 = tpu.memref_slice %arg14[%dma_start3A_97, %dma_start3A_98] : memref<10000x128xf32, #tpu.memory_space<vmem_shared>> -> memref<10000x128xf32, #tpu.memory_space<vmem_shared>>
    tpu.enqueue_indirect_dma source(%arg8 : memref<40x128xf32, #tpu.memory_space<vmem>>) target(%dma_start3A_99 : memref<10000x128xf32, #tpu.memory_space<vmem_shared>>) offsets(%dma_start3A_96 : memref<40xi32, #tpu.memory_space<vmem>>) semaphore(%arg21 : memref<!tpu.dma_semaphore, #tpu.memory_space<semaphore_mem>>) {add = true}
    %dma_wait3A_100 = arith.constant 9880 : i32
    %dma_wait3A_101 = tpu.memref_slice %arg6[%dma_wait3A_100] : memref<10000xi32, #tpu.memory_space<vmem>> -> memref<40xi32, #tpu.memory_space<vmem>>
    %dma_wait3A_102 = arith.constant 0 : i32
    %dma_wait3A_103 = arith.constant 0 : i32
    %dma_wait3A_104 = tpu.memref_slice %arg2[%dma_wait3A_102, %dma_wait3A_103] : memref<10000x128xf32, #tpu.memory_space<hbm>> -> memref<10000x128xf32, #tpu.memory_space<hbm>>
    tpu.wait_indirect_dma semaphore(%arg16 : memref<!tpu.dma_semaphore, #tpu.memory_space<semaphore_mem>>) src(%dma_wait3A_104 : memref<10000x128xf32, #tpu.memory_space<hbm>>) dst(%arg9 : memref<40x128xf32, #tpu.memory_space<vmem>>)
    %dma_start3A_105 = arith.constant 9880 : i32
    %dma_start3A_106 = tpu.memref_slice %arg7[%dma_start3A_105] : memref<10000xi32, #tpu.memory_space<vmem>> -> memref<40xi32, #tpu.memory_space<vmem>>
    %dma_start3A_107 = arith.constant 0 : i32
    %dma_start3A_108 = arith.constant 0 : i32
    %dma_start3A_109 = tpu.memref_slice %arg14[%dma_start3A_107, %dma_start3A_108] : memref<10000x128xf32, #tpu.memory_space<vmem_shared>> -> memref<10000x128xf32, #tpu.memory_space<vmem_shared>>
    tpu.enqueue_indirect_dma source(%arg9 : memref<40x128xf32, #tpu.memory_space<vmem>>) target(%dma_start3A_109 : memref<10000x128xf32, #tpu.memory_space<vmem_shared>>) offsets(%dma_start3A_106 : memref<40xi32, #tpu.memory_space<vmem>>) semaphore(%arg22 : memref<!tpu.dma_semaphore, #tpu.memory_space<semaphore_mem>>) {add = true}
    %dma_wait3A_110 = arith.constant 9920 : i32
    %dma_wait3A_111 = tpu.memref_slice %arg6[%dma_wait3A_110] : memref<10000xi32, #tpu.memory_space<vmem>> -> memref<40xi32, #tpu.memory_space<vmem>>
    %dma_wait3A_112 = arith.constant 0 : i32
    %dma_wait3A_113 = arith.constant 0 : i32
    %dma_wait3A_114 = tpu.memref_slice %arg2[%dma_wait3A_112, %dma_wait3A_113] : memref<10000x128xf32, #tpu.memory_space<hbm>> -> memref<10000x128xf32, #tpu.memory_space<hbm>>
    tpu.wait_indirect_dma semaphore(%arg17 : memref<!tpu.dma_semaphore, #tpu.memory_space<semaphore_mem>>) src(%dma_wait3A_114 : memref<10000x128xf32, #tpu.memory_space<hbm>>) dst(%arg10 : memref<40x128xf32, #tpu.memory_space<vmem>>)
    %dma_start3A_115 = arith.constant 9920 : i32
    %dma_start3A_116 = tpu.memref_slice %arg7[%dma_start3A_115] : memref<10000xi32, #tpu.memory_space<vmem>> -> memref<40xi32, #tpu.memory_space<vmem>>
    %dma_start3A_117 = arith.constant 0 : i32
    %dma_start3A_118 = arith.constant 0 : i32
    %dma_start3A_119 = tpu.memref_slice %arg14[%dma_start3A_117, %dma_start3A_118] : memref<10000x128xf32, #tpu.memory_space<vmem_shared>> -> memref<10000x128xf32, #tpu.memory_space<vmem_shared>>
    tpu.enqueue_indirect_dma source(%arg10 : memref<40x128xf32, #tpu.memory_space<vmem>>) target(%dma_start3A_119 : memref<10000x128xf32, #tpu.memory_space<vmem_shared>>) offsets(%dma_start3A_116 : memref<40xi32, #tpu.memory_space<vmem>>) semaphore(%arg23 : memref<!tpu.dma_semaphore, #tpu.memory_space<semaphore_mem>>) {add = true}
    %dma_wait3A_120 = arith.constant 9960 : i32
    %dma_wait3A_121 = tpu.memref_slice %arg6[%dma_wait3A_120] : memref<10000xi32, #tpu.memory_space<vmem>> -> memref<40xi32, #tpu.memory_space<vmem>>
    %dma_wait3A_122 = arith.constant 0 : i32
    %dma_wait3A_123 = arith.constant 0 : i32
    %dma_wait3A_124 = tpu.memref_slice %arg2[%dma_wait3A_122, %dma_wait3A_123] : memref<10000x128xf32, #tpu.memory_space<hbm>> -> memref<10000x128xf32, #tpu.memory_space<hbm>>
    tpu.wait_indirect_dma semaphore(%arg18 : memref<!tpu.dma_semaphore, #tpu.memory_space<semaphore_mem>>) src(%dma_wait3A_124 : memref<10000x128xf32, #tpu.memory_space<hbm>>) dst(%arg11 : memref<40x128xf32, #tpu.memory_space<vmem>>)
    %dma_start3A_125 = arith.constant 9960 : i32
    %dma_start3A_126 = tpu.memref_slice %arg7[%dma_start3A_125] : memref<10000xi32, #tpu.memory_space<vmem>> -> memref<40xi32, #tpu.memory_space<vmem>>
    %dma_start3A_127 = arith.constant 0 : i32
    %dma_start3A_128 = arith.constant 0 : i32
    %dma_start3A_129 = tpu.memref_slice %arg14[%dma_start3A_127, %dma_start3A_128] : memref<10000x128xf32, #tpu.memory_space<vmem_shared>> -> memref<10000x128xf32, #tpu.memory_space<vmem_shared>>
    tpu.enqueue_indirect_dma source(%arg11 : memref<40x128xf32, #tpu.memory_space<vmem>>) target(%dma_start3A_129 : memref<10000x128xf32, #tpu.memory_space<vmem_shared>>) offsets(%dma_start3A_126 : memref<40xi32, #tpu.memory_space<vmem>>) semaphore(%arg24 : memref<!tpu.dma_semaphore, #tpu.memory_space<semaphore_mem>>) {add = true}
    %dma_wait3A_130 = arith.constant 0 : i32
    %dma_wait3A_131 = tpu.memref_slice %arg7[%dma_wait3A_130] : memref<10000xi32, #tpu.memory_space<vmem>> -> memref<40xi32, #tpu.memory_space<vmem>>
    %dma_wait3A_132 = arith.constant 0 : i32
    %dma_wait3A_133 = arith.constant 0 : i32
    %dma_wait3A_134 = tpu.memref_slice %arg14[%dma_wait3A_132, %dma_wait3A_133] : memref<10000x128xf32, #tpu.memory_space<vmem_shared>> -> memref<10000x128xf32, #tpu.memory_space<vmem_shared>>
    tpu.wait_indirect_dma semaphore(%arg21 : memref<!tpu.dma_semaphore, #tpu.memory_space<semaphore_mem>>) src(%arg8 : memref<40x128xf32, #tpu.memory_space<vmem>>) dst(%dma_wait3A_134 : memref<10000x128xf32, #tpu.memory_space<vmem_shared>>)
    %dma_wait3A_135 = arith.constant 0 : i32
    %dma_wait3A_136 = tpu.memref_slice %arg7[%dma_wait3A_135] : memref<10000xi32, #tpu.memory_space<vmem>> -> memref<40xi32, #tpu.memory_space<vmem>>
    %dma_wait3A_137 = arith.constant 0 : i32
    %dma_wait3A_138 = arith.constant 0 : i32
    %dma_wait3A_139 = tpu.memref_slice %arg14[%dma_wait3A_137, %dma_wait3A_138] : memref<10000x128xf32, #tpu.memory_space<vmem_shared>> -> memref<10000x128xf32, #tpu.memory_space<vmem_shared>>
    tpu.wait_indirect_dma semaphore(%arg22 : memref<!tpu.dma_semaphore, #tpu.memory_space<semaphore_mem>>) src(%arg9 : memref<40x128xf32, #tpu.memory_space<vmem>>) dst(%dma_wait3A_139 : memref<10000x128xf32, #tpu.memory_space<vmem_shared>>)
    %dma_wait3A_140 = arith.constant 0 : i32
    %dma_wait3A_141 = tpu.memref_slice %arg7[%dma_wait3A_140] : memref<10000xi32, #tpu.memory_space<vmem>> -> memref<40xi32, #tpu.memory_space<vmem>>
    %dma_wait3A_142 = arith.constant 0 : i32
    %dma_wait3A_143 = arith.constant 0 : i32
    %dma_wait3A_144 = tpu.memref_slice %arg14[%dma_wait3A_142, %dma_wait3A_143] : memref<10000x128xf32, #tpu.memory_space<vmem_shared>> -> memref<10000x128xf32, #tpu.memory_space<vmem_shared>>
    tpu.wait_indirect_dma semaphore(%arg23 : memref<!tpu.dma_semaphore, #tpu.memory_space<semaphore_mem>>) src(%arg10 : memref<40x128xf32, #tpu.memory_space<vmem>>) dst(%dma_wait3A_144 : memref<10000x128xf32, #tpu.memory_space<vmem_shared>>)
    %dma_wait3A_145 = arith.constant 0 : i32
    %dma_wait3A_146 = tpu.memref_slice %arg7[%dma_wait3A_145] : memref<10000xi32, #tpu.memory_space<vmem>> -> memref<40xi32, #tpu.memory_space<vmem>>
    %dma_wait3A_147 = arith.constant 0 : i32
    %dma_wait3A_148 = arith.constant 0 : i32
    %dma_wait3A_149 = tpu.memref_slice %arg14[%dma_wait3A_147, %dma_wait3A_148] : memref<10000x128xf32, #tpu.memory_space<vmem_shared>> -> memref<10000x128xf32, #tpu.memory_space<vmem_shared>>
    tpu.wait_indirect_dma semaphore(%arg24 : memref<!tpu.dma_semaphore, #tpu.memory_space<semaphore_mem>>) src(%arg11 : memref<40x128xf32, #tpu.memory_space<vmem>>) dst(%dma_wait3A_149 : memref<10000x128xf32, #tpu.memory_space<vmem_shared>>)
    %dma_wait3A_150 = arith.constant 0 : i32
    %dma_wait3A_151 = tpu.memref_slice %arg7[%dma_wait3A_150] : memref<10000xi32, #tpu.memory_space<vmem>> -> memref<40xi32, #tpu.memory_space<vmem>>
    %dma_wait3A_152 = arith.constant 0 : i32
    %dma_wait3A_153 = arith.constant 0 : i32
    %dma_wait3A_154 = tpu.memref_slice %arg14[%dma_wait3A_152, %dma_wait3A_153] : memref<10000x128xf32, #tpu.memory_space<vmem_shared>> -> memref<10000x128xf32, #tpu.memory_space<vmem_shared>>
    tpu.wait_indirect_dma semaphore(%arg25 : memref<!tpu.dma_semaphore, #tpu.memory_space<semaphore_mem>>) src(%arg12 : memref<40x128xf32, #tpu.memory_space<vmem>>) dst(%dma_wait3A_154 : memref<10000x128xf32, #tpu.memory_space<vmem_shared>>)
    %dma_wait3A_155 = arith.constant 0 : i32
    %dma_wait3A_156 = tpu.memref_slice %arg7[%dma_wait3A_155] : memref<10000xi32, #tpu.memory_space<vmem>> -> memref<40xi32, #tpu.memory_space<vmem>>
    %dma_wait3A_157 = arith.constant 0 : i32
    %dma_wait3A_158 = arith.constant 0 : i32
    %dma_wait3A_159 = tpu.memref_slice %arg14[%dma_wait3A_157, %dma_wait3A_158] : memref<10000x128xf32, #tpu.memory_space<vmem_shared>> -> memref<10000x128xf32, #tpu.memory_space<vmem_shared>>
    tpu.wait_indirect_dma semaphore(%arg26 : memref<!tpu.dma_semaphore, #tpu.memory_space<semaphore_mem>>) src(%arg13 : memref<40x128xf32, #tpu.memory_space<vmem>>) dst(%dma_wait3A_159 : memref<10000x128xf32, #tpu.memory_space<vmem_shared>>)
    %barrier3A_160 = arith.constant 0 : index
    tpu.barrier barrier_id(%barrier3A_160)
    %lt3A = arith.constant 15 : i32
    %lt3A_161 = arith.cmpi slt, %arg1, %lt3A : i32
    %convert_element_type3A = arith.extui %lt3A_161 : i1 to i32
    %cond3A = arith.constant 0 : i32
    %cond3A_162 = arith.cmpi ne, %convert_element_type3A, %cond3A : i32
    scf.if %cond3A_162 {
      "tpu.region"() ({
        %run_scoped3A = tpu.sem_alloc : memref<!tpu.dma_semaphore, #tpu.memory_space<semaphore_mem>>
        %dma_start3A_168 = arith.constant 0 : i32
        %dma_start3A_169 = tpu.memref_slice %arg5[%arg0, %mul3A_15, %dma_start3A_168] : memref<2x10000x128xf32, #tpu.memory_space<hbm>> -> memref<1x624x128xf32, #tpu.memory_space<hbm>>
        %dma_start3A_170 = tpu.memref_squeeze %dma_start3A_169 : memref<1x624x128xf32, #tpu.memory_space<hbm>> -> memref<624x128xf32, #tpu.memory_space<hbm>>
        %dma_start3A_171 = arith.constant 0 : i32
        %dma_start3A_172 = tpu.memref_slice %arg14[%mul3A_15, %dma_start3A_171] : memref<10000x128xf32, #tpu.memory_space<vmem_shared>> -> memref<624x128xf32, #tpu.memory_space<vmem_shared>>
        tpu.enqueue_dma source(%dma_start3A_172 : memref<624x128xf32, #tpu.memory_space<vmem_shared>>) target(%dma_start3A_170 : memref<624x128xf32, #tpu.memory_space<hbm>>) target_semaphore(%run_scoped3A : memref<!tpu.dma_semaphore, #tpu.memory_space<semaphore_mem>>)
        %dma_wait3A_173 = arith.constant 0 : i32
        %dma_wait3A_174 = tpu.memref_slice %arg5[%arg0, %mul3A_15, %dma_wait3A_173] : memref<2x10000x128xf32, #tpu.memory_space<hbm>> -> memref<1x624x128xf32, #tpu.memory_space<hbm>>
        %dma_wait3A_175 = tpu.memref_squeeze %dma_wait3A_174 : memref<1x624x128xf32, #tpu.memory_space<hbm>> -> memref<624x128xf32, #tpu.memory_space<hbm>>
        %dma_wait3A_176 = arith.constant 0 : i32
        %dma_wait3A_177 = tpu.memref_slice %arg14[%mul3A_15, %dma_wait3A_176] : memref<10000x128xf32, #tpu.memory_space<vmem_shared>> -> memref<624x128xf32, #tpu.memory_space<vmem_shared>>
        tpu.wait_dma2 semaphore(%run_scoped3A : memref<!tpu.dma_semaphore, #tpu.memory_space<semaphore_mem>>) src(%dma_wait3A_177 : memref<624x128xf32, #tpu.memory_space<vmem_shared>>) dst(%dma_wait3A_175 : memref<624x128xf32, #tpu.memory_space<hbm>>)
        tpu.yield
      }) : () -> ()
    } else {
    }
    %eq3A_163 = arith.constant 15 : i32
    %eq3A_164 = arith.cmpi eq, %arg1, %eq3A_163 : i32
    %convert_element_type3A_165 = arith.extui %eq3A_164 : i1 to i32
    %cond3A_166 = arith.constant 0 : i32
    %cond3A_167 = arith.cmpi ne, %convert_element_type3A_165, %cond3A_166 : i32
    scf.if %cond3A_167 {
      "tpu.region"() ({
        %run_scoped3A = tpu.sem_alloc : memref<!tpu.dma_semaphore, #tpu.memory_space<semaphore_mem>>
        %dma_start3A_168 = arith.constant 0 : i32
        %dma_start3A_169 = tpu.memref_slice %arg5[%arg0, %mul3A_15, %dma_start3A_168] : memref<2x10000x128xf32, #tpu.memory_space<hbm>> -> memref<1x640x128xf32, #tpu.memory_space<hbm>>
        %dma_start3A_170 = tpu.memref_squeeze %dma_start3A_169 : memref<1x640x128xf32, #tpu.memory_space<hbm>> -> memref<640x128xf32, #tpu.memory_space<hbm>>
        %dma_start3A_171 = arith.constant 0 : i32
        %dma_start3A_172 = tpu.memref_slice %arg14[%mul3A_15, %dma_start3A_171] : memref<10000x128xf32, #tpu.memory_space<vmem_shared>> -> memref<640x128xf32, #tpu.memory_space<vmem_shared>>
        tpu.enqueue_dma source(%dma_start3A_172 : memref<640x128xf32, #tpu.memory_space<vmem_shared>>) target(%dma_start3A_170 : memref<640x128xf32, #tpu.memory_space<hbm>>) target_semaphore(%run_scoped3A : memref<!tpu.dma_semaphore, #tpu.memory_space<semaphore_mem>>)
        %dma_wait3A_173 = arith.constant 0 : i32
        %dma_wait3A_174 = tpu.memref_slice %arg5[%arg0, %mul3A_15, %dma_wait3A_173] : memref<2x10000x128xf32, #tpu.memory_space<hbm>> -> memref<1x640x128xf32, #tpu.memory_space<hbm>>
        %dma_wait3A_175 = tpu.memref_squeeze %dma_wait3A_174 : memref<1x640x128xf32, #tpu.memory_space<hbm>> -> memref<640x128xf32, #tpu.memory_space<hbm>>
        %dma_wait3A_176 = arith.constant 0 : i32
        %dma_wait3A_177 = tpu.memref_slice %arg14[%mul3A_15, %dma_wait3A_176] : memref<10000x128xf32, #tpu.memory_space<vmem_shared>> -> memref<640x128xf32, #tpu.memory_space<vmem_shared>>
        tpu.wait_dma2 semaphore(%run_scoped3A : memref<!tpu.dma_semaphore, #tpu.memory_space<semaphore_mem>>) src(%dma_wait3A_177 : memref<640x128xf32, #tpu.memory_space<vmem_shared>>) dst(%dma_wait3A_175 : memref<640x128xf32, #tpu.memory_space<hbm>>)
        tpu.yield
      }) : () -> ()
    } else {
    }
    return
  }
}

#map = affine_map<(d0, d1) -> (0, 0)>
#map1 = affine_map<(d0, d1) -> (0)>
#map2 = affine_map<(d0, d1) -> (0, 0, 0)>
module attributes {stable_mosaic.version = 14 : i64} {
  func.func @prop_kernel(%arg0: i32, %arg1: i32, %arg2: memref<10000x128xf32, #tpu.memory_space<hbm>>, %arg3: memref<320000xi32, #tpu.memory_space<hbm>>, %arg4: memref<320000xi32, #tpu.memory_space<hbm>>, %arg5: memref<2x10000x128xf32, #tpu.memory_space<hbm>>, %arg6: memref<10000xi32, #tpu.memory_space<vmem>>, %arg7: memref<10000xi32, #tpu.memory_space<vmem>>, %arg8: memref<40x128xf32, #tpu.memory_space<vmem>>, %arg9: memref<40x128xf32, #tpu.memory_space<vmem>>, %arg10: memref<40x128xf32, #tpu.memory_space<vmem>>, %arg11: memref<40x128xf32, #tpu.memory_space<vmem>>, %arg12: memref<40x128xf32, #tpu.memory_space<vmem>>, %arg13: memref<40x128xf32, #tpu.memory_space<vmem>>, %arg14: memref<10000x128xf32, #tpu.memory_space<vmem_shared>>, %arg15: memref<!tpu.dma_semaphore, #tpu.memory_space<semaphore_mem>>, %arg16: memref<!tpu.dma_semaphore, #tpu.memory_space<semaphore_mem>>, %arg17: memref<!tpu.dma_semaphore, #tpu.memory_space<semaphore_mem>>, %arg18: memref<!tpu.dma_semaphore, #tpu.memory_space<semaphore_mem>>, %arg19: memref<!tpu.dma_semaphore, #tpu.memory_space<semaphore_mem>>, %arg20: memref<!tpu.dma_semaphore, #tpu.memory_space<semaphore_mem>>, %arg21: memref<!tpu.dma_semaphore, #tpu.memory_space<semaphore_mem>>, %arg22: memref<!tpu.dma_semaphore, #tpu.memory_space<semaphore_mem>>, %arg23: memref<!tpu.dma_semaphore, #tpu.memory_space<semaphore_mem>>, %arg24: memref<!tpu.dma_semaphore, #tpu.memory_space<semaphore_mem>>, %arg25: memref<!tpu.dma_semaphore, #tpu.memory_space<semaphore_mem>>, %arg26: memref<!tpu.dma_semaphore, #tpu.memory_space<semaphore_mem>>) attributes {dimension_semantics = [#tpu.dimension_semantics<core_parallel>, #tpu.dimension_semantics<subcore_parallel>], iteration_bounds = array<i64: 2, 16>, scalar_prefetch = 0 : i64, scratch_operands = 21 : i64, tpu.core_type = #tpu.core_type<sc_vector_subcore>, window_params = [{transform_indices = #map}, {transform_indices = #map1}, {transform_indices = #map1}, {transform_indices = #map2}]} {
    %mul3A = arith.constant 2 : i32
    %mul3A_0 = arith.muli %arg1, %mul3A : i32
    %add3A = arith.addi %mul3A_0, %arg0 : i32
    %broadcast_in_dim3A = arith.constant 0.000000e+00 : f32
    %broadcast_in_dim3A_1 = vector.broadcast %broadcast_in_dim3A : f32 to vector<16xf32>
    %mul3A_2 = arith.constant 10000 : i32
    %mul3A_3 = arith.muli %add3A, %mul3A_2 : i32
    %dma_start3A = tpu.memref_slice %arg3[%mul3A_3] : memref<320000xi32, #tpu.memory_space<hbm>> -> memref<10000xi32, #tpu.memory_space<hbm>>
    %dma_start3A_4 = tpu.memref_slice %arg3[%mul3A_3] : memref<320000xi32, #tpu.memory_space<hbm>> -> memref<10000xi32, #tpu.memory_space<hbm>>
    tpu.enqueue_dma source(%dma_start3A_4 : memref<10000xi32, #tpu.memory_space<hbm>>) target(%arg6 : memref<10000xi32, #tpu.memory_space<vmem>>) target_semaphore(%arg21 : memref<!tpu.dma_semaphore, #tpu.memory_space<semaphore_mem>>)
    %mul3A_5 = arith.constant 10000 : i32
    %mul3A_6 = arith.muli %add3A, %mul3A_5 : i32
    %dma_start3A_7 = tpu.memref_slice %arg4[%mul3A_6] : memref<320000xi32, #tpu.memory_space<hbm>> -> memref<10000xi32, #tpu.memory_space<hbm>>
    %dma_start3A_8 = tpu.memref_slice %arg4[%mul3A_6] : memref<320000xi32, #tpu.memory_space<hbm>> -> memref<10000xi32, #tpu.memory_space<hbm>>
    tpu.enqueue_dma source(%dma_start3A_8 : memref<10000xi32, #tpu.memory_space<hbm>>) target(%arg7 : memref<10000xi32, #tpu.memory_space<vmem>>) target_semaphore(%arg21 : memref<!tpu.dma_semaphore, #tpu.memory_space<semaphore_mem>>)
    %scan3A = arith.constant 0 : i32
    %scan3A_9 = arith.constant 0 : i32
    %scan3A_10 = arith.constant 40 : i32
    %scan3A_11 = arith.addi %scan3A_9, %scan3A_10 : i32
    %scan3A_12 = arith.constant 1 : i32
    scf.for %scan3A_168 = %scan3A_9 to %scan3A_11 step %scan3A_12  : i32 {
      %swap3A = arith.index_cast %scan3A_168 : i32 to index
      %swap3A_169 = arith.constant 0 : index
      %swap3A_170 = tpu.vector_load %arg8[%swap3A, %swap3A_169] {strides = array<i32>} : memref<40x128xf32, #tpu.memory_space<vmem>>, vector<16xf32>,
      tpu.vector_store %arg8[%swap3A, %swap3A_169], %broadcast_in_dim3A_1 {strides = array<i32>} : memref<40x128xf32, #tpu.memory_space<vmem>>, vector<16xf32>,
      %swap3A_171 = arith.index_cast %scan3A_168 : i32 to index
      %swap3A_172 = arith.constant 16 : index
      %swap3A_173 = tpu.vector_load %arg8[%swap3A_171, %swap3A_172] {strides = array<i32>} : memref<40x128xf32, #tpu.memory_space<vmem>>, vector<16xf32>,
      tpu.vector_store %arg8[%swap3A_171, %swap3A_172], %broadcast_in_dim3A_1 {strides = array<i32>} : memref<40x128xf32, #tpu.memory_space<vmem>>, vector<16xf32>,
      %swap3A_174 = arith.index_cast %scan3A_168 : i32 to index
      %swap3A_175 = arith.constant 32 : index
      %swap3A_176 = tpu.vector_load %arg8[%swap3A_174, %swap3A_175] {strides = array<i32>} : memref<40x128xf32, #tpu.memory_space<vmem>>, vector<16xf32>,
      tpu.vector_store %arg8[%swap3A_174, %swap3A_175], %broadcast_in_dim3A_1 {strides = array<i32>} : memref<40x128xf32, #tpu.memory_space<vmem>>, vector<16xf32>,
      %swap3A_177 = arith.index_cast %scan3A_168 : i32 to index
      %swap3A_178 = arith.constant 48 : index
      %swap3A_179 = tpu.vector_load %arg8[%swap3A_177, %swap3A_178] {strides = array<i32>} : memref<40x128xf32, #tpu.memory_space<vmem>>, vector<16xf32>,
      tpu.vector_store %arg8[%swap3A_177, %swap3A_178], %broadcast_in_dim3A_1 {strides = array<i32>} : memref<40x128xf32, #tpu.memory_space<vmem>>, vector<16xf32>,
      %swap3A_180 = arith.index_cast %scan3A_168 : i32 to index
      %swap3A_181 = arith.constant 64 : index
      %swap3A_182 = tpu.vector_load %arg8[%swap3A_180, %swap3A_181] {strides = array<i32>} : memref<40x128xf32, #tpu.memory_space<vmem>>, vector<16xf32>,
      tpu.vector_store %arg8[%swap3A_180, %swap3A_181], %broadcast_in_dim3A_1 {strides = array<i32>} : memref<40x128xf32, #tpu.memory_space<vmem>>, vector<16xf32>,
      %swap3A_183 = arith.index_cast %scan3A_168 : i32 to index
      %swap3A_184 = arith.constant 80 : index
      %swap3A_185 = tpu.vector_load %arg8[%swap3A_183, %swap3A_184] {strides = array<i32>} : memref<40x128xf32, #tpu.memory_space<vmem>>, vector<16xf32>,
      tpu.vector_store %arg8[%swap3A_183, %swap3A_184], %broadcast_in_dim3A_1 {strides = array<i32>} : memref<40x128xf32, #tpu.memory_space<vmem>>, vector<16xf32>,
      %swap3A_186 = arith.index_cast %scan3A_168 : i32 to index
      %swap3A_187 = arith.constant 96 : index
      %swap3A_188 = tpu.vector_load %arg8[%swap3A_186, %swap3A_187] {strides = array<i32>} : memref<40x128xf32, #tpu.memory_space<vmem>>, vector<16xf32>,
      tpu.vector_store %arg8[%swap3A_186, %swap3A_187], %broadcast_in_dim3A_1 {strides = array<i32>} : memref<40x128xf32, #tpu.memory_space<vmem>>, vector<16xf32>,
      %swap3A_189 = arith.index_cast %scan3A_168 : i32 to index
      %swap3A_190 = arith.constant 112 : index
      %swap3A_191 = tpu.vector_load %arg8[%swap3A_189, %swap3A_190] {strides = array<i32>} : memref<40x128xf32, #tpu.memory_space<vmem>>, vector<16xf32>,
      tpu.vector_store %arg8[%swap3A_189, %swap3A_190], %broadcast_in_dim3A_1 {strides = array<i32>} : memref<40x128xf32, #tpu.memory_space<vmem>>, vector<16xf32>,
    }
    %scan3A_13 = arith.constant 40 : i32
    %mul3A_14 = arith.constant 624 : i32
    %mul3A_15 = arith.muli %arg1, %mul3A_14 : i32
    %eq3A = arith.constant 15 : i32
    %eq3A_16 = arith.cmpi eq, %arg1, %eq3A : i32
    %jit3A = arith.constant 80 : i32
    %jit3A_17 = arith.constant 78 : i32
    %select_n3A = arith.select %eq3A_16, %jit3A, %jit3A_17 : i32
    %while3A = arith.constant 0 : i32
    %while3A_18 = arith.constant 0 : i32
    %while3A_19 = arith.subi %select_n3A, %while3A_18 : i32
    %while3A_20 = arith.addi %while3A_18, %while3A_19 : i32
    %while3A_21 = arith.constant 1 : i32
    %while3A_22 = arith.divsi %while3A_19, %while3A_21 : i32
    %while3A_23 = arith.muli %while3A_22, %while3A_21 : i32
    %while3A_24 = arith.addi %while3A_18, %while3A_23 : i32
    %while3A_25 = arith.constant 1 : i32
    scf.for %while3A_168 = %while3A_18 to %while3A_24 step %while3A_25  : i32 {
      %mul3A_169 = arith.constant 8 : i32
      %mul3A_170 = arith.muli %while3A_168, %mul3A_169 : i32
      %add3A_171 = arith.addi %mul3A_15, %mul3A_170 : i32
      %dma_start3A_172 = arith.constant 0 : i32
      %dma_start3A_173 = arith.constant 0 : i32
      %dma_start3A_174 = tpu.memref_slice %arg8[%dma_start3A_172, %dma_start3A_173] : memref<40x128xf32, #tpu.memory_space<vmem>> -> memref<8x128xf32, #tpu.memory_space<vmem>>
      %dma_start3A_175 = arith.constant 0 : i32
      %dma_start3A_176 = tpu.memref_slice %arg14[%add3A_171, %dma_start3A_175] : memref<10000x128xf32, #tpu.memory_space<vmem_shared>> -> memref<8x128xf32, #tpu.memory_space<vmem_shared>>
      %dma_start3A_177 = arith.constant 0 : i32
      %dma_start3A_178 = tpu.memref_slice %arg14[%add3A_171, %dma_start3A_177] : memref<10000x128xf32, #tpu.memory_space<vmem_shared>> -> memref<8x128xf32, #tpu.memory_space<vmem_shared>>
      %dma_start3A_179 = arith.constant 0 : i32
      %dma_start3A_180 = arith.constant 0 : i32
      %dma_start3A_181 = tpu.memref_slice %arg8[%dma_start3A_179, %dma_start3A_180] : memref<40x128xf32, #tpu.memory_space<vmem>> -> memref<8x128xf32, #tpu.memory_space<vmem>>
      tpu.enqueue_dma source(%dma_start3A_181 : memref<8x128xf32, #tpu.memory_space<vmem>>) target(%dma_start3A_178 : memref<8x128xf32, #tpu.memory_space<vmem_shared>>) target_semaphore(%arg15 : memref<!tpu.dma_semaphore, #tpu.memory_space<semaphore_mem>>)
    }
    %while3A_26 = arith.constant 1 : i32
    scf.for %while3A_168 = %while3A_24 to %while3A_20 step %while3A_26  : i32 {
      %mul3A_169 = arith.constant 8 : i32
      %mul3A_170 = arith.muli %while3A_168, %mul3A_169 : i32
      %add3A_171 = arith.addi %mul3A_15, %mul3A_170 : i32
      %dma_start3A_172 = arith.constant 0 : i32
      %dma_start3A_173 = arith.constant 0 : i32
      %dma_start3A_174 = tpu.memref_slice %arg8[%dma_start3A_172, %dma_start3A_173] : memref<40x128xf32, #tpu.memory_space<vmem>> -> memref<8x128xf32, #tpu.memory_space<vmem>>
      %dma_start3A_175 = arith.constant 0 : i32
      %dma_start3A_176 = tpu.memref_slice %arg14[%add3A_171, %dma_start3A_175] : memref<10000x128xf32, #tpu.memory_space<vmem_shared>> -> memref<8x128xf32, #tpu.memory_space<vmem_shared>>
      %dma_start3A_177 = arith.constant 0 : i32
      %dma_start3A_178 = tpu.memref_slice %arg14[%add3A_171, %dma_start3A_177] : memref<10000x128xf32, #tpu.memory_space<vmem_shared>> -> memref<8x128xf32, #tpu.memory_space<vmem_shared>>
      %dma_start3A_179 = arith.constant 0 : i32
      %dma_start3A_180 = arith.constant 0 : i32
      %dma_start3A_181 = tpu.memref_slice %arg8[%dma_start3A_179, %dma_start3A_180] : memref<40x128xf32, #tpu.memory_space<vmem>> -> memref<8x128xf32, #tpu.memory_space<vmem>>
      tpu.enqueue_dma source(%dma_start3A_181 : memref<8x128xf32, #tpu.memory_space<vmem>>) target(%dma_start3A_178 : memref<8x128xf32, #tpu.memory_space<vmem_shared>>) target_semaphore(%arg15 : memref<!tpu.dma_semaphore, #tpu.memory_space<semaphore_mem>>)
    }
    %while3A_27 = arith.constant 0 : i32
    %while3A_28 = arith.constant 0 : i32
    %while3A_29 = arith.subi %select_n3A, %while3A_28 : i32
    %while3A_30 = arith.addi %while3A_28, %while3A_29 : i32
    %while3A_31 = arith.constant 1 : i32
    %while3A_32 = arith.divsi %while3A_29, %while3A_31 : i32
    %while3A_33 = arith.muli %while3A_32, %while3A_31 : i32
    %while3A_34 = arith.addi %while3A_28, %while3A_33 : i32
    %while3A_35 = arith.constant 1 : i32
    scf.for %while3A_168 = %while3A_28 to %while3A_34 step %while3A_35  : i32 {
      %dma_wait3A_169 = arith.constant 0 : i32
      %dma_wait3A_170 = arith.constant 0 : i32
      %dma_wait3A_171 = tpu.memref_slice %arg8[%dma_wait3A_169, %dma_wait3A_170] : memref<40x128xf32, #tpu.memory_space<vmem>> -> memref<8x128xf32, #tpu.memory_space<vmem>>
      %dma_wait3A_172 = arith.constant 0 : i32
      %dma_wait3A_173 = tpu.memref_slice %arg14[%mul3A_15, %dma_wait3A_172] : memref<10000x128xf32, #tpu.memory_space<vmem_shared>> -> memref<8x128xf32, #tpu.memory_space<vmem_shared>>
      %dma_wait3A_174 = arith.constant 0 : i32
      %dma_wait3A_175 = tpu.memref_slice %arg14[%mul3A_15, %dma_wait3A_174] : memref<10000x128xf32, #tpu.memory_space<vmem_shared>> -> memref<8x128xf32, #tpu.memory_space<vmem_shared>>
      %dma_wait3A_176 = arith.constant 0 : i32
      %dma_wait3A_177 = arith.constant 0 : i32
      %dma_wait3A_178 = tpu.memref_slice %arg8[%dma_wait3A_176, %dma_wait3A_177] : memref<40x128xf32, #tpu.memory_space<vmem>> -> memref<8x128xf32, #tpu.memory_space<vmem>>
      tpu.wait_dma2 semaphore(%arg15 : memref<!tpu.dma_semaphore, #tpu.memory_space<semaphore_mem>>) src(%dma_wait3A_178 : memref<8x128xf32, #tpu.memory_space<vmem>>) dst(%dma_wait3A_175 : memref<8x128xf32, #tpu.memory_space<vmem_shared>>)
    }
    %while3A_36 = arith.constant 1 : i32
    scf.for %while3A_168 = %while3A_34 to %while3A_30 step %while3A_36  : i32 {
      %dma_wait3A_169 = arith.constant 0 : i32
      %dma_wait3A_170 = arith.constant 0 : i32
      %dma_wait3A_171 = tpu.memref_slice %arg8[%dma_wait3A_169, %dma_wait3A_170] : memref<40x128xf32, #tpu.memory_space<vmem>> -> memref<8x128xf32, #tpu.memory_space<vmem>>
      %dma_wait3A_172 = arith.constant 0 : i32
      %dma_wait3A_173 = tpu.memref_slice %arg14[%mul3A_15, %dma_wait3A_172] : memref<10000x128xf32, #tpu.memory_space<vmem_shared>> -> memref<8x128xf32, #tpu.memory_space<vmem_shared>>
      %dma_wait3A_174 = arith.constant 0 : i32
      %dma_wait3A_175 = tpu.memref_slice %arg14[%mul3A_15, %dma_wait3A_174] : memref<10000x128xf32, #tpu.memory_space<vmem_shared>> -> memref<8x128xf32, #tpu.memory_space<vmem_shared>>
      %dma_wait3A_176 = arith.constant 0 : i32
      %dma_wait3A_177 = arith.constant 0 : i32
      %dma_wait3A_178 = tpu.memref_slice %arg8[%dma_wait3A_176, %dma_wait3A_177] : memref<40x128xf32, #tpu.memory_space<vmem>> -> memref<8x128xf32, #tpu.memory_space<vmem>>
      tpu.wait_dma2 semaphore(%arg15 : memref<!tpu.dma_semaphore, #tpu.memory_space<semaphore_mem>>) src(%dma_wait3A_178 : memref<8x128xf32, #tpu.memory_space<vmem>>) dst(%dma_wait3A_175 : memref<8x128xf32, #tpu.memory_space<vmem_shared>>)
    }
    %mul3A_37 = arith.constant 10000 : i32
    %mul3A_38 = arith.muli %add3A, %mul3A_37 : i32
    %dma_wait3A = tpu.memref_slice %arg3[%mul3A_38] : memref<320000xi32, #tpu.memory_space<hbm>> -> memref<10000xi32, #tpu.memory_space<hbm>>
    %dma_wait3A_39 = tpu.memref_slice %arg3[%mul3A_38] : memref<320000xi32, #tpu.memory_space<hbm>> -> memref<10000xi32, #tpu.memory_space<hbm>>
    tpu.wait_dma2 semaphore(%arg21 : memref<!tpu.dma_semaphore, #tpu.memory_space<semaphore_mem>>) src(%dma_wait3A_39 : memref<10000xi32, #tpu.memory_space<hbm>>) dst(%arg6 : memref<10000xi32, #tpu.memory_space<vmem>>)
    %mul3A_40 = arith.constant 10000 : i32
    %mul3A_41 = arith.muli %add3A, %mul3A_40 : i32
    %dma_wait3A_42 = tpu.memref_slice %arg4[%mul3A_41] : memref<320000xi32, #tpu.memory_space<hbm>> -> memref<10000xi32, #tpu.memory_space<hbm>>
    %dma_wait3A_43 = tpu.memref_slice %arg4[%mul3A_41] : memref<320000xi32, #tpu.memory_space<hbm>> -> memref<10000xi32, #tpu.memory_space<hbm>>
    tpu.wait_dma2 semaphore(%arg21 : memref<!tpu.dma_semaphore, #tpu.memory_space<semaphore_mem>>) src(%dma_wait3A_43 : memref<10000xi32, #tpu.memory_space<hbm>>) dst(%arg7 : memref<10000xi32, #tpu.memory_space<vmem>>)
    %barrier3A = arith.constant 0 : index
    tpu.barrier barrier_id(%barrier3A)
    %scan3A_44 = arith.constant 0 : i32
    %scan3A_45 = arith.constant 0 : i32
    %scan3A_46 = arith.constant 41 : i32
    %scan3A_47 = arith.addi %scan3A_45, %scan3A_46 : i32
    %scan3A_48 = arith.constant 1 : i32
    scf.for %scan3A_168 = %scan3A_45 to %scan3A_47 step %scan3A_48  : i32 {
      %gt3A = arith.constant 0 : i32
      %gt3A_169 = arith.cmpi sgt, %scan3A_168, %gt3A : i32
      %convert_element_type3A_170 = arith.extui %gt3A_169 : i1 to i32
      %cond3A_171 = arith.constant 0 : i32
      %cond3A_172 = arith.cmpi ne, %convert_element_type3A_170, %cond3A_171 : i32
      scf.if %cond3A_172 {
        %dma_wait3A_354 = arith.constant 0 : i32
        %dma_wait3A_355 = tpu.memref_slice %arg7[%dma_wait3A_354] : memref<10000xi32, #tpu.memory_space<vmem>> -> memref<40xi32, #tpu.memory_space<vmem>>
        %dma_wait3A_356 = arith.constant 0 : i32
        %dma_wait3A_357 = arith.constant 0 : i32
        %dma_wait3A_358 = tpu.memref_slice %arg14[%dma_wait3A_356, %dma_wait3A_357] : memref<10000x128xf32, #tpu.memory_space<vmem_shared>> -> memref<10000x128xf32, #tpu.memory_space<vmem_shared>>
        tpu.wait_indirect_dma semaphore(%arg21 : memref<!tpu.dma_semaphore, #tpu.memory_space<semaphore_mem>>) src(%arg8 : memref<40x128xf32, #tpu.memory_space<vmem>>) dst(%dma_wait3A_358 : memref<10000x128xf32, #tpu.memory_space<vmem_shared>>)
      } else {
      }
      %mul3A_173 = arith.constant 6 : i32
      %mul3A_174 = arith.muli %scan3A_168, %mul3A_173 : i32
      %add3A_175 = arith.constant 0 : i32
      %add3A_176 = arith.addi %mul3A_174, %add3A_175 : i32
      %mul3A_177 = arith.constant 40 : i32
      %mul3A_178 = arith.muli %add3A_176, %mul3A_177 : i32
      %dma_start3A_179 = tpu.memref_slice %arg6[%mul3A_178] : memref<10000xi32, #tpu.memory_space<vmem>> -> memref<40xi32, #tpu.memory_space<vmem>>
      %dma_start3A_180 = arith.constant 0 : i32
      %dma_start3A_181 = arith.constant 0 : i32
      %dma_start3A_182 = tpu.memref_slice %arg2[%dma_start3A_180, %dma_start3A_181] : memref<10000x128xf32, #tpu.memory_space<hbm>> -> memref<10000x128xf32, #tpu.memory_space<hbm>>
      tpu.enqueue_indirect_dma source(%dma_start3A_182 : memref<10000x128xf32, #tpu.memory_space<hbm>>) target(%arg8 : memref<40x128xf32, #tpu.memory_space<vmem>>) offsets(%dma_start3A_179 : memref<40xi32, #tpu.memory_space<vmem>>) semaphore(%arg15 : memref<!tpu.dma_semaphore, #tpu.memory_space<semaphore_mem>>)
      %gt3A_183 = arith.constant 0 : i32
      %gt3A_184 = arith.cmpi sgt, %scan3A_168, %gt3A_183 : i32
      %convert_element_type3A_185 = arith.extui %gt3A_184 : i1 to i32
      %cond3A_186 = arith.constant 0 : i32
      %cond3A_187 = arith.cmpi ne, %convert_element_type3A_185, %cond3A_186 : i32
      scf.if %cond3A_187 {
        %dma_wait3A_354 = arith.constant 0 : i32
        %dma_wait3A_355 = tpu.memref_slice %arg7[%dma_wait3A_354] : memref<10000xi32, #tpu.memory_space<vmem>> -> memref<40xi32, #tpu.memory_space<vmem>>
        %dma_wait3A_356 = arith.constant 0 : i32
        %dma_wait3A_357 = arith.constant 0 : i32
        %dma_wait3A_358 = tpu.memref_slice %arg14[%dma_wait3A_356, %dma_wait3A_357] : memref<10000x128xf32, #tpu.memory_space<vmem_shared>> -> memref<10000x128xf32, #tpu.memory_space<vmem_shared>>
        tpu.wait_indirect_dma semaphore(%arg22 : memref<!tpu.dma_semaphore, #tpu.memory_space<semaphore_mem>>) src(%arg9 : memref<40x128xf32, #tpu.memory_space<vmem>>) dst(%dma_wait3A_358 : memref<10000x128xf32, #tpu.memory_space<vmem_shared>>)
      } else {
      }
      %mul3A_188 = arith.constant 6 : i32
      %mul3A_189 = arith.muli %scan3A_168, %mul3A_188 : i32
      %add3A_190 = arith.constant 1 : i32
      %add3A_191 = arith.addi %mul3A_189, %add3A_190 : i32
      %mul3A_192 = arith.constant 40 : i32
      %mul3A_193 = arith.muli %add3A_191, %mul3A_192 : i32
      %dma_start3A_194 = tpu.memref_slice %arg6[%mul3A_193] : memref<10000xi32, #tpu.memory_space<vmem>> -> memref<40xi32, #tpu.memory_space<vmem>>
      %dma_start3A_195 = arith.constant 0 : i32
      %dma_start3A_196 = arith.constant 0 : i32
      %dma_start3A_197 = tpu.memref_slice %arg2[%dma_start3A_195, %dma_start3A_196] : memref<10000x128xf32, #tpu.memory_space<hbm>> -> memref<10000x128xf32, #tpu.memory_space<hbm>>
      tpu.enqueue_indirect_dma source(%dma_start3A_197 : memref<10000x128xf32, #tpu.memory_space<hbm>>) target(%arg9 : memref<40x128xf32, #tpu.memory_space<vmem>>) offsets(%dma_start3A_194 : memref<40xi32, #tpu.memory_space<vmem>>) semaphore(%arg16 : memref<!tpu.dma_semaphore, #tpu.memory_space<semaphore_mem>>)
      %gt3A_198 = arith.constant 0 : i32
      %gt3A_199 = arith.cmpi sgt, %scan3A_168, %gt3A_198 : i32
      %convert_element_type3A_200 = arith.extui %gt3A_199 : i1 to i32
      %cond3A_201 = arith.constant 0 : i32
      %cond3A_202 = arith.cmpi ne, %convert_element_type3A_200, %cond3A_201 : i32
      scf.if %cond3A_202 {
        %dma_wait3A_354 = arith.constant 0 : i32
        %dma_wait3A_355 = tpu.memref_slice %arg7[%dma_wait3A_354] : memref<10000xi32, #tpu.memory_space<vmem>> -> memref<40xi32, #tpu.memory_space<vmem>>
        %dma_wait3A_356 = arith.constant 0 : i32
        %dma_wait3A_357 = arith.constant 0 : i32
        %dma_wait3A_358 = tpu.memref_slice %arg14[%dma_wait3A_356, %dma_wait3A_357] : memref<10000x128xf32, #tpu.memory_space<vmem_shared>> -> memref<10000x128xf32, #tpu.memory_space<vmem_shared>>
        tpu.wait_indirect_dma semaphore(%arg23 : memref<!tpu.dma_semaphore, #tpu.memory_space<semaphore_mem>>) src(%arg10 : memref<40x128xf32, #tpu.memory_space<vmem>>) dst(%dma_wait3A_358 : memref<10000x128xf32, #tpu.memory_space<vmem_shared>>)
      } else {
      }
      %mul3A_203 = arith.constant 6 : i32
      %mul3A_204 = arith.muli %scan3A_168, %mul3A_203 : i32
      %add3A_205 = arith.constant 2 : i32
      %add3A_206 = arith.addi %mul3A_204, %add3A_205 : i32
      %mul3A_207 = arith.constant 40 : i32
      %mul3A_208 = arith.muli %add3A_206, %mul3A_207 : i32
      %dma_start3A_209 = tpu.memref_slice %arg6[%mul3A_208] : memref<10000xi32, #tpu.memory_space<vmem>> -> memref<40xi32, #tpu.memory_space<vmem>>
      %dma_start3A_210 = arith.constant 0 : i32
      %dma_start3A_211 = arith.constant 0 : i32
      %dma_start3A_212 = tpu.memref_slice %arg2[%dma_start3A_210, %dma_start3A_211] : memref<10000x128xf32, #tpu.memory_space<hbm>> -> memref<10000x128xf32, #tpu.memory_space<hbm>>
      tpu.enqueue_indirect_dma source(%dma_start3A_212 : memref<10000x128xf32, #tpu.memory_space<hbm>>) target(%arg10 : memref<40x128xf32, #tpu.memory_space<vmem>>) offsets(%dma_start3A_209 : memref<40xi32, #tpu.memory_space<vmem>>) semaphore(%arg17 : memref<!tpu.dma_semaphore, #tpu.memory_space<semaphore_mem>>)
      %gt3A_213 = arith.constant 0 : i32
      %gt3A_214 = arith.cmpi sgt, %scan3A_168, %gt3A_213 : i32
      %convert_element_type3A_215 = arith.extui %gt3A_214 : i1 to i32
      %cond3A_216 = arith.constant 0 : i32
      %cond3A_217 = arith.cmpi ne, %convert_element_type3A_215, %cond3A_216 : i32
      scf.if %cond3A_217 {
        %dma_wait3A_354 = arith.constant 0 : i32
        %dma_wait3A_355 = tpu.memref_slice %arg7[%dma_wait3A_354] : memref<10000xi32, #tpu.memory_space<vmem>> -> memref<40xi32, #tpu.memory_space<vmem>>
        %dma_wait3A_356 = arith.constant 0 : i32
        %dma_wait3A_357 = arith.constant 0 : i32
        %dma_wait3A_358 = tpu.memref_slice %arg14[%dma_wait3A_356, %dma_wait3A_357] : memref<10000x128xf32, #tpu.memory_space<vmem_shared>> -> memref<10000x128xf32, #tpu.memory_space<vmem_shared>>
        tpu.wait_indirect_dma semaphore(%arg24 : memref<!tpu.dma_semaphore, #tpu.memory_space<semaphore_mem>>) src(%arg11 : memref<40x128xf32, #tpu.memory_space<vmem>>) dst(%dma_wait3A_358 : memref<10000x128xf32, #tpu.memory_space<vmem_shared>>)
      } else {
      }
      %mul3A_218 = arith.constant 6 : i32
      %mul3A_219 = arith.muli %scan3A_168, %mul3A_218 : i32
      %add3A_220 = arith.constant 3 : i32
      %add3A_221 = arith.addi %mul3A_219, %add3A_220 : i32
      %mul3A_222 = arith.constant 40 : i32
      %mul3A_223 = arith.muli %add3A_221, %mul3A_222 : i32
      %dma_start3A_224 = tpu.memref_slice %arg6[%mul3A_223] : memref<10000xi32, #tpu.memory_space<vmem>> -> memref<40xi32, #tpu.memory_space<vmem>>
      %dma_start3A_225 = arith.constant 0 : i32
      %dma_start3A_226 = arith.constant 0 : i32
      %dma_start3A_227 = tpu.memref_slice %arg2[%dma_start3A_225, %dma_start3A_226] : memref<10000x128xf32, #tpu.memory_space<hbm>> -> memref<10000x128xf32, #tpu.memory_space<hbm>>
      tpu.enqueue_indirect_dma source(%dma_start3A_227 : memref<10000x128xf32, #tpu.memory_space<hbm>>) target(%arg11 : memref<40x128xf32, #tpu.memory_space<vmem>>) offsets(%dma_start3A_224 : memref<40xi32, #tpu.memory_space<vmem>>) semaphore(%arg18 : memref<!tpu.dma_semaphore, #tpu.memory_space<semaphore_mem>>)
      %gt3A_228 = arith.constant 0 : i32
      %gt3A_229 = arith.cmpi sgt, %scan3A_168, %gt3A_228 : i32
      %convert_element_type3A_230 = arith.extui %gt3A_229 : i1 to i32
      %cond3A_231 = arith.constant 0 : i32
      %cond3A_232 = arith.cmpi ne, %convert_element_type3A_230, %cond3A_231 : i32
      scf.if %cond3A_232 {
        %dma_wait3A_354 = arith.constant 0 : i32
        %dma_wait3A_355 = tpu.memref_slice %arg7[%dma_wait3A_354] : memref<10000xi32, #tpu.memory_space<vmem>> -> memref<40xi32, #tpu.memory_space<vmem>>
        %dma_wait3A_356 = arith.constant 0 : i32
        %dma_wait3A_357 = arith.constant 0 : i32
        %dma_wait3A_358 = tpu.memref_slice %arg14[%dma_wait3A_356, %dma_wait3A_357] : memref<10000x128xf32, #tpu.memory_space<vmem_shared>> -> memref<10000x128xf32, #tpu.memory_space<vmem_shared>>
        tpu.wait_indirect_dma semaphore(%arg25 : memref<!tpu.dma_semaphore, #tpu.memory_space<semaphore_mem>>) src(%arg12 : memref<40x128xf32, #tpu.memory_space<vmem>>) dst(%dma_wait3A_358 : memref<10000x128xf32, #tpu.memory_space<vmem_shared>>)
      } else {
      }
      %mul3A_233 = arith.constant 6 : i32
      %mul3A_234 = arith.muli %scan3A_168, %mul3A_233 : i32
      %add3A_235 = arith.constant 4 : i32
      %add3A_236 = arith.addi %mul3A_234, %add3A_235 : i32
      %mul3A_237 = arith.constant 40 : i32
      %mul3A_238 = arith.muli %add3A_236, %mul3A_237 : i32
      %dma_start3A_239 = tpu.memref_slice %arg6[%mul3A_238] : memref<10000xi32, #tpu.memory_space<vmem>> -> memref<40xi32, #tpu.memory_space<vmem>>
      %dma_start3A_240 = arith.constant 0 : i32
      %dma_start3A_241 = arith.constant 0 : i32
      %dma_start3A_242 = tpu.memref_slice %arg2[%dma_start3A_240, %dma_start3A_241] : memref<10000x128xf32, #tpu.memory_space<hbm>> -> memref<10000x128xf32, #tpu.memory_space<hbm>>
      tpu.enqueue_indirect_dma source(%dma_start3A_242 : memref<10000x128xf32, #tpu.memory_space<hbm>>) target(%arg12 : memref<40x128xf32, #tpu.memory_space<vmem>>) offsets(%dma_start3A_239 : memref<40xi32, #tpu.memory_space<vmem>>) semaphore(%arg19 : memref<!tpu.dma_semaphore, #tpu.memory_space<semaphore_mem>>)
      %gt3A_243 = arith.constant 0 : i32
      %gt3A_244 = arith.cmpi sgt, %scan3A_168, %gt3A_243 : i32
      %convert_element_type3A_245 = arith.extui %gt3A_244 : i1 to i32
      %cond3A_246 = arith.constant 0 : i32
      %cond3A_247 = arith.cmpi ne, %convert_element_type3A_245, %cond3A_246 : i32
      scf.if %cond3A_247 {
        %dma_wait3A_354 = arith.constant 0 : i32
        %dma_wait3A_355 = tpu.memref_slice %arg7[%dma_wait3A_354] : memref<10000xi32, #tpu.memory_space<vmem>> -> memref<40xi32, #tpu.memory_space<vmem>>
        %dma_wait3A_356 = arith.constant 0 : i32
        %dma_wait3A_357 = arith.constant 0 : i32
        %dma_wait3A_358 = tpu.memref_slice %arg14[%dma_wait3A_356, %dma_wait3A_357] : memref<10000x128xf32, #tpu.memory_space<vmem_shared>> -> memref<10000x128xf32, #tpu.memory_space<vmem_shared>>
        tpu.wait_indirect_dma semaphore(%arg26 : memref<!tpu.dma_semaphore, #tpu.memory_space<semaphore_mem>>) src(%arg13 : memref<40x128xf32, #tpu.memory_space<vmem>>) dst(%dma_wait3A_358 : memref<10000x128xf32, #tpu.memory_space<vmem_shared>>)
      } else {
      }
      %mul3A_248 = arith.constant 6 : i32
      %mul3A_249 = arith.muli %scan3A_168, %mul3A_248 : i32
      %add3A_250 = arith.constant 5 : i32
      %add3A_251 = arith.addi %mul3A_249, %add3A_250 : i32
      %mul3A_252 = arith.constant 40 : i32
      %mul3A_253 = arith.muli %add3A_251, %mul3A_252 : i32
      %dma_start3A_254 = tpu.memref_slice %arg6[%mul3A_253] : memref<10000xi32, #tpu.memory_space<vmem>> -> memref<40xi32, #tpu.memory_space<vmem>>
      %dma_start3A_255 = arith.constant 0 : i32
      %dma_start3A_256 = arith.constant 0 : i32
      %dma_start3A_257 = tpu.memref_slice %arg2[%dma_start3A_255, %dma_start3A_256] : memref<10000x128xf32, #tpu.memory_space<hbm>> -> memref<10000x128xf32, #tpu.memory_space<hbm>>
      tpu.enqueue_indirect_dma source(%dma_start3A_257 : memref<10000x128xf32, #tpu.memory_space<hbm>>) target(%arg13 : memref<40x128xf32, #tpu.memory_space<vmem>>) offsets(%dma_start3A_254 : memref<40xi32, #tpu.memory_space<vmem>>) semaphore(%arg20 : memref<!tpu.dma_semaphore, #tpu.memory_space<semaphore_mem>>)
      %mul3A_258 = arith.constant 6 : i32
      %mul3A_259 = arith.muli %scan3A_168, %mul3A_258 : i32
      %add3A_260 = arith.constant 0 : i32
      %add3A_261 = arith.addi %mul3A_259, %add3A_260 : i32
      %mul3A_262 = arith.constant 40 : i32
      %mul3A_263 = arith.muli %add3A_261, %mul3A_262 : i32
      %dma_wait3A_264 = tpu.memref_slice %arg6[%mul3A_263] : memref<10000xi32, #tpu.memory_space<vmem>> -> memref<40xi32, #tpu.memory_space<vmem>>
      %dma_wait3A_265 = arith.constant 0 : i32
      %dma_wait3A_266 = arith.constant 0 : i32
      %dma_wait3A_267 = tpu.memref_slice %arg2[%dma_wait3A_265, %dma_wait3A_266] : memref<10000x128xf32, #tpu.memory_space<hbm>> -> memref<10000x128xf32, #tpu.memory_space<hbm>>
      tpu.wait_indirect_dma semaphore(%arg15 : memref<!tpu.dma_semaphore, #tpu.memory_space<semaphore_mem>>) src(%dma_wait3A_267 : memref<10000x128xf32, #tpu.memory_space<hbm>>) dst(%arg8 : memref<40x128xf32, #tpu.memory_space<vmem>>)
      %mul3A_268 = arith.constant 40 : i32
      %mul3A_269 = arith.muli %add3A_261, %mul3A_268 : i32
      %dma_start3A_270 = tpu.memref_slice %arg7[%mul3A_269] : memref<10000xi32, #tpu.memory_space<vmem>> -> memref<40xi32, #tpu.memory_space<vmem>>
      %dma_start3A_271 = arith.constant 0 : i32
      %dma_start3A_272 = arith.constant 0 : i32
      %dma_start3A_273 = tpu.memref_slice %arg14[%dma_start3A_271, %dma_start3A_272] : memref<10000x128xf32, #tpu.memory_space<vmem_shared>> -> memref<10000x128xf32, #tpu.memory_space<vmem_shared>>
      tpu.enqueue_indirect_dma source(%arg8 : memref<40x128xf32, #tpu.memory_space<vmem>>) target(%dma_start3A_273 : memref<10000x128xf32, #tpu.memory_space<vmem_shared>>) offsets(%dma_start3A_270 : memref<40xi32, #tpu.memory_space<vmem>>) semaphore(%arg21 : memref<!tpu.dma_semaphore, #tpu.memory_space<semaphore_mem>>) {add = true}
      %mul3A_274 = arith.constant 6 : i32
      %mul3A_275 = arith.muli %scan3A_168, %mul3A_274 : i32
      %add3A_276 = arith.constant 1 : i32
      %add3A_277 = arith.addi %mul3A_275, %add3A_276 : i32
      %mul3A_278 = arith.constant 40 : i32
      %mul3A_279 = arith.muli %add3A_277, %mul3A_278 : i32
      %dma_wait3A_280 = tpu.memref_slice %arg6[%mul3A_279] : memref<10000xi32, #tpu.memory_space<vmem>> -> memref<40xi32, #tpu.memory_space<vmem>>
      %dma_wait3A_281 = arith.constant 0 : i32
      %dma_wait3A_282 = arith.constant 0 : i32
      %dma_wait3A_283 = tpu.memref_slice %arg2[%dma_wait3A_281, %dma_wait3A_282] : memref<10000x128xf32, #tpu.memory_space<hbm>> -> memref<10000x128xf32, #tpu.memory_space<hbm>>
      tpu.wait_indirect_dma semaphore(%arg16 : memref<!tpu.dma_semaphore, #tpu.memory_space<semaphore_mem>>) src(%dma_wait3A_283 : memref<10000x128xf32, #tpu.memory_space<hbm>>) dst(%arg9 : memref<40x128xf32, #tpu.memory_space<vmem>>)
      %mul3A_284 = arith.constant 40 : i32
      %mul3A_285 = arith.muli %add3A_277, %mul3A_284 : i32
      %dma_start3A_286 = tpu.memref_slice %arg7[%mul3A_285] : memref<10000xi32, #tpu.memory_space<vmem>> -> memref<40xi32, #tpu.memory_space<vmem>>
      %dma_start3A_287 = arith.constant 0 : i32
      %dma_start3A_288 = arith.constant 0 : i32
      %dma_start3A_289 = tpu.memref_slice %arg14[%dma_start3A_287, %dma_start3A_288] : memref<10000x128xf32, #tpu.memory_space<vmem_shared>> -> memref<10000x128xf32, #tpu.memory_space<vmem_shared>>
      tpu.enqueue_indirect_dma source(%arg9 : memref<40x128xf32, #tpu.memory_space<vmem>>) target(%dma_start3A_289 : memref<10000x128xf32, #tpu.memory_space<vmem_shared>>) offsets(%dma_start3A_286 : memref<40xi32, #tpu.memory_space<vmem>>) semaphore(%arg22 : memref<!tpu.dma_semaphore, #tpu.memory_space<semaphore_mem>>) {add = true}
      %mul3A_290 = arith.constant 6 : i32
      %mul3A_291 = arith.muli %scan3A_168, %mul3A_290 : i32
      %add3A_292 = arith.constant 2 : i32
      %add3A_293 = arith.addi %mul3A_291, %add3A_292 : i32
      %mul3A_294 = arith.constant 40 : i32
      %mul3A_295 = arith.muli %add3A_293, %mul3A_294 : i32
      %dma_wait3A_296 = tpu.memref_slice %arg6[%mul3A_295] : memref<10000xi32, #tpu.memory_space<vmem>> -> memref<40xi32, #tpu.memory_space<vmem>>
      %dma_wait3A_297 = arith.constant 0 : i32
      %dma_wait3A_298 = arith.constant 0 : i32
      %dma_wait3A_299 = tpu.memref_slice %arg2[%dma_wait3A_297, %dma_wait3A_298] : memref<10000x128xf32, #tpu.memory_space<hbm>> -> memref<10000x128xf32, #tpu.memory_space<hbm>>
      tpu.wait_indirect_dma semaphore(%arg17 : memref<!tpu.dma_semaphore, #tpu.memory_space<semaphore_mem>>) src(%dma_wait3A_299 : memref<10000x128xf32, #tpu.memory_space<hbm>>) dst(%arg10 : memref<40x128xf32, #tpu.memory_space<vmem>>)
      %mul3A_300 = arith.constant 40 : i32
      %mul3A_301 = arith.muli %add3A_293, %mul3A_300 : i32
      %dma_start3A_302 = tpu.memref_slice %arg7[%mul3A_301] : memref<10000xi32, #tpu.memory_space<vmem>> -> memref<40xi32, #tpu.memory_space<vmem>>
      %dma_start3A_303 = arith.constant 0 : i32
      %dma_start3A_304 = arith.constant 0 : i32
      %dma_start3A_305 = tpu.memref_slice %arg14[%dma_start3A_303, %dma_start3A_304] : memref<10000x128xf32, #tpu.memory_space<vmem_shared>> -> memref<10000x128xf32, #tpu.memory_space<vmem_shared>>
      tpu.enqueue_indirect_dma source(%arg10 : memref<40x128xf32, #tpu.memory_space<vmem>>) target(%dma_start3A_305 : memref<10000x128xf32, #tpu.memory_space<vmem_shared>>) offsets(%dma_start3A_302 : memref<40xi32, #tpu.memory_space<vmem>>) semaphore(%arg23 : memref<!tpu.dma_semaphore, #tpu.memory_space<semaphore_mem>>) {add = true}
      %mul3A_306 = arith.constant 6 : i32
      %mul3A_307 = arith.muli %scan3A_168, %mul3A_306 : i32
      %add3A_308 = arith.constant 3 : i32
      %add3A_309 = arith.addi %mul3A_307, %add3A_308 : i32
      %mul3A_310 = arith.constant 40 : i32
      %mul3A_311 = arith.muli %add3A_309, %mul3A_310 : i32
      %dma_wait3A_312 = tpu.memref_slice %arg6[%mul3A_311] : memref<10000xi32, #tpu.memory_space<vmem>> -> memref<40xi32, #tpu.memory_space<vmem>>
      %dma_wait3A_313 = arith.constant 0 : i32
      %dma_wait3A_314 = arith.constant 0 : i32
      %dma_wait3A_315 = tpu.memref_slice %arg2[%dma_wait3A_313, %dma_wait3A_314] : memref<10000x128xf32, #tpu.memory_space<hbm>> -> memref<10000x128xf32, #tpu.memory_space<hbm>>
      tpu.wait_indirect_dma semaphore(%arg18 : memref<!tpu.dma_semaphore, #tpu.memory_space<semaphore_mem>>) src(%dma_wait3A_315 : memref<10000x128xf32, #tpu.memory_space<hbm>>) dst(%arg11 : memref<40x128xf32, #tpu.memory_space<vmem>>)
      %mul3A_316 = arith.constant 40 : i32
      %mul3A_317 = arith.muli %add3A_309, %mul3A_316 : i32
      %dma_start3A_318 = tpu.memref_slice %arg7[%mul3A_317] : memref<10000xi32, #tpu.memory_space<vmem>> -> memref<40xi32, #tpu.memory_space<vmem>>
      %dma_start3A_319 = arith.constant 0 : i32
      %dma_start3A_320 = arith.constant 0 : i32
      %dma_start3A_321 = tpu.memref_slice %arg14[%dma_start3A_319, %dma_start3A_320] : memref<10000x128xf32, #tpu.memory_space<vmem_shared>> -> memref<10000x128xf32, #tpu.memory_space<vmem_shared>>
      tpu.enqueue_indirect_dma source(%arg11 : memref<40x128xf32, #tpu.memory_space<vmem>>) target(%dma_start3A_321 : memref<10000x128xf32, #tpu.memory_space<vmem_shared>>) offsets(%dma_start3A_318 : memref<40xi32, #tpu.memory_space<vmem>>) semaphore(%arg24 : memref<!tpu.dma_semaphore, #tpu.memory_space<semaphore_mem>>) {add = true}
      %mul3A_322 = arith.constant 6 : i32
      %mul3A_323 = arith.muli %scan3A_168, %mul3A_322 : i32
      %add3A_324 = arith.constant 4 : i32
      %add3A_325 = arith.addi %mul3A_323, %add3A_324 : i32
      %mul3A_326 = arith.constant 40 : i32
      %mul3A_327 = arith.muli %add3A_325, %mul3A_326 : i32
      %dma_wait3A_328 = tpu.memref_slice %arg6[%mul3A_327] : memref<10000xi32, #tpu.memory_space<vmem>> -> memref<40xi32, #tpu.memory_space<vmem>>
      %dma_wait3A_329 = arith.constant 0 : i32
      %dma_wait3A_330 = arith.constant 0 : i32
      %dma_wait3A_331 = tpu.memref_slice %arg2[%dma_wait3A_329, %dma_wait3A_330] : memref<10000x128xf32, #tpu.memory_space<hbm>> -> memref<10000x128xf32, #tpu.memory_space<hbm>>
      tpu.wait_indirect_dma semaphore(%arg19 : memref<!tpu.dma_semaphore, #tpu.memory_space<semaphore_mem>>) src(%dma_wait3A_331 : memref<10000x128xf32, #tpu.memory_space<hbm>>) dst(%arg12 : memref<40x128xf32, #tpu.memory_space<vmem>>)
      %mul3A_332 = arith.constant 40 : i32
      %mul3A_333 = arith.muli %add3A_325, %mul3A_332 : i32
      %dma_start3A_334 = tpu.memref_slice %arg7[%mul3A_333] : memref<10000xi32, #tpu.memory_space<vmem>> -> memref<40xi32, #tpu.memory_space<vmem>>
      %dma_start3A_335 = arith.constant 0 : i32
      %dma_start3A_336 = arith.constant 0 : i32
      %dma_start3A_337 = tpu.memref_slice %arg14[%dma_start3A_335, %dma_start3A_336] : memref<10000x128xf32, #tpu.memory_space<vmem_shared>> -> memref<10000x128xf32, #tpu.memory_space<vmem_shared>>
      tpu.enqueue_indirect_dma source(%arg12 : memref<40x128xf32, #tpu.memory_space<vmem>>) target(%dma_start3A_337 : memref<10000x128xf32, #tpu.memory_space<vmem_shared>>) offsets(%dma_start3A_334 : memref<40xi32, #tpu.memory_space<vmem>>) semaphore(%arg25 : memref<!tpu.dma_semaphore, #tpu.memory_space<semaphore_mem>>) {add = true}
      %mul3A_338 = arith.constant 6 : i32
      %mul3A_339 = arith.muli %scan3A_168, %mul3A_338 : i32
      %add3A_340 = arith.constant 5 : i32
      %add3A_341 = arith.addi %mul3A_339, %add3A_340 : i32
      %mul3A_342 = arith.constant 40 : i32
      %mul3A_343 = arith.muli %add3A_341, %mul3A_342 : i32
      %dma_wait3A_344 = tpu.memref_slice %arg6[%mul3A_343] : memref<10000xi32, #tpu.memory_space<vmem>> -> memref<40xi32, #tpu.memory_space<vmem>>
      %dma_wait3A_345 = arith.constant 0 : i32
      %dma_wait3A_346 = arith.constant 0 : i32
      %dma_wait3A_347 = tpu.memref_slice %arg2[%dma_wait3A_345, %dma_wait3A_346] : memref<10000x128xf32, #tpu.memory_space<hbm>> -> memref<10000x128xf32, #tpu.memory_space<hbm>>
      tpu.wait_indirect_dma semaphore(%arg20 : memref<!tpu.dma_semaphore, #tpu.memory_space<semaphore_mem>>) src(%dma_wait3A_347 : memref<10000x128xf32, #tpu.memory_space<hbm>>) dst(%arg13 : memref<40x128xf32, #tpu.memory_space<vmem>>)
      %mul3A_348 = arith.constant 40 : i32
      %mul3A_349 = arith.muli %add3A_341, %mul3A_348 : i32
      %dma_start3A_350 = tpu.memref_slice %arg7[%mul3A_349] : memref<10000xi32, #tpu.memory_space<vmem>> -> memref<40xi32, #tpu.memory_space<vmem>>
      %dma_start3A_351 = arith.constant 0 : i32
      %dma_start3A_352 = arith.constant 0 : i32
      %dma_start3A_353 = tpu.memref_slice %arg14[%dma_start3A_351, %dma_start3A_352] : memref<10000x128xf32, #tpu.memory_space<vmem_shared>> -> memref<10000x128xf32, #tpu.memory_space<vmem_shared>>
      tpu.enqueue_indirect_dma source(%arg13 : memref<40x128xf32, #tpu.memory_space<vmem>>) target(%dma_start3A_353 : memref<10000x128xf32, #tpu.memory_space<vmem_shared>>) offsets(%dma_start3A_350 : memref<40xi32, #tpu.memory_space<vmem>>) semaphore(%arg26 : memref<!tpu.dma_semaphore, #tpu.memory_space<semaphore_mem>>) {add = true}
    }
    %scan3A_49 = arith.constant 41 : i32
    %dma_wait3A_50 = arith.constant 0 : i32
    %dma_wait3A_51 = tpu.memref_slice %arg7[%dma_wait3A_50] : memref<10000xi32, #tpu.memory_space<vmem>> -> memref<40xi32, #tpu.memory_space<vmem>>
    %dma_wait3A_52 = arith.constant 0 : i32
    %dma_wait3A_53 = arith.constant 0 : i32
    %dma_wait3A_54 = tpu.memref_slice %arg14[%dma_wait3A_52, %dma_wait3A_53] : memref<10000x128xf32, #tpu.memory_space<vmem_shared>> -> memref<10000x128xf32, #tpu.memory_space<vmem_shared>>
    tpu.wait_indirect_dma semaphore(%arg21 : memref<!tpu.dma_semaphore, #tpu.memory_space<semaphore_mem>>) src(%arg8 : memref<40x128xf32, #tpu.memory_space<vmem>>) dst(%dma_wait3A_54 : memref<10000x128xf32, #tpu.memory_space<vmem_shared>>)
    %dma_start3A_55 = arith.constant 9840 : i32
    %dma_start3A_56 = tpu.memref_slice %arg6[%dma_start3A_55] : memref<10000xi32, #tpu.memory_space<vmem>> -> memref<40xi32, #tpu.memory_space<vmem>>
    %dma_start3A_57 = arith.constant 0 : i32
    %dma_start3A_58 = arith.constant 0 : i32
    %dma_start3A_59 = tpu.memref_slice %arg2[%dma_start3A_57, %dma_start3A_58] : memref<10000x128xf32, #tpu.memory_space<hbm>> -> memref<10000x128xf32, #tpu.memory_space<hbm>>
    tpu.enqueue_indirect_dma source(%dma_start3A_59 : memref<10000x128xf32, #tpu.memory_space<hbm>>) target(%arg8 : memref<40x128xf32, #tpu.memory_space<vmem>>) offsets(%dma_start3A_56 : memref<40xi32, #tpu.memory_space<vmem>>) semaphore(%arg15 : memref<!tpu.dma_semaphore, #tpu.memory_space<semaphore_mem>>)
    %dma_wait3A_60 = arith.constant 0 : i32
    %dma_wait3A_61 = tpu.memref_slice %arg7[%dma_wait3A_60] : memref<10000xi32, #tpu.memory_space<vmem>> -> memref<40xi32, #tpu.memory_space<vmem>>
    %dma_wait3A_62 = arith.constant 0 : i32
    %dma_wait3A_63 = arith.constant 0 : i32
    %dma_wait3A_64 = tpu.memref_slice %arg14[%dma_wait3A_62, %dma_wait3A_63] : memref<10000x128xf32, #tpu.memory_space<vmem_shared>> -> memref<10000x128xf32, #tpu.memory_space<vmem_shared>>
    tpu.wait_indirect_dma semaphore(%arg22 : memref<!tpu.dma_semaphore, #tpu.memory_space<semaphore_mem>>) src(%arg9 : memref<40x128xf32, #tpu.memory_space<vmem>>) dst(%dma_wait3A_64 : memref<10000x128xf32, #tpu.memory_space<vmem_shared>>)
    %dma_start3A_65 = arith.constant 9880 : i32
    %dma_start3A_66 = tpu.memref_slice %arg6[%dma_start3A_65] : memref<10000xi32, #tpu.memory_space<vmem>> -> memref<40xi32, #tpu.memory_space<vmem>>
    %dma_start3A_67 = arith.constant 0 : i32
    %dma_start3A_68 = arith.constant 0 : i32
    %dma_start3A_69 = tpu.memref_slice %arg2[%dma_start3A_67, %dma_start3A_68] : memref<10000x128xf32, #tpu.memory_space<hbm>> -> memref<10000x128xf32, #tpu.memory_space<hbm>>
    tpu.enqueue_indirect_dma source(%dma_start3A_69 : memref<10000x128xf32, #tpu.memory_space<hbm>>) target(%arg9 : memref<40x128xf32, #tpu.memory_space<vmem>>) offsets(%dma_start3A_66 : memref<40xi32, #tpu.memory_space<vmem>>) semaphore(%arg16 : memref<!tpu.dma_semaphore, #tpu.memory_space<semaphore_mem>>)
    %dma_wait3A_70 = arith.constant 0 : i32
    %dma_wait3A_71 = tpu.memref_slice %arg7[%dma_wait3A_70] : memref<10000xi32, #tpu.memory_space<vmem>> -> memref<40xi32, #tpu.memory_space<vmem>>
    %dma_wait3A_72 = arith.constant 0 : i32
    %dma_wait3A_73 = arith.constant 0 : i32
    %dma_wait3A_74 = tpu.memref_slice %arg14[%dma_wait3A_72, %dma_wait3A_73] : memref<10000x128xf32, #tpu.memory_space<vmem_shared>> -> memref<10000x128xf32, #tpu.memory_space<vmem_shared>>
    tpu.wait_indirect_dma semaphore(%arg23 : memref<!tpu.dma_semaphore, #tpu.memory_space<semaphore_mem>>) src(%arg10 : memref<40x128xf32, #tpu.memory_space<vmem>>) dst(%dma_wait3A_74 : memref<10000x128xf32, #tpu.memory_space<vmem_shared>>)
    %dma_start3A_75 = arith.constant 9920 : i32
    %dma_start3A_76 = tpu.memref_slice %arg6[%dma_start3A_75] : memref<10000xi32, #tpu.memory_space<vmem>> -> memref<40xi32, #tpu.memory_space<vmem>>
    %dma_start3A_77 = arith.constant 0 : i32
    %dma_start3A_78 = arith.constant 0 : i32
    %dma_start3A_79 = tpu.memref_slice %arg2[%dma_start3A_77, %dma_start3A_78] : memref<10000x128xf32, #tpu.memory_space<hbm>> -> memref<10000x128xf32, #tpu.memory_space<hbm>>
    tpu.enqueue_indirect_dma source(%dma_start3A_79 : memref<10000x128xf32, #tpu.memory_space<hbm>>) target(%arg10 : memref<40x128xf32, #tpu.memory_space<vmem>>) offsets(%dma_start3A_76 : memref<40xi32, #tpu.memory_space<vmem>>) semaphore(%arg17 : memref<!tpu.dma_semaphore, #tpu.memory_space<semaphore_mem>>)
    %dma_wait3A_80 = arith.constant 0 : i32
    %dma_wait3A_81 = tpu.memref_slice %arg7[%dma_wait3A_80] : memref<10000xi32, #tpu.memory_space<vmem>> -> memref<40xi32, #tpu.memory_space<vmem>>
    %dma_wait3A_82 = arith.constant 0 : i32
    %dma_wait3A_83 = arith.constant 0 : i32
    %dma_wait3A_84 = tpu.memref_slice %arg14[%dma_wait3A_82, %dma_wait3A_83] : memref<10000x128xf32, #tpu.memory_space<vmem_shared>> -> memref<10000x128xf32, #tpu.memory_space<vmem_shared>>
    tpu.wait_indirect_dma semaphore(%arg24 : memref<!tpu.dma_semaphore, #tpu.memory_space<semaphore_mem>>) src(%arg11 : memref<40x128xf32, #tpu.memory_space<vmem>>) dst(%dma_wait3A_84 : memref<10000x128xf32, #tpu.memory_space<vmem_shared>>)
    %dma_start3A_85 = arith.constant 9960 : i32
    %dma_start3A_86 = tpu.memref_slice %arg6[%dma_start3A_85] : memref<10000xi32, #tpu.memory_space<vmem>> -> memref<40xi32, #tpu.memory_space<vmem>>
    %dma_start3A_87 = arith.constant 0 : i32
    %dma_start3A_88 = arith.constant 0 : i32
    %dma_start3A_89 = tpu.memref_slice %arg2[%dma_start3A_87, %dma_start3A_88] : memref<10000x128xf32, #tpu.memory_space<hbm>> -> memref<10000x128xf32, #tpu.memory_space<hbm>>
    tpu.enqueue_indirect_dma source(%dma_start3A_89 : memref<10000x128xf32, #tpu.memory_space<hbm>>) target(%arg11 : memref<40x128xf32, #tpu.memory_space<vmem>>) offsets(%dma_start3A_86 : memref<40xi32, #tpu.memory_space<vmem>>) semaphore(%arg18 : memref<!tpu.dma_semaphore, #tpu.memory_space<semaphore_mem>>)
    %dma_wait3A_90 = arith.constant 9840 : i32
    %dma_wait3A_91 = tpu.memref_slice %arg6[%dma_wait3A_90] : memref<10000xi32, #tpu.memory_space<vmem>> -> memref<40xi32, #tpu.memory_space<vmem>>
    %dma_wait3A_92 = arith.constant 0 : i32
    %dma_wait3A_93 = arith.constant 0 : i32
    %dma_wait3A_94 = tpu.memref_slice %arg2[%dma_wait3A_92, %dma_wait3A_93] : memref<10000x128xf32, #tpu.memory_space<hbm>> -> memref<10000x128xf32, #tpu.memory_space<hbm>>
    tpu.wait_indirect_dma semaphore(%arg15 : memref<!tpu.dma_semaphore, #tpu.memory_space<semaphore_mem>>) src(%dma_wait3A_94 : memref<10000x128xf32, #tpu.memory_space<hbm>>) dst(%arg8 : memref<40x128xf32, #tpu.memory_space<vmem>>)
    %dma_start3A_95 = arith.constant 9840 : i32
    %dma_start3A_96 = tpu.memref_slice %arg7[%dma_start3A_95] : memref<10000xi32, #tpu.memory_space<vmem>> -> memref<40xi32, #tpu.memory_space<vmem>>
    %dma_start3A_97 = arith.constant 0 : i32
    %dma_start3A_98 = arith.constant 0 : i32
    %dma_start3A_99 = tpu.memref_slice %arg14[%dma_start3A_97, %dma_start3A_98] : memref<10000x128xf32, #tpu.memory_space<vmem_shared>> -> memref<10000x128xf32, #tpu.memory_space<vmem_shared>>
    tpu.enqueue_indirect_dma source(%arg8 : memref<40x128xf32, #tpu.memory_space<vmem>>) target(%dma_start3A_99 : memref<10000x128xf32, #tpu.memory_space<vmem_shared>>) offsets(%dma_start3A_96 : memref<40xi32, #tpu.memory_space<vmem>>) semaphore(%arg21 : memref<!tpu.dma_semaphore, #tpu.memory_space<semaphore_mem>>) {add = true}
    %dma_wait3A_100 = arith.constant 9880 : i32
    %dma_wait3A_101 = tpu.memref_slice %arg6[%dma_wait3A_100] : memref<10000xi32, #tpu.memory_space<vmem>> -> memref<40xi32, #tpu.memory_space<vmem>>
    %dma_wait3A_102 = arith.constant 0 : i32
    %dma_wait3A_103 = arith.constant 0 : i32
    %dma_wait3A_104 = tpu.memref_slice %arg2[%dma_wait3A_102, %dma_wait3A_103] : memref<10000x128xf32, #tpu.memory_space<hbm>> -> memref<10000x128xf32, #tpu.memory_space<hbm>>
    tpu.wait_indirect_dma semaphore(%arg16 : memref<!tpu.dma_semaphore, #tpu.memory_space<semaphore_mem>>) src(%dma_wait3A_104 : memref<10000x128xf32, #tpu.memory_space<hbm>>) dst(%arg9 : memref<40x128xf32, #tpu.memory_space<vmem>>)
    %dma_start3A_105 = arith.constant 9880 : i32
    %dma_start3A_106 = tpu.memref_slice %arg7[%dma_start3A_105] : memref<10000xi32, #tpu.memory_space<vmem>> -> memref<40xi32, #tpu.memory_space<vmem>>
    %dma_start3A_107 = arith.constant 0 : i32
    %dma_start3A_108 = arith.constant 0 : i32
    %dma_start3A_109 = tpu.memref_slice %arg14[%dma_start3A_107, %dma_start3A_108] : memref<10000x128xf32, #tpu.memory_space<vmem_shared>> -> memref<10000x128xf32, #tpu.memory_space<vmem_shared>>
    tpu.enqueue_indirect_dma source(%arg9 : memref<40x128xf32, #tpu.memory_space<vmem>>) target(%dma_start3A_109 : memref<10000x128xf32, #tpu.memory_space<vmem_shared>>) offsets(%dma_start3A_106 : memref<40xi32, #tpu.memory_space<vmem>>) semaphore(%arg22 : memref<!tpu.dma_semaphore, #tpu.memory_space<semaphore_mem>>) {add = true}
    %dma_wait3A_110 = arith.constant 9920 : i32
    %dma_wait3A_111 = tpu.memref_slice %arg6[%dma_wait3A_110] : memref<10000xi32, #tpu.memory_space<vmem>> -> memref<40xi32, #tpu.memory_space<vmem>>
    %dma_wait3A_112 = arith.constant 0 : i32
    %dma_wait3A_113 = arith.constant 0 : i32
    %dma_wait3A_114 = tpu.memref_slice %arg2[%dma_wait3A_112, %dma_wait3A_113] : memref<10000x128xf32, #tpu.memory_space<hbm>> -> memref<10000x128xf32, #tpu.memory_space<hbm>>
    tpu.wait_indirect_dma semaphore(%arg17 : memref<!tpu.dma_semaphore, #tpu.memory_space<semaphore_mem>>) src(%dma_wait3A_114 : memref<10000x128xf32, #tpu.memory_space<hbm>>) dst(%arg10 : memref<40x128xf32, #tpu.memory_space<vmem>>)
    %dma_start3A_115 = arith.constant 9920 : i32
    %dma_start3A_116 = tpu.memref_slice %arg7[%dma_start3A_115] : memref<10000xi32, #tpu.memory_space<vmem>> -> memref<40xi32, #tpu.memory_space<vmem>>
    %dma_start3A_117 = arith.constant 0 : i32
    %dma_start3A_118 = arith.constant 0 : i32
    %dma_start3A_119 = tpu.memref_slice %arg14[%dma_start3A_117, %dma_start3A_118] : memref<10000x128xf32, #tpu.memory_space<vmem_shared>> -> memref<10000x128xf32, #tpu.memory_space<vmem_shared>>
    tpu.enqueue_indirect_dma source(%arg10 : memref<40x128xf32, #tpu.memory_space<vmem>>) target(%dma_start3A_119 : memref<10000x128xf32, #tpu.memory_space<vmem_shared>>) offsets(%dma_start3A_116 : memref<40xi32, #tpu.memory_space<vmem>>) semaphore(%arg23 : memref<!tpu.dma_semaphore, #tpu.memory_space<semaphore_mem>>) {add = true}
    %dma_wait3A_120 = arith.constant 9960 : i32
    %dma_wait3A_121 = tpu.memref_slice %arg6[%dma_wait3A_120] : memref<10000xi32, #tpu.memory_space<vmem>> -> memref<40xi32, #tpu.memory_space<vmem>>
    %dma_wait3A_122 = arith.constant 0 : i32
    %dma_wait3A_123 = arith.constant 0 : i32
    %dma_wait3A_124 = tpu.memref_slice %arg2[%dma_wait3A_122, %dma_wait3A_123] : memref<10000x128xf32, #tpu.memory_space<hbm>> -> memref<10000x128xf32, #tpu.memory_space<hbm>>
    tpu.wait_indirect_dma semaphore(%arg18 : memref<!tpu.dma_semaphore, #tpu.memory_space<semaphore_mem>>) src(%dma_wait3A_124 : memref<10000x128xf32, #tpu.memory_space<hbm>>) dst(%arg11 : memref<40x128xf32, #tpu.memory_space<vmem>>)
    %dma_start3A_125 = arith.constant 9960 : i32
    %dma_start3A_126 = tpu.memref_slice %arg7[%dma_start3A_125] : memref<10000xi32, #tpu.memory_space<vmem>> -> memref<40xi32, #tpu.memory_space<vmem>>
    %dma_start3A_127 = arith.constant 0 : i32
    %dma_start3A_128 = arith.constant 0 : i32
    %dma_start3A_129 = tpu.memref_slice %arg14[%dma_start3A_127, %dma_start3A_128] : memref<10000x128xf32, #tpu.memory_space<vmem_shared>> -> memref<10000x128xf32, #tpu.memory_space<vmem_shared>>
    tpu.enqueue_indirect_dma source(%arg11 : memref<40x128xf32, #tpu.memory_space<vmem>>) target(%dma_start3A_129 : memref<10000x128xf32, #tpu.memory_space<vmem_shared>>) offsets(%dma_start3A_126 : memref<40xi32, #tpu.memory_space<vmem>>) semaphore(%arg24 : memref<!tpu.dma_semaphore, #tpu.memory_space<semaphore_mem>>) {add = true}
    %dma_wait3A_130 = arith.constant 0 : i32
    %dma_wait3A_131 = tpu.memref_slice %arg7[%dma_wait3A_130] : memref<10000xi32, #tpu.memory_space<vmem>> -> memref<40xi32, #tpu.memory_space<vmem>>
    %dma_wait3A_132 = arith.constant 0 : i32
    %dma_wait3A_133 = arith.constant 0 : i32
    %dma_wait3A_134 = tpu.memref_slice %arg14[%dma_wait3A_132, %dma_wait3A_133] : memref<10000x128xf32, #tpu.memory_space<vmem_shared>> -> memref<10000x128xf32, #tpu.memory_space<vmem_shared>>
    tpu.wait_indirect_dma semaphore(%arg21 : memref<!tpu.dma_semaphore, #tpu.memory_space<semaphore_mem>>) src(%arg8 : memref<40x128xf32, #tpu.memory_space<vmem>>) dst(%dma_wait3A_134 : memref<10000x128xf32, #tpu.memory_space<vmem_shared>>)
    %dma_wait3A_135 = arith.constant 0 : i32
    %dma_wait3A_136 = tpu.memref_slice %arg7[%dma_wait3A_135] : memref<10000xi32, #tpu.memory_space<vmem>> -> memref<40xi32, #tpu.memory_space<vmem>>
    %dma_wait3A_137 = arith.constant 0 : i32
    %dma_wait3A_138 = arith.constant 0 : i32
    %dma_wait3A_139 = tpu.memref_slice %arg14[%dma_wait3A_137, %dma_wait3A_138] : memref<10000x128xf32, #tpu.memory_space<vmem_shared>> -> memref<10000x128xf32, #tpu.memory_space<vmem_shared>>
    tpu.wait_indirect_dma semaphore(%arg22 : memref<!tpu.dma_semaphore, #tpu.memory_space<semaphore_mem>>) src(%arg9 : memref<40x128xf32, #tpu.memory_space<vmem>>) dst(%dma_wait3A_139 : memref<10000x128xf32, #tpu.memory_space<vmem_shared>>)
    %dma_wait3A_140 = arith.constant 0 : i32
    %dma_wait3A_141 = tpu.memref_slice %arg7[%dma_wait3A_140] : memref<10000xi32, #tpu.memory_space<vmem>> -> memref<40xi32, #tpu.memory_space<vmem>>
    %dma_wait3A_142 = arith.constant 0 : i32
    %dma_wait3A_143 = arith.constant 0 : i32
    %dma_wait3A_144 = tpu.memref_slice %arg14[%dma_wait3A_142, %dma_wait3A_143] : memref<10000x128xf32, #tpu.memory_space<vmem_shared>> -> memref<10000x128xf32, #tpu.memory_space<vmem_shared>>
    tpu.wait_indirect_dma semaphore(%arg23 : memref<!tpu.dma_semaphore, #tpu.memory_space<semaphore_mem>>) src(%arg10 : memref<40x128xf32, #tpu.memory_space<vmem>>) dst(%dma_wait3A_144 : memref<10000x128xf32, #tpu.memory_space<vmem_shared>>)
    %dma_wait3A_145 = arith.constant 0 : i32
    %dma_wait3A_146 = tpu.memref_slice %arg7[%dma_wait3A_145] : memref<10000xi32, #tpu.memory_space<vmem>> -> memref<40xi32, #tpu.memory_space<vmem>>
    %dma_wait3A_147 = arith.constant 0 : i32
    %dma_wait3A_148 = arith.constant 0 : i32
    %dma_wait3A_149 = tpu.memref_slice %arg14[%dma_wait3A_147, %dma_wait3A_148] : memref<10000x128xf32, #tpu.memory_space<vmem_shared>> -> memref<10000x128xf32, #tpu.memory_space<vmem_shared>>
    tpu.wait_indirect_dma semaphore(%arg24 : memref<!tpu.dma_semaphore, #tpu.memory_space<semaphore_mem>>) src(%arg11 : memref<40x128xf32, #tpu.memory_space<vmem>>) dst(%dma_wait3A_149 : memref<10000x128xf32, #tpu.memory_space<vmem_shared>>)
    %dma_wait3A_150 = arith.constant 0 : i32
    %dma_wait3A_151 = tpu.memref_slice %arg7[%dma_wait3A_150] : memref<10000xi32, #tpu.memory_space<vmem>> -> memref<40xi32, #tpu.memory_space<vmem>>
    %dma_wait3A_152 = arith.constant 0 : i32
    %dma_wait3A_153 = arith.constant 0 : i32
    %dma_wait3A_154 = tpu.memref_slice %arg14[%dma_wait3A_152, %dma_wait3A_153] : memref<10000x128xf32, #tpu.memory_space<vmem_shared>> -> memref<10000x128xf32, #tpu.memory_space<vmem_shared>>
    tpu.wait_indirect_dma semaphore(%arg25 : memref<!tpu.dma_semaphore, #tpu.memory_space<semaphore_mem>>) src(%arg12 : memref<40x128xf32, #tpu.memory_space<vmem>>) dst(%dma_wait3A_154 : memref<10000x128xf32, #tpu.memory_space<vmem_shared>>)
    %dma_wait3A_155 = arith.constant 0 : i32
    %dma_wait3A_156 = tpu.memref_slice %arg7[%dma_wait3A_155] : memref<10000xi32, #tpu.memory_space<vmem>> -> memref<40xi32, #tpu.memory_space<vmem>>
    %dma_wait3A_157 = arith.constant 0 : i32
    %dma_wait3A_158 = arith.constant 0 : i32
    %dma_wait3A_159 = tpu.memref_slice %arg14[%dma_wait3A_157, %dma_wait3A_158] : memref<10000x128xf32, #tpu.memory_space<vmem_shared>> -> memref<10000x128xf32, #tpu.memory_space<vmem_shared>>
    tpu.wait_indirect_dma semaphore(%arg26 : memref<!tpu.dma_semaphore, #tpu.memory_space<semaphore_mem>>) src(%arg13 : memref<40x128xf32, #tpu.memory_space<vmem>>) dst(%dma_wait3A_159 : memref<10000x128xf32, #tpu.memory_space<vmem_shared>>)
    %barrier3A_160 = arith.constant 0 : index
    tpu.barrier barrier_id(%barrier3A_160)
    %lt3A = arith.constant 15 : i32
    %lt3A_161 = arith.cmpi slt, %arg1, %lt3A : i32
    %convert_element_type3A = arith.extui %lt3A_161 : i1 to i32
    %cond3A = arith.constant 0 : i32
    %cond3A_162 = arith.cmpi ne, %convert_element_type3A, %cond3A : i32
    scf.if %cond3A_162 {
      "tpu.region"() ({
        %run_scoped3A = tpu.sem_alloc : memref<!tpu.dma_semaphore, #tpu.memory_space<semaphore_mem>>
        %dma_start3A_168 = arith.constant 0 : i32
        %dma_start3A_169 = tpu.memref_slice %arg5[%arg0, %mul3A_15, %dma_start3A_168] : memref<2x10000x128xf32, #tpu.memory_space<hbm>> -> memref<1x624x128xf32, #tpu.memory_space<hbm>>
        %dma_start3A_170 = tpu.memref_squeeze %dma_start3A_169 : memref<1x624x128xf32, #tpu.memory_space<hbm>> -> memref<624x128xf32, #tpu.memory_space<hbm>>
        %dma_start3A_171 = arith.constant 0 : i32
        %dma_start3A_172 = tpu.memref_slice %arg14[%mul3A_15, %dma_start3A_171] : memref<10000x128xf32, #tpu.memory_space<vmem_shared>> -> memref<624x128xf32, #tpu.memory_space<vmem_shared>>
        tpu.enqueue_dma source(%dma_start3A_172 : memref<624x128xf32, #tpu.memory_space<vmem_shared>>) target(%dma_start3A_170 : memref<624x128xf32, #tpu.memory_space<hbm>>) target_semaphore(%run_scoped3A : memref<!tpu.dma_semaphore, #tpu.memory_space<semaphore_mem>>)
        %dma_wait3A_173 = arith.constant 0 : i32
        %dma_wait3A_174 = tpu.memref_slice %arg5[%arg0, %mul3A_15, %dma_wait3A_173] : memref<2x10000x128xf32, #tpu.memory_space<hbm>> -> memref<1x624x128xf32, #tpu.memory_space<hbm>>
        %dma_wait3A_175 = tpu.memref_squeeze %dma_wait3A_174 : memref<1x624x128xf32, #tpu.memory_space<hbm>> -> memref<624x128xf32, #tpu.memory_space<hbm>>
        %dma_wait3A_176 = arith.constant 0 : i32
        %dma_wait3A_177 = tpu.memref_slice %arg14[%mul3A_15, %dma_wait3A_176] : memref<10000x128xf32, #tpu.memory_space<vmem_shared>> -> memref<624x128xf32, #tpu.memory_space<vmem_shared>>
        tpu.wait_dma2 semaphore(%run_scoped3A : memref<!tpu.dma_semaphore, #tpu.memory_space<semaphore_mem>>) src(%dma_wait3A_177 : memref<624x128xf32, #tpu.memory_space<vmem_shared>>) dst(%dma_wait3A_175 : memref<624x128xf32, #tpu.memory_space<hbm>>)
        tpu.yield
      }) : () -> ()
    } else {
    }
    %eq3A_163 = arith.constant 15 : i32
    %eq3A_164 = arith.cmpi eq, %arg1, %eq3A_163 : i32
    %convert_element_type3A_165 = arith.extui %eq3A_164 : i1 to i32
    %cond3A_166 = arith.constant 0 : i32
    %cond3A_167 = arith.cmpi ne, %convert_element_type3A_165, %cond3A_166 : i32
    scf.if %cond3A_167 {
      "tpu.region"() ({
        %run_scoped3A = tpu.sem_alloc : memref<!tpu.dma_semaphore, #tpu.memory_space<semaphore_mem>>
        %dma_start3A_168 = arith.constant 0 : i32
        %dma_start3A_169 = tpu.memref_slice %arg5[%arg0, %mul3A_15, %dma_start3A_168] : memref<2x10000x128xf32, #tpu.memory_space<hbm>> -> memref<1x640x128xf32, #tpu.memory_space<hbm>>
        %dma_start3A_170 = tpu.memref_squeeze %dma_start3A_169 : memref<1x640x128xf32, #tpu.memory_space<hbm>> -> memref<640x128xf32, #tpu.memory_space<hbm>>
        %dma_start3A_171 = arith.constant 0 : i32
        %dma_start3A_172 = tpu.memref_slice %arg14[%mul3A_15, %dma_start3A_171] : memref<10000x128xf32, #tpu.memory_space<vmem_shared>> -> memref<640x128xf32, #tpu.memory_space<vmem_shared>>
        tpu.enqueue_dma source(%dma_start3A_172 : memref<640x128xf32, #tpu.memory_space<vmem_shared>>) target(%dma_start3A_170 : memref<640x128xf32, #tpu.memory_space<hbm>>) target_semaphore(%run_scoped3A : memref<!tpu.dma_semaphore, #tpu.memory_space<semaphore_mem>>)
        %dma_wait3A_173 = arith.constant 0 : i32
        %dma_wait3A_174 = tpu.memref_slice %arg5[%arg0, %mul3A_15, %dma_wait3A_173] : memref<2x10000x128xf32, #tpu.memory_space<hbm>> -> memref<1x640x128xf32, #tpu.memory_space<hbm>>
        %dma_wait3A_175 = tpu.memref_squeeze %dma_wait3A_174 : memref<1x640x128xf32, #tpu.memory_space<hbm>> -> memref<640x128xf32, #tpu.memory_space<hbm>>
        %dma_wait3A_176 = arith.constant 0 : i32
        %dma_wait3A_177 = tpu.memref_slice %arg14[%mul3A_15, %dma_wait3A_176] : memref<10000x128xf32, #tpu.memory_space<vmem_shared>> -> memref<640x128xf32, #tpu.memory_space<vmem_shared>>
        tpu.wait_dma2 semaphore(%run_scoped3A : memref<!tpu.dma_semaphore, #tpu.memory_space<semaphore_mem>>) src(%dma_wait3A_177 : memref<640x128xf32, #tpu.memory_space<vmem_shared>>) dst(%dma_wait3A_175 : memref<640x128xf32, #tpu.memory_space<hbm>>)
        tpu.yield
      }) : () -> ()
    } else {
    }
    return
  }
}

module attributes {stable_mosaic.version = 14 : i64} {
  func.func @body(%arg0: i32, %arg1: memref<2000x32xf32, #tpu.memory_space<vmem>>, %arg2: memref<2000x128xf32, #tpu.memory_space<vmem>>, %arg3: memref<128x128xf32, #tpu.memory_space<vmem>>, %arg4: memref<128x128xf32, #tpu.memory_space<vmem>>, %arg5: memref<2000x1xf32, #tpu.memory_space<vmem>>, %arg6: memref<2000x128xf32, #tpu.memory_space<vmem>>, %arg7: memref<2000x128xf32, #tpu.memory_space<vmem>>) attributes {dimension_semantics = [#tpu.dimension_semantics<arbitrary>], iteration_bounds = array<i64: 5>, scalar_prefetch = 0 : i64, scratch_operands = 0 : i64, tpu.core_type = #tpu.core_type<tc>, window_params = [{transform_indices = @transform_0, window_bounds = array<i64: 2000, 32>}, {transform_indices = @transform_1, window_bounds = array<i64: 2000, 128>}, {pipeline_mode = #tpu.pipeline_mode<synchronous>, transform_indices = @transform_2, window_bounds = array<i64: 128, 128>}, {pipeline_mode = #tpu.pipeline_mode<synchronous>, transform_indices = @transform_3, window_bounds = array<i64: 128, 128>}, {transform_indices = @transform_4, window_bounds = array<i64: 2000, 1>}, {transform_indices = @transform_5, window_bounds = array<i64: 2000, 128>}, {transform_indices = @transform_6, window_bounds = array<i64: 2000, 128>}]} {
    %get3A = arith.constant 0 : index
    %get3A_0 = arith.constant 0 : index
    %get3A_1 = vector.load %arg1[%get3A, %get3A_0] : memref<2000x32xf32, #tpu.memory_space<vmem>>, vector<2000x32xf32>
    %reduce_sum3A = arith.constant dense<0.000000e+00> : vector<2000xf32>
    %reduce_sum3A_2 = vector.multi_reduction <add>, %get3A_1, %reduce_sum3A [1] : vector<2000x32xf32> to vector<2000xf32>
    %gt3A = arith.constant 0.000000e+00 : f32
    %gt3A_3 = vector.broadcast %gt3A : f32 to vector<2000xf32>
    %gt3A_4 = arith.cmpf ogt, %reduce_sum3A_2, %gt3A_3 : vector<2000xf32>
    %max3A = arith.constant 9.99999996E-13 : f32
    %max3A_5 = vector.broadcast %max3A : f32 to vector<2000xf32>
    %max3A_6 = arith.maximumf %reduce_sum3A_2, %max3A_5 : vector<2000xf32>
    %sqrt3A = math.sqrt %max3A_6 : vector<2000xf32>
    %div3A = arith.constant 1.000000e+00 : f32
    %div3A_7 = vector.broadcast %div3A : f32 to vector<2000xf32>
    %div3A_8 = arith.divf %div3A_7, %sqrt3A : vector<2000xf32>
    %jit3A = arith.constant 0.000000e+00 : f32
    %broadcast_in_dim3A = vector.broadcast %jit3A : f32 to vector<2000xf32>
    %select_n3A = arith.select %gt3A_4, %div3A_8, %broadcast_in_dim3A : vector<2000xi1>, vector<2000xf32>
    %broadcast_in_dim3A_9 = vector.shape_cast %select_n3A : vector<2000xf32> to vector<2000x1xf32>
    %swap3A = arith.constant 0 : index
    %swap3A_10 = arith.constant 0 : index
    %swap3A_11 = vector.load %arg5[%swap3A, %swap3A_10] : memref<2000x1xf32, #tpu.memory_space<vmem>>, vector<2000x1xf32>
    tpu.vector_store %arg5[%swap3A, %swap3A_10], %broadcast_in_dim3A_9 {strides = array<i32>} : memref<2000x1xf32, #tpu.memory_space<vmem>>, vector<2000x1xf32>,
    %get3A_12 = arith.constant 0 : index
    %get3A_13 = arith.constant 0 : index
    %get3A_14 = vector.load %arg2[%get3A_12, %get3A_13] : memref<2000x128xf32, #tpu.memory_space<vmem>>, vector<2000x128xf32>
    %get3A_15 = arith.constant 0 : index
    %get3A_16 = arith.constant 0 : index
    %get3A_17 = vector.load %arg3[%get3A_15, %get3A_16] : memref<128x128xf32, #tpu.memory_space<vmem>>, vector<128x128xf32>
    %dot_general3A = arith.constant dense<0.000000e+00> : vector<2000x128xf32>
    %dot_general3A_18 = tpu.matmul %get3A_14, %get3A_17, %dot_general3A {dimension_numbers = #tpu.dot_dimension_numbers<[1], [0], [0], [1], [0, 0, 1, 1], [], []>, transpose_lhs_hint = false} : vector<2000x128xf32>, vector<128x128xf32>, vector<2000x128xf32> -> vector<2000x128xf32>
    %swap3A_19 = arith.constant 0 : index
    %swap3A_20 = arith.constant 0 : index
    %swap3A_21 = vector.load %arg6[%swap3A_19, %swap3A_20] : memref<2000x128xf32, #tpu.memory_space<vmem>>, vector<2000x128xf32>
    tpu.vector_store %arg6[%swap3A_19, %swap3A_20], %dot_general3A_18 {strides = array<i32>} : memref<2000x128xf32, #tpu.memory_space<vmem>>, vector<2000x128xf32>,
    %broadcast_in_dim3A_22 = vector.shape_cast %select_n3A : vector<2000xf32> to vector<2000x1xf32>
    %mul3A = vector.broadcast %broadcast_in_dim3A_22 : vector<2000x1xf32> to vector<2000x128xf32>
    %mul3A_23 = arith.mulf %get3A_14, %mul3A : vector<2000x128xf32>
    %get3A_24 = arith.constant 0 : index
    %get3A_25 = arith.constant 0 : index
    %get3A_26 = vector.load %arg4[%get3A_24, %get3A_25] : memref<128x128xf32, #tpu.memory_space<vmem>>, vector<128x128xf32>
    %dot_general3A_27 = arith.constant dense<0.000000e+00> : vector<2000x128xf32>
    %dot_general3A_28 = tpu.matmul %mul3A_23, %get3A_26, %dot_general3A_27 {dimension_numbers = #tpu.dot_dimension_numbers<[1], [0], [0], [1], [0, 0, 1, 1], [], []>, transpose_lhs_hint = false} : vector<2000x128xf32>, vector<128x128xf32>, vector<2000x128xf32> -> vector<2000x128xf32>
    %swap3A_29 = arith.constant 0 : index
    %swap3A_30 = arith.constant 0 : index
    %swap3A_31 = vector.load %arg7[%swap3A_29, %swap3A_30] : memref<2000x128xf32, #tpu.memory_space<vmem>>, vector<2000x128xf32>
    tpu.vector_store %arg7[%swap3A_29, %swap3A_30], %dot_general3A_28 {strides = array<i32>} : memref<2000x128xf32, #tpu.memory_space<vmem>>, vector<2000x128xf32>,
    return
  }
  func.func @transform_0(%arg0: i32) -> (i32, i32) {
    %c0_i32 = arith.constant 0 : i32
    %c0_i32_0 = arith.constant 0 : i32
    return %arg0, %c0_i32 : i32, i32
  }
  func.func @transform_1(%arg0: i32) -> (i32, i32) {
    %c0_i32 = arith.constant 0 : i32
    %c0_i32_0 = arith.constant 0 : i32
    return %arg0, %c0_i32 : i32, i32
  }
  func.func @transform_2(%arg0: i32) -> (i32, i32) {
    %c0_i32 = arith.constant 0 : i32
    %c0_i32_0 = arith.constant 0 : i32
    %c0_i32_1 = arith.constant 0 : i32
    return %c0_i32, %c0_i32_0 : i32, i32
  }
  func.func @transform_3(%arg0: i32) -> (i32, i32) {
    %c0_i32 = arith.constant 0 : i32
    %c0_i32_0 = arith.constant 0 : i32
    %c0_i32_1 = arith.constant 0 : i32
    return %c0_i32, %c0_i32_0 : i32, i32
  }
  func.func @transform_4(%arg0: i32) -> (i32, i32) {
    %c0_i32 = arith.constant 0 : i32
    %c0_i32_0 = arith.constant 0 : i32
    return %arg0, %c0_i32 : i32, i32
  }
  func.func @transform_5(%arg0: i32) -> (i32, i32) {
    %c0_i32 = arith.constant 0 : i32
    %c0_i32_0 = arith.constant 0 : i32
    return %arg0, %c0_i32 : i32, i32
  }
  func.func @transform_6(%arg0: i32) -> (i32, i32) {
    %c0_i32 = arith.constant 0 : i32
    %c0_i32_0 = arith.constant 0 : i32
    return %arg0, %c0_i32 : i32, i32
  }
}

module attributes {stable_mosaic.version = 14 : i64} {
  func.func @body(%arg0: i32, %arg1: memref<2000x128xf32, #tpu.memory_space<vmem>>, %arg2: memref<2x2000x128xf32, #tpu.memory_space<vmem>>, %arg3: memref<2000x1xf32, #tpu.memory_space<vmem>>, %arg4: memref<1x128xf32, #tpu.memory_space<vmem>>, %arg5: memref<1x128xf32, #tpu.memory_space<vmem>>, %arg6: memref<128x128xf32, #tpu.memory_space<vmem>>, %arg7: memref<128x128xf32, #tpu.memory_space<vmem>>, %arg8: memref<2000x128xf32, #tpu.memory_space<vmem>>, %arg9: memref<2000x128xf32, #tpu.memory_space<vmem>>, %arg10: memref<10000x128xf32, #tpu.memory_space<vmem>>, %arg11: memref<2x128xf32, #tpu.memory_space<vmem>>) attributes {dimension_semantics = [#tpu.dimension_semantics<arbitrary>], iteration_bounds = array<i64: 10>, scalar_prefetch = 0 : i64, scratch_operands = 2 : i64, tpu.core_type = #tpu.core_type<tc>, window_params = [{transform_indices = @transform_0, window_bounds = array<i64: 2000, 128>}, {transform_indices = @transform_1, window_bounds = array<i64: 2, 2000, 128>}, {transform_indices = @transform_2, window_bounds = array<i64: 2000, 1>}, {pipeline_mode = #tpu.pipeline_mode<synchronous>, transform_indices = @transform_3, window_bounds = array<i64: 1, 128>}, {pipeline_mode = #tpu.pipeline_mode<synchronous>, transform_indices = @transform_4, window_bounds = array<i64: 1, 128>}, {pipeline_mode = #tpu.pipeline_mode<synchronous>, transform_indices = @transform_5, window_bounds = array<i64: 128, 128>}, {pipeline_mode = #tpu.pipeline_mode<synchronous>, transform_indices = @transform_6, window_bounds = array<i64: 128, 128>}, {transform_indices = @transform_7, window_bounds = array<i64: 2000, 128>}, {transform_indices = @transform_8, window_bounds = array<i64: 2000, 128>}]} {
    %lt3A = arith.constant 5 : i32
    %lt3A_0 = arith.cmpi slt, %arg0, %lt3A : i32
    %convert_element_type3A = arith.extui %lt3A_0 : i1 to i32
    %cond3A = arith.constant 0 : i32
    %cond3A_1 = arith.cmpi ne, %convert_element_type3A, %cond3A : i32
    scf.if %cond3A_1 {
      %get3A = arith.constant 0 : index
      %get3A_6 = arith.constant 0 : index
      %get3A_7 = vector.load %arg1[%get3A, %get3A_6] : memref<2000x128xf32, #tpu.memory_space<vmem>>, vector<2000x128xf32>
      %get3A_8 = arith.constant 0 : index
      %get3A_9 = arith.constant 0 : index
      %get3A_10 = vector.load %arg3[%get3A_8, %get3A_9] : memref<2000x1xf32, #tpu.memory_space<vmem>>, vector<2000x1xf32>
      %get3A_11 = arith.constant 0 : index
      %get3A_12 = arith.constant 0 : index
      %get3A_13 = arith.constant 0 : index
      %get3A_14 = vector.load %arg2[%get3A_11, %get3A_12, %get3A_13] : memref<2x2000x128xf32, #tpu.memory_space<vmem>>, vector<1x2000x128xf32>
      %get3A_15 = vector.shape_cast %get3A_14 : vector<1x2000x128xf32> to vector<2000x128xf32>
      %get3A_16 = arith.constant 1 : index
      %get3A_17 = arith.constant 0 : index
      %get3A_18 = arith.constant 0 : index
      %get3A_19 = vector.load %arg2[%get3A_16, %get3A_17, %get3A_18] : memref<2x2000x128xf32, #tpu.memory_space<vmem>>, vector<1x2000x128xf32>
      %get3A_20 = vector.shape_cast %get3A_19 : vector<1x2000x128xf32> to vector<2000x128xf32>
      %add3A = arith.addf %get3A_15, %get3A_20 : vector<2000x128xf32>
      %mul3A = vector.broadcast %get3A_10 : vector<2000x1xf32> to vector<2000x128xf32>
      %mul3A_21 = arith.mulf %mul3A, %add3A : vector<2000x128xf32>
      %sub3A = arith.subf %get3A_7, %mul3A_21 : vector<2000x128xf32>
      %rem3A = arith.constant 5 : i32
      %rem3A_22 = arith.remsi %arg0, %rem3A : i32
      %mul3A_23 = arith.constant 2000 : i32
      %mul3A_24 = arith.muli %rem3A_22, %mul3A_23 : i32
      %swap3A = arith.index_cast %mul3A_24 : i32 to index
      %swap3A_25 = arith.constant 0 : index
      %swap3A_26 = vector.load %arg10[%swap3A, %swap3A_25] : memref<10000x128xf32, #tpu.memory_space<vmem>>, vector<2000x128xf32>
      tpu.vector_store %arg10[%swap3A, %swap3A_25], %sub3A {strides = array<i32>} : memref<10000x128xf32, #tpu.memory_space<vmem>>, vector<2000x128xf32>,
      %eq3A = arith.constant 0 : i32
      %eq3A_27 = arith.cmpi eq, %arg0, %eq3A : i32
      %reduce_sum3A = arith.constant dense<0.000000e+00> : vector<128xf32>
      %reduce_sum3A_28 = vector.multi_reduction <add>, %sub3A, %reduce_sum3A [0] : vector<2000x128xf32> to vector<128xf32>
      %mul3A_29 = arith.mulf %sub3A, %sub3A : vector<2000x128xf32>
      %reduce_sum3A_30 = arith.constant dense<0.000000e+00> : vector<128xf32>
      %reduce_sum3A_31 = vector.multi_reduction <add>, %mul3A_29, %reduce_sum3A_30 [0] : vector<2000x128xf32> to vector<128xf32>
      %stack3A = vector.shape_cast %reduce_sum3A_28 : vector<128xf32> to vector<1x128xf32>
      %stack3A_32 = vector.shape_cast %reduce_sum3A_31 : vector<128xf32> to vector<1x128xf32>
      %stack3A_33 = tpu.concatenate %stack3A, %stack3A_32 in 0 : vector<1x128xf32>, vector<1x128xf32> -> vector<2x128xf32>
      %convert_element_type3A_34 = arith.extui %eq3A_27 : i1 to i32
      %cond3A_35 = arith.constant 0 : i32
      %cond3A_36 = arith.cmpi ne, %convert_element_type3A_34, %cond3A_35 : i32
      scf.if %cond3A_36 {
        %swap3A_41 = arith.constant 0 : index
        %swap3A_42 = arith.constant 0 : index
        %swap3A_43 = vector.load %arg11[%swap3A_41, %swap3A_42] : memref<2x128xf32, #tpu.memory_space<vmem>>, vector<2x128xf32>
        tpu.vector_store %arg11[%swap3A_41, %swap3A_42], %stack3A_33 {strides = array<i32>} : memref<2x128xf32, #tpu.memory_space<vmem>>, vector<2x128xf32>,
      } else {
      }
      %not3A = arith.constant true
      %not3A_37 = arith.xori %eq3A_27, %not3A : i1
      %convert_element_type3A_38 = arith.extui %not3A_37 : i1 to i32
      %cond3A_39 = arith.constant 0 : i32
      %cond3A_40 = arith.cmpi ne, %convert_element_type3A_38, %cond3A_39 : i32
      scf.if %cond3A_40 {
        %get3A_41 = arith.constant 0 : index
        %get3A_42 = arith.constant 0 : index
        %get3A_43 = vector.load %arg11[%get3A_41, %get3A_42] : memref<2x128xf32, #tpu.memory_space<vmem>>, vector<2x128xf32>
        %add3A_44 = arith.addf %get3A_43, %stack3A_33 : vector<2x128xf32>
        %swap3A_45 = arith.constant 0 : index
        %swap3A_46 = arith.constant 0 : index
        %swap3A_47 = vector.load %arg11[%swap3A_45, %swap3A_46] : memref<2x128xf32, #tpu.memory_space<vmem>>, vector<2x128xf32>
        tpu.vector_store %arg11[%swap3A_45, %swap3A_46], %add3A_44 {strides = array<i32>} : memref<2x128xf32, #tpu.memory_space<vmem>>, vector<2x128xf32>,
      } else {
      }
    } else {
    }
    %ge3A = arith.constant 5 : i32
    %ge3A_2 = arith.cmpi sge, %arg0, %ge3A : i32
    %convert_element_type3A_3 = arith.extui %ge3A_2 : i1 to i32
    %cond3A_4 = arith.constant 0 : i32
    %cond3A_5 = arith.cmpi ne, %convert_element_type3A_3, %cond3A_4 : i32
    scf.if %cond3A_5 {
      %rem3A = arith.constant 5 : i32
      %rem3A_6 = arith.remsi %arg0, %rem3A : i32
      %mul3A = arith.constant 2000 : i32
      %mul3A_7 = arith.muli %rem3A_6, %mul3A : i32
      %get3A = arith.index_cast %mul3A_7 : i32 to index
      %get3A_8 = arith.constant 0 : index
      %get3A_9 = vector.load %arg10[%get3A, %get3A_8] : memref<10000x128xf32, #tpu.memory_space<vmem>>, vector<2000x128xf32>
      %get3A_10 = arith.constant 0 : index
      %get3A_11 = arith.constant 0 : index
      %get3A_12 = vector.load %arg4[%get3A_10, %get3A_11] : memref<1x128xf32, #tpu.memory_space<vmem>>, vector<1x128xf32>
      %get3A_13 = arith.constant 0 : index
      %get3A_14 = arith.constant 0 : index
      %get3A_15 = vector.load %arg5[%get3A_13, %get3A_14] : memref<1x128xf32, #tpu.memory_space<vmem>>, vector<1x128xf32>
      %get3A_16 = arith.constant 0 : index
      %get3A_17 = arith.constant 0 : index
      %get3A_18 = vector.load %arg11[%get3A_16, %get3A_17] : memref<2x128xf32, #tpu.memory_space<vmem>>, vector<1x128xf32>
      %get3A_19 = vector.shape_cast %get3A_18 : vector<1x128xf32> to vector<128xf32>
      %div3A = arith.constant 1.000000e+04 : f32
      %div3A_20 = vector.broadcast %div3A : f32 to vector<128xf32>
      %div3A_21 = arith.divf %get3A_19, %div3A_20 : vector<128xf32>
      %get3A_22 = arith.constant 1 : index
      %get3A_23 = arith.constant 0 : index
      %get3A_24 = vector.load %arg11[%get3A_22, %get3A_23] : memref<2x128xf32, #tpu.memory_space<vmem>>, vector<1x128xf32>
      %get3A_25 = vector.shape_cast %get3A_24 : vector<1x128xf32> to vector<128xf32>
      %div3A_26 = arith.constant 1.000000e+04 : f32
      %div3A_27 = vector.broadcast %div3A_26 : f32 to vector<128xf32>
      %div3A_28 = arith.divf %get3A_25, %div3A_27 : vector<128xf32>
      %mul3A_29 = arith.mulf %div3A_21, %div3A_21 : vector<128xf32>
      %sub3A = arith.subf %div3A_28, %mul3A_29 : vector<128xf32>
      %max3A = arith.constant 0.000000e+00 : f32
      %max3A_30 = vector.broadcast %max3A : f32 to vector<128xf32>
      %max3A_31 = arith.maximumf %sub3A, %max3A_30 : vector<128xf32>
      %add3A = arith.constant 9.99999974E-6 : f32
      %add3A_32 = vector.broadcast %add3A : f32 to vector<128xf32>
      %add3A_33 = arith.addf %max3A_31, %add3A_32 : vector<128xf32>
      %sqrt3A = math.sqrt %add3A_33 : vector<128xf32>
      %div3A_34 = arith.constant 1.000000e+00 : f32
      %div3A_35 = vector.broadcast %div3A_34 : f32 to vector<128xf32>
      %div3A_36 = arith.divf %div3A_35, %sqrt3A : vector<128xf32>
      %broadcast_in_dim3A = vector.shape_cast %div3A_21 : vector<128xf32> to vector<1x128xf32>
      %sub3A_37 = vector.broadcast %broadcast_in_dim3A : vector<1x128xf32> to vector<2000x128xf32>
      %sub3A_38 = arith.subf %get3A_9, %sub3A_37 : vector<2000x128xf32>
      %broadcast_in_dim3A_39 = vector.shape_cast %div3A_36 : vector<128xf32> to vector<1x128xf32>
      %mul3A_40 = vector.broadcast %broadcast_in_dim3A_39 : vector<1x128xf32> to vector<2000x128xf32>
      %mul3A_41 = arith.mulf %sub3A_38, %mul3A_40 : vector<2000x128xf32>
      %mul3A_42 = vector.broadcast %get3A_12 : vector<1x128xf32> to vector<2000x128xf32>
      %mul3A_43 = arith.mulf %mul3A_41, %mul3A_42 : vector<2000x128xf32>
      %add3A_44 = vector.broadcast %get3A_15 : vector<1x128xf32> to vector<2000x128xf32>
      %add3A_45 = arith.addf %mul3A_43, %add3A_44 : vector<2000x128xf32>
      %max3A_46 = arith.constant 0.000000e+00 : f32
      %max3A_47 = vector.broadcast %max3A_46 : f32 to vector<2000x128xf32>
      %max3A_48 = arith.maximumf %add3A_45, %max3A_47 : vector<2000x128xf32>
      %get3A_49 = arith.constant 0 : index
      %get3A_50 = arith.constant 0 : index
      %get3A_51 = vector.load %arg6[%get3A_49, %get3A_50] : memref<128x128xf32, #tpu.memory_space<vmem>>, vector<128x128xf32>
      %dot_general3A = arith.constant dense<0.000000e+00> : vector<2000x128xf32>
      %dot_general3A_52 = tpu.matmul %max3A_48, %get3A_51, %dot_general3A {dimension_numbers = #tpu.dot_dimension_numbers<[1], [0], [0], [1], [0, 0, 1, 1], [], []>, transpose_lhs_hint = false} : vector<2000x128xf32>, vector<128x128xf32>, vector<2000x128xf32> -> vector<2000x128xf32>
      %swap3A = arith.constant 0 : index
      %swap3A_53 = arith.constant 0 : index
      %swap3A_54 = vector.load %arg8[%swap3A, %swap3A_53] : memref<2000x128xf32, #tpu.memory_space<vmem>>, vector<2000x128xf32>
      tpu.vector_store %arg8[%swap3A, %swap3A_53], %dot_general3A_52 {strides = array<i32>} : memref<2000x128xf32, #tpu.memory_space<vmem>>, vector<2000x128xf32>,
      %get3A_55 = arith.constant 0 : index
      %get3A_56 = arith.constant 0 : index
      %get3A_57 = vector.load %arg3[%get3A_55, %get3A_56] : memref<2000x1xf32, #tpu.memory_space<vmem>>, vector<2000x1xf32>
      %mul3A_58 = vector.broadcast %get3A_57 : vector<2000x1xf32> to vector<2000x128xf32>
      %mul3A_59 = arith.mulf %max3A_48, %mul3A_58 : vector<2000x128xf32>
      %get3A_60 = arith.constant 0 : index
      %get3A_61 = arith.constant 0 : index
      %get3A_62 = vector.load %arg7[%get3A_60, %get3A_61] : memref<128x128xf32, #tpu.memory_space<vmem>>, vector<128x128xf32>
      %dot_general3A_63 = arith.constant dense<0.000000e+00> : vector<2000x128xf32>
      %dot_general3A_64 = tpu.matmul %mul3A_59, %get3A_62, %dot_general3A_63 {dimension_numbers = #tpu.dot_dimension_numbers<[1], [0], [0], [1], [0, 0, 1, 1], [], []>, transpose_lhs_hint = false} : vector<2000x128xf32>, vector<128x128xf32>, vector<2000x128xf32> -> vector<2000x128xf32>
      %swap3A_65 = arith.constant 0 : index
      %swap3A_66 = arith.constant 0 : index
      %swap3A_67 = vector.load %arg9[%swap3A_65, %swap3A_66] : memref<2000x128xf32, #tpu.memory_space<vmem>>, vector<2000x128xf32>
      tpu.vector_store %arg9[%swap3A_65, %swap3A_66], %dot_general3A_64 {strides = array<i32>} : memref<2000x128xf32, #tpu.memory_space<vmem>>, vector<2000x128xf32>,
    } else {
    }
    return
  }
  func.func @transform_0(%arg0: i32) -> (i32, i32) {
    %lt3A = arith.constant 5 : i32
    %lt3A_0 = arith.cmpi slt, %arg0, %lt3A : i32
    %jit3A = arith.constant 0 : i32
    %select_n3A = arith.select %lt3A_0, %arg0, %jit3A : i32
    %c0_i32 = arith.constant 0 : i32
    %c0_i32_1 = arith.constant 0 : i32
    return %select_n3A, %c0_i32 : i32, i32
  }
  func.func @transform_1(%arg0: i32) -> (i32, i32, i32) {
    %lt3A = arith.constant 5 : i32
    %lt3A_0 = arith.cmpi slt, %arg0, %lt3A : i32
    %jit3A = arith.constant 0 : i32
    %select_n3A = arith.select %lt3A_0, %arg0, %jit3A : i32
    %c0_i32 = arith.constant 0 : i32
    %c0_i32_1 = arith.constant 0 : i32
    %c0_i32_2 = arith.constant 0 : i32
    return %c0_i32, %select_n3A, %c0_i32_1 : i32, i32, i32
  }
  func.func @transform_2(%arg0: i32) -> (i32, i32) {
    %rem3A = arith.constant 5 : i32
    %rem3A_0 = arith.remsi %arg0, %rem3A : i32
    %c0_i32 = arith.constant 0 : i32
    %c0_i32_1 = arith.constant 0 : i32
    return %rem3A_0, %c0_i32 : i32, i32
  }
  func.func @transform_3(%arg0: i32) -> (i32, i32) {
    %c0_i32 = arith.constant 0 : i32
    %c0_i32_0 = arith.constant 0 : i32
    %c0_i32_1 = arith.constant 0 : i32
    return %c0_i32, %c0_i32_0 : i32, i32
  }
  func.func @transform_4(%arg0: i32) -> (i32, i32) {
    %c0_i32 = arith.constant 0 : i32
    %c0_i32_0 = arith.constant 0 : i32
    %c0_i32_1 = arith.constant 0 : i32
    return %c0_i32, %c0_i32_0 : i32, i32
  }
  func.func @transform_5(%arg0: i32) -> (i32, i32) {
    %c0_i32 = arith.constant 0 : i32
    %c0_i32_0 = arith.constant 0 : i32
    %c0_i32_1 = arith.constant 0 : i32
    return %c0_i32, %c0_i32_0 : i32, i32
  }
  func.func @transform_6(%arg0: i32) -> (i32, i32) {
    %c0_i32 = arith.constant 0 : i32
    %c0_i32_0 = arith.constant 0 : i32
    %c0_i32_1 = arith.constant 0 : i32
    return %c0_i32, %c0_i32_0 : i32, i32
  }
  func.func @transform_7(%arg0: i32) -> (i32, i32) {
    %sub3A = arith.constant 5 : i32
    %sub3A_0 = arith.subi %arg0, %sub3A : i32
    %max3A = arith.constant 0 : i32
    %max3A_1 = arith.maxsi %sub3A_0, %max3A : i32
    %c0_i32 = arith.constant 0 : i32
    %c0_i32_2 = arith.constant 0 : i32
    return %max3A_1, %c0_i32 : i32, i32
  }
  func.func @transform_8(%arg0: i32) -> (i32, i32) {
    %sub3A = arith.constant 5 : i32
    %sub3A_0 = arith.subi %arg0, %sub3A : i32
    %max3A = arith.constant 0 : i32
    %max3A_1 = arith.maxsi %sub3A_0, %max3A : i32
    %c0_i32 = arith.constant 0 : i32
    %c0_i32_2 = arith.constant 0 : i32
    return %max3A_1, %c0_i32 : i32, i32
  }
}

module attributes {stable_mosaic.version = 14 : i64} {
  func.func @body(%arg0: i32, %arg1: memref<2000x128xf32, #tpu.memory_space<vmem>>, %arg2: memref<2x2000x128xf32, #tpu.memory_space<vmem>>, %arg3: memref<2000x1xf32, #tpu.memory_space<vmem>>, %arg4: memref<1x128xf32, #tpu.memory_space<vmem>>, %arg5: memref<1x128xf32, #tpu.memory_space<vmem>>, %arg6: memref<128x64xf32, #tpu.memory_space<vmem>>, %arg7: memref<1x64xf32, #tpu.memory_space<vmem>>, %arg8: memref<1x64xf32, #tpu.memory_space<vmem>>, %arg9: memref<64x64xf32, #tpu.memory_space<vmem>>, %arg10: memref<1x64xf32, #tpu.memory_space<vmem>>, %arg11: memref<2000x64xf32, #tpu.memory_space<vmem>>, %arg12: memref<1x64xf32, #tpu.memory_space<vmem>>, %arg13: memref<10000x128xf32, #tpu.memory_space<vmem>>, %arg14: memref<10000x64xf32, #tpu.memory_space<vmem>>, %arg15: memref<2x128xf32, #tpu.memory_space<vmem>>, %arg16: memref<2x64xf32, #tpu.memory_space<vmem>>, %arg17: memref<1x64xf32, #tpu.memory_space<vmem>>) attributes {dimension_semantics = [#tpu.dimension_semantics<arbitrary>], iteration_bounds = array<i64: 15>, scalar_prefetch = 0 : i64, scratch_operands = 5 : i64, tpu.core_type = #tpu.core_type<tc>, window_params = [{transform_indices = @transform_0, window_bounds = array<i64: 2000, 128>}, {transform_indices = @transform_1, window_bounds = array<i64: 2, 2000, 128>}, {transform_indices = @transform_2, window_bounds = array<i64: 2000, 1>}, {pipeline_mode = #tpu.pipeline_mode<synchronous>, transform_indices = @transform_3, window_bounds = array<i64: 1, 128>}, {pipeline_mode = #tpu.pipeline_mode<synchronous>, transform_indices = @transform_4, window_bounds = array<i64: 1, 128>}, {pipeline_mode = #tpu.pipeline_mode<synchronous>, transform_indices = @transform_5, window_bounds = array<i64: 128, 64>}, {pipeline_mode = #tpu.pipeline_mode<synchronous>, transform_indices = @transform_6, window_bounds = array<i64: 1, 64>}, {pipeline_mode = #tpu.pipeline_mode<synchronous>, transform_indices = @transform_7, window_bounds = array<i64: 1, 64>}, {pipeline_mode = #tpu.pipeline_mode<synchronous>, transform_indices = @transform_8, window_bounds = array<i64: 64, 64>}, {pipeline_mode = #tpu.pipeline_mode<synchronous>, transform_indices = @transform_9, window_bounds = array<i64: 1, 64>}, {transform_indices = @transform_10, window_bounds = array<i64: 2000, 64>}, {pipeline_mode = #tpu.pipeline_mode<synchronous>, transform_indices = @transform_11, window_bounds = array<i64: 1, 64>}]} {
    %rem3A = arith.constant 5 : i32
    %rem3A_0 = arith.remsi %arg0, %rem3A : i32
    %lt3A = arith.constant 5 : i32
    %lt3A_1 = arith.cmpi slt, %arg0, %lt3A : i32
    %convert_element_type3A = arith.extui %lt3A_1 : i1 to i32
    %cond3A = arith.constant 0 : i32
    %cond3A_2 = arith.cmpi ne, %convert_element_type3A, %cond3A : i32
    scf.if %cond3A_2 {
      %get3A = arith.constant 0 : index
      %get3A_14 = arith.constant 0 : index
      %get3A_15 = vector.load %arg1[%get3A, %get3A_14] : memref<2000x128xf32, #tpu.memory_space<vmem>>, vector<2000x128xf32>
      %get3A_16 = arith.constant 0 : index
      %get3A_17 = arith.constant 0 : index
      %get3A_18 = vector.load %arg3[%get3A_16, %get3A_17] : memref<2000x1xf32, #tpu.memory_space<vmem>>, vector<2000x1xf32>
      %get3A_19 = arith.constant 0 : index
      %get3A_20 = arith.constant 0 : index
      %get3A_21 = arith.constant 0 : index
      %get3A_22 = vector.load %arg2[%get3A_19, %get3A_20, %get3A_21] : memref<2x2000x128xf32, #tpu.memory_space<vmem>>, vector<1x2000x128xf32>
      %get3A_23 = vector.shape_cast %get3A_22 : vector<1x2000x128xf32> to vector<2000x128xf32>
      %get3A_24 = arith.constant 1 : index
      %get3A_25 = arith.constant 0 : index
      %get3A_26 = arith.constant 0 : index
      %get3A_27 = vector.load %arg2[%get3A_24, %get3A_25, %get3A_26] : memref<2x2000x128xf32, #tpu.memory_space<vmem>>, vector<1x2000x128xf32>
      %get3A_28 = vector.shape_cast %get3A_27 : vector<1x2000x128xf32> to vector<2000x128xf32>
      %add3A = arith.addf %get3A_23, %get3A_28 : vector<2000x128xf32>
      %mul3A = vector.broadcast %get3A_18 : vector<2000x1xf32> to vector<2000x128xf32>
      %mul3A_29 = arith.mulf %mul3A, %add3A : vector<2000x128xf32>
      %sub3A = arith.subf %get3A_15, %mul3A_29 : vector<2000x128xf32>
      %mul3A_30 = arith.constant 2000 : i32
      %mul3A_31 = arith.muli %rem3A_0, %mul3A_30 : i32
      %swap3A = arith.index_cast %mul3A_31 : i32 to index
      %swap3A_32 = arith.constant 0 : index
      %swap3A_33 = vector.load %arg13[%swap3A, %swap3A_32] : memref<10000x128xf32, #tpu.memory_space<vmem>>, vector<2000x128xf32>
      tpu.vector_store %arg13[%swap3A, %swap3A_32], %sub3A {strides = array<i32>} : memref<10000x128xf32, #tpu.memory_space<vmem>>, vector<2000x128xf32>,
      %eq3A = arith.constant 0 : i32
      %eq3A_34 = arith.cmpi eq, %arg0, %eq3A : i32
      %reduce_sum3A = arith.constant dense<0.000000e+00> : vector<128xf32>
      %reduce_sum3A_35 = vector.multi_reduction <add>, %sub3A, %reduce_sum3A [0] : vector<2000x128xf32> to vector<128xf32>
      %mul3A_36 = arith.mulf %sub3A, %sub3A : vector<2000x128xf32>
      %reduce_sum3A_37 = arith.constant dense<0.000000e+00> : vector<128xf32>
      %reduce_sum3A_38 = vector.multi_reduction <add>, %mul3A_36, %reduce_sum3A_37 [0] : vector<2000x128xf32> to vector<128xf32>
      %stack3A = vector.shape_cast %reduce_sum3A_35 : vector<128xf32> to vector<1x128xf32>
      %stack3A_39 = vector.shape_cast %reduce_sum3A_38 : vector<128xf32> to vector<1x128xf32>
      %stack3A_40 = tpu.concatenate %stack3A, %stack3A_39 in 0 : vector<1x128xf32>, vector<1x128xf32> -> vector<2x128xf32>
      %convert_element_type3A_41 = arith.extui %eq3A_34 : i1 to i32
      %cond3A_42 = arith.constant 0 : i32
      %cond3A_43 = arith.cmpi ne, %convert_element_type3A_41, %cond3A_42 : i32
      scf.if %cond3A_43 {
        %swap3A_48 = arith.constant 0 : index
        %swap3A_49 = arith.constant 0 : index
        %swap3A_50 = vector.load %arg15[%swap3A_48, %swap3A_49] : memref<2x128xf32, #tpu.memory_space<vmem>>, vector<2x128xf32>
        tpu.vector_store %arg15[%swap3A_48, %swap3A_49], %stack3A_40 {strides = array<i32>} : memref<2x128xf32, #tpu.memory_space<vmem>>, vector<2x128xf32>,
      } else {
      }
      %not3A = arith.constant true
      %not3A_44 = arith.xori %eq3A_34, %not3A : i1
      %convert_element_type3A_45 = arith.extui %not3A_44 : i1 to i32
      %cond3A_46 = arith.constant 0 : i32
      %cond3A_47 = arith.cmpi ne, %convert_element_type3A_45, %cond3A_46 : i32
      scf.if %cond3A_47 {
        %get3A_48 = arith.constant 0 : index
        %get3A_49 = arith.constant 0 : index
        %get3A_50 = vector.load %arg15[%get3A_48, %get3A_49] : memref<2x128xf32, #tpu.memory_space<vmem>>, vector<2x128xf32>
        %add3A_51 = arith.addf %get3A_50, %stack3A_40 : vector<2x128xf32>
        %swap3A_52 = arith.constant 0 : index
        %swap3A_53 = arith.constant 0 : index
        %swap3A_54 = vector.load %arg15[%swap3A_52, %swap3A_53] : memref<2x128xf32, #tpu.memory_space<vmem>>, vector<2x128xf32>
        tpu.vector_store %arg15[%swap3A_52, %swap3A_53], %add3A_51 {strides = array<i32>} : memref<2x128xf32, #tpu.memory_space<vmem>>, vector<2x128xf32>,
      } else {
      }
    } else {
    }
    %ge3A = arith.constant 5 : i32
    %ge3A_3 = arith.cmpi sge, %arg0, %ge3A : i32
    %lt3A_4 = arith.constant 10 : i32
    %lt3A_5 = arith.cmpi slt, %arg0, %lt3A_4 : i32
    %and3A = arith.andi %ge3A_3, %lt3A_5 : i1
    %convert_element_type3A_6 = arith.extui %and3A : i1 to i32
    %cond3A_7 = arith.constant 0 : i32
    %cond3A_8 = arith.cmpi ne, %convert_element_type3A_6, %cond3A_7 : i32
    scf.if %cond3A_8 {
      %mul3A = arith.constant 2000 : i32
      %mul3A_14 = arith.muli %rem3A_0, %mul3A : i32
      %get3A = arith.index_cast %mul3A_14 : i32 to index
      %get3A_15 = arith.constant 0 : index
      %get3A_16 = vector.load %arg13[%get3A, %get3A_15] : memref<10000x128xf32, #tpu.memory_space<vmem>>, vector<2000x128xf32>
      %get3A_17 = arith.constant 0 : index
      %get3A_18 = arith.constant 0 : index
      %get3A_19 = vector.load %arg4[%get3A_17, %get3A_18] : memref<1x128xf32, #tpu.memory_space<vmem>>, vector<1x128xf32>
      %get3A_20 = arith.constant 0 : index
      %get3A_21 = arith.constant 0 : index
      %get3A_22 = vector.load %arg5[%get3A_20, %get3A_21] : memref<1x128xf32, #tpu.memory_space<vmem>>, vector<1x128xf32>
      %get3A_23 = arith.constant 0 : index
      %get3A_24 = arith.constant 0 : index
      %get3A_25 = vector.load %arg15[%get3A_23, %get3A_24] : memref<2x128xf32, #tpu.memory_space<vmem>>, vector<1x128xf32>
      %get3A_26 = vector.shape_cast %get3A_25 : vector<1x128xf32> to vector<128xf32>
      %div3A = arith.constant 1.000000e+04 : f32
      %div3A_27 = vector.broadcast %div3A : f32 to vector<128xf32>
      %div3A_28 = arith.divf %get3A_26, %div3A_27 : vector<128xf32>
      %get3A_29 = arith.constant 1 : index
      %get3A_30 = arith.constant 0 : index
      %get3A_31 = vector.load %arg15[%get3A_29, %get3A_30] : memref<2x128xf32, #tpu.memory_space<vmem>>, vector<1x128xf32>
      %get3A_32 = vector.shape_cast %get3A_31 : vector<1x128xf32> to vector<128xf32>
      %div3A_33 = arith.constant 1.000000e+04 : f32
      %div3A_34 = vector.broadcast %div3A_33 : f32 to vector<128xf32>
      %div3A_35 = arith.divf %get3A_32, %div3A_34 : vector<128xf32>
      %mul3A_36 = arith.mulf %div3A_28, %div3A_28 : vector<128xf32>
      %sub3A = arith.subf %div3A_35, %mul3A_36 : vector<128xf32>
      %max3A = arith.constant 0.000000e+00 : f32
      %max3A_37 = vector.broadcast %max3A : f32 to vector<128xf32>
      %max3A_38 = arith.maximumf %sub3A, %max3A_37 : vector<128xf32>
      %add3A = arith.constant 9.99999974E-6 : f32
      %add3A_39 = vector.broadcast %add3A : f32 to vector<128xf32>
      %add3A_40 = arith.addf %max3A_38, %add3A_39 : vector<128xf32>
      %sqrt3A = math.sqrt %add3A_40 : vector<128xf32>
      %div3A_41 = arith.constant 1.000000e+00 : f32
      %div3A_42 = vector.broadcast %div3A_41 : f32 to vector<128xf32>
      %div3A_43 = arith.divf %div3A_42, %sqrt3A : vector<128xf32>
      %broadcast_in_dim3A = vector.shape_cast %div3A_28 : vector<128xf32> to vector<1x128xf32>
      %sub3A_44 = vector.broadcast %broadcast_in_dim3A : vector<1x128xf32> to vector<2000x128xf32>
      %sub3A_45 = arith.subf %get3A_16, %sub3A_44 : vector<2000x128xf32>
      %broadcast_in_dim3A_46 = vector.shape_cast %div3A_43 : vector<128xf32> to vector<1x128xf32>
      %mul3A_47 = vector.broadcast %broadcast_in_dim3A_46 : vector<1x128xf32> to vector<2000x128xf32>
      %mul3A_48 = arith.mulf %sub3A_45, %mul3A_47 : vector<2000x128xf32>
      %mul3A_49 = vector.broadcast %get3A_19 : vector<1x128xf32> to vector<2000x128xf32>
      %mul3A_50 = arith.mulf %mul3A_48, %mul3A_49 : vector<2000x128xf32>
      %add3A_51 = vector.broadcast %get3A_22 : vector<1x128xf32> to vector<2000x128xf32>
      %add3A_52 = arith.addf %mul3A_50, %add3A_51 : vector<2000x128xf32>
      %max3A_53 = arith.constant 0.000000e+00 : f32
      %max3A_54 = vector.broadcast %max3A_53 : f32 to vector<2000x128xf32>
      %max3A_55 = arith.maximumf %add3A_52, %max3A_54 : vector<2000x128xf32>
      %get3A_56 = arith.constant 0 : index
      %get3A_57 = arith.constant 0 : index
      %get3A_58 = vector.load %arg6[%get3A_56, %get3A_57] : memref<128x64xf32, #tpu.memory_space<vmem>>, vector<128x64xf32>
      %dot_general3A = arith.constant dense<0.000000e+00> : vector<2000x64xf32>
      %dot_general3A_59 = tpu.matmul %max3A_55, %get3A_58, %dot_general3A {dimension_numbers = #tpu.dot_dimension_numbers<[1], [0], [0], [1], [0, 0, 1, 1], [], []>, transpose_lhs_hint = false} : vector<2000x128xf32>, vector<128x64xf32>, vector<2000x64xf32> -> vector<2000x64xf32>
      %mul3A_60 = arith.constant 2000 : i32
      %mul3A_61 = arith.muli %rem3A_0, %mul3A_60 : i32
      %swap3A = arith.index_cast %mul3A_61 : i32 to index
      %swap3A_62 = arith.constant 0 : index
      %swap3A_63 = vector.load %arg14[%swap3A, %swap3A_62] : memref<10000x64xf32, #tpu.memory_space<vmem>>, vector<2000x64xf32>
      tpu.vector_store %arg14[%swap3A, %swap3A_62], %dot_general3A_59 {strides = array<i32>} : memref<10000x64xf32, #tpu.memory_space<vmem>>, vector<2000x64xf32>,
      %eq3A = arith.constant 5 : i32
      %eq3A_64 = arith.cmpi eq, %arg0, %eq3A : i32
      %reduce_sum3A = arith.constant dense<0.000000e+00> : vector<64xf32>
      %reduce_sum3A_65 = vector.multi_reduction <add>, %dot_general3A_59, %reduce_sum3A [0] : vector<2000x64xf32> to vector<64xf32>
      %mul3A_66 = arith.mulf %dot_general3A_59, %dot_general3A_59 : vector<2000x64xf32>
      %reduce_sum3A_67 = arith.constant dense<0.000000e+00> : vector<64xf32>
      %reduce_sum3A_68 = vector.multi_reduction <add>, %mul3A_66, %reduce_sum3A_67 [0] : vector<2000x64xf32> to vector<64xf32>
      %stack3A = vector.shape_cast %reduce_sum3A_65 : vector<64xf32> to vector<1x64xf32>
      %stack3A_69 = vector.shape_cast %reduce_sum3A_68 : vector<64xf32> to vector<1x64xf32>
      %stack3A_70 = tpu.concatenate %stack3A, %stack3A_69 in 0 : vector<1x64xf32>, vector<1x64xf32> -> vector<2x64xf32>
      %convert_element_type3A_71 = arith.extui %eq3A_64 : i1 to i32
      %cond3A_72 = arith.constant 0 : i32
      %cond3A_73 = arith.cmpi ne, %convert_element_type3A_71, %cond3A_72 : i32
      scf.if %cond3A_73 {
        %swap3A_78 = arith.constant 0 : index
        %swap3A_79 = arith.constant 0 : index
        %swap3A_80 = vector.load %arg16[%swap3A_78, %swap3A_79] : memref<2x64xf32, #tpu.memory_space<vmem>>, vector<2x64xf32>
        tpu.vector_store %arg16[%swap3A_78, %swap3A_79], %stack3A_70 {strides = array<i32>} : memref<2x64xf32, #tpu.memory_space<vmem>>, vector<2x64xf32>,
      } else {
      }
      %not3A = arith.constant true
      %not3A_74 = arith.xori %eq3A_64, %not3A : i1
      %convert_element_type3A_75 = arith.extui %not3A_74 : i1 to i32
      %cond3A_76 = arith.constant 0 : i32
      %cond3A_77 = arith.cmpi ne, %convert_element_type3A_75, %cond3A_76 : i32
      scf.if %cond3A_77 {
        %get3A_78 = arith.constant 0 : index
        %get3A_79 = arith.constant 0 : index
        %get3A_80 = vector.load %arg16[%get3A_78, %get3A_79] : memref<2x64xf32, #tpu.memory_space<vmem>>, vector<2x64xf32>
        %add3A_81 = arith.addf %get3A_80, %stack3A_70 : vector<2x64xf32>
        %swap3A_82 = arith.constant 0 : index
        %swap3A_83 = arith.constant 0 : index
        %swap3A_84 = vector.load %arg16[%swap3A_82, %swap3A_83] : memref<2x64xf32, #tpu.memory_space<vmem>>, vector<2x64xf32>
        tpu.vector_store %arg16[%swap3A_82, %swap3A_83], %add3A_81 {strides = array<i32>} : memref<2x64xf32, #tpu.memory_space<vmem>>, vector<2x64xf32>,
      } else {
      }
    } else {
    }
    %ge3A_9 = arith.constant 10 : i32
    %ge3A_10 = arith.cmpi sge, %arg0, %ge3A_9 : i32
    %convert_element_type3A_11 = arith.extui %ge3A_10 : i1 to i32
    %cond3A_12 = arith.constant 0 : i32
    %cond3A_13 = arith.cmpi ne, %convert_element_type3A_11, %cond3A_12 : i32
    scf.if %cond3A_13 {
      %mul3A = arith.constant 2000 : i32
      %mul3A_14 = arith.muli %rem3A_0, %mul3A : i32
      %get3A = arith.index_cast %mul3A_14 : i32 to index
      %get3A_15 = arith.constant 0 : index
      %get3A_16 = vector.load %arg14[%get3A, %get3A_15] : memref<10000x64xf32, #tpu.memory_space<vmem>>, vector<2000x64xf32>
      %get3A_17 = arith.constant 0 : index
      %get3A_18 = arith.constant 0 : index
      %get3A_19 = vector.load %arg7[%get3A_17, %get3A_18] : memref<1x64xf32, #tpu.memory_space<vmem>>, vector<1x64xf32>
      %get3A_20 = arith.constant 0 : index
      %get3A_21 = arith.constant 0 : index
      %get3A_22 = vector.load %arg8[%get3A_20, %get3A_21] : memref<1x64xf32, #tpu.memory_space<vmem>>, vector<1x64xf32>
      %get3A_23 = arith.constant 0 : index
      %get3A_24 = arith.constant 0 : index
      %get3A_25 = vector.load %arg16[%get3A_23, %get3A_24] : memref<2x64xf32, #tpu.memory_space<vmem>>, vector<1x64xf32>
      %get3A_26 = vector.shape_cast %get3A_25 : vector<1x64xf32> to vector<64xf32>
      %div3A = arith.constant 1.000000e+04 : f32
      %div3A_27 = vector.broadcast %div3A : f32 to vector<64xf32>
      %div3A_28 = arith.divf %get3A_26, %div3A_27 : vector<64xf32>
      %get3A_29 = arith.constant 1 : index
      %get3A_30 = arith.constant 0 : index
      %get3A_31 = vector.load %arg16[%get3A_29, %get3A_30] : memref<2x64xf32, #tpu.memory_space<vmem>>, vector<1x64xf32>
      %get3A_32 = vector.shape_cast %get3A_31 : vector<1x64xf32> to vector<64xf32>
      %div3A_33 = arith.constant 1.000000e+04 : f32
      %div3A_34 = vector.broadcast %div3A_33 : f32 to vector<64xf32>
      %div3A_35 = arith.divf %get3A_32, %div3A_34 : vector<64xf32>
      %mul3A_36 = arith.mulf %div3A_28, %div3A_28 : vector<64xf32>
      %sub3A = arith.subf %div3A_35, %mul3A_36 : vector<64xf32>
      %max3A = arith.constant 0.000000e+00 : f32
      %max3A_37 = vector.broadcast %max3A : f32 to vector<64xf32>
      %max3A_38 = arith.maximumf %sub3A, %max3A_37 : vector<64xf32>
      %add3A = arith.constant 9.99999974E-6 : f32
      %add3A_39 = vector.broadcast %add3A : f32 to vector<64xf32>
      %add3A_40 = arith.addf %max3A_38, %add3A_39 : vector<64xf32>
      %sqrt3A = math.sqrt %add3A_40 : vector<64xf32>
      %div3A_41 = arith.constant 1.000000e+00 : f32
      %div3A_42 = vector.broadcast %div3A_41 : f32 to vector<64xf32>
      %div3A_43 = arith.divf %div3A_42, %sqrt3A : vector<64xf32>
      %broadcast_in_dim3A = vector.shape_cast %div3A_28 : vector<64xf32> to vector<1x64xf32>
      %sub3A_44 = vector.broadcast %broadcast_in_dim3A : vector<1x64xf32> to vector<2000x64xf32>
      %sub3A_45 = arith.subf %get3A_16, %sub3A_44 : vector<2000x64xf32>
      %broadcast_in_dim3A_46 = vector.shape_cast %div3A_43 : vector<64xf32> to vector<1x64xf32>
      %mul3A_47 = vector.broadcast %broadcast_in_dim3A_46 : vector<1x64xf32> to vector<2000x64xf32>
      %mul3A_48 = arith.mulf %sub3A_45, %mul3A_47 : vector<2000x64xf32>
      %mul3A_49 = vector.broadcast %get3A_19 : vector<1x64xf32> to vector<2000x64xf32>
      %mul3A_50 = arith.mulf %mul3A_48, %mul3A_49 : vector<2000x64xf32>
      %add3A_51 = vector.broadcast %get3A_22 : vector<1x64xf32> to vector<2000x64xf32>
      %add3A_52 = arith.addf %mul3A_50, %add3A_51 : vector<2000x64xf32>
      %max3A_53 = arith.constant 0.000000e+00 : f32
      %max3A_54 = vector.broadcast %max3A_53 : f32 to vector<2000x64xf32>
      %max3A_55 = arith.maximumf %add3A_52, %max3A_54 : vector<2000x64xf32>
      %get3A_56 = arith.constant 0 : index
      %get3A_57 = arith.constant 0 : index
      %get3A_58 = vector.load %arg9[%get3A_56, %get3A_57] : memref<64x64xf32, #tpu.memory_space<vmem>>, vector<64x64xf32>
      %dot_general3A = arith.constant dense<0.000000e+00> : vector<2000x64xf32>
      %dot_general3A_59 = tpu.matmul %max3A_55, %get3A_58, %dot_general3A {dimension_numbers = #tpu.dot_dimension_numbers<[1], [0], [0], [1], [0, 0, 1, 1], [], []>, transpose_lhs_hint = false} : vector<2000x64xf32>, vector<64x64xf32>, vector<2000x64xf32> -> vector<2000x64xf32>
      %get3A_60 = arith.constant 0 : index
      %get3A_61 = arith.constant 0 : index
      %get3A_62 = vector.load %arg10[%get3A_60, %get3A_61] : memref<1x64xf32, #tpu.memory_space<vmem>>, vector<1x64xf32>
      %add3A_63 = vector.broadcast %get3A_62 : vector<1x64xf32> to vector<2000x64xf32>
      %add3A_64 = arith.addf %dot_general3A_59, %add3A_63 : vector<2000x64xf32>
      %swap3A = arith.constant 0 : index
      %swap3A_65 = arith.constant 0 : index
      %swap3A_66 = vector.load %arg11[%swap3A, %swap3A_65] : memref<2000x64xf32, #tpu.memory_space<vmem>>, vector<2000x64xf32>
      tpu.vector_store %arg11[%swap3A, %swap3A_65], %add3A_64 {strides = array<i32>} : memref<2000x64xf32, #tpu.memory_space<vmem>>, vector<2000x64xf32>,
      %reduce_sum3A = arith.constant dense<0.000000e+00> : vector<64xf32>
      %reduce_sum3A_67 = vector.multi_reduction <add>, %max3A_55, %reduce_sum3A [0] : vector<2000x64xf32> to vector<64xf32>
      %broadcast_in_dim3A_68 = vector.shape_cast %reduce_sum3A_67 : vector<64xf32> to vector<1x64xf32>
      %eq3A = arith.constant 10 : i32
      %eq3A_69 = arith.cmpi eq, %arg0, %eq3A : i32
      %convert_element_type3A_70 = arith.extui %eq3A_69 : i1 to i32
      %cond3A_71 = arith.constant 0 : i32
      %cond3A_72 = arith.cmpi ne, %convert_element_type3A_70, %cond3A_71 : i32
      scf.if %cond3A_72 {
        %swap3A_82 = arith.constant 0 : index
        %swap3A_83 = arith.constant 0 : index
        %swap3A_84 = vector.load %arg17[%swap3A_82, %swap3A_83] : memref<1x64xf32, #tpu.memory_space<vmem>>, vector<1x64xf32>
        tpu.vector_store %arg17[%swap3A_82, %swap3A_83], %broadcast_in_dim3A_68 {strides = array<i32>} : memref<1x64xf32, #tpu.memory_space<vmem>>, vector<1x64xf32>,
      } else {
      }
      %gt3A = arith.constant 10 : i32
      %gt3A_73 = arith.cmpi sgt, %arg0, %gt3A : i32
      %convert_element_type3A_74 = arith.extui %gt3A_73 : i1 to i32
      %cond3A_75 = arith.constant 0 : i32
      %cond3A_76 = arith.cmpi ne, %convert_element_type3A_74, %cond3A_75 : i32
      scf.if %cond3A_76 {
        %get3A_82 = arith.constant 0 : index
        %get3A_83 = arith.constant 0 : index
        %get3A_84 = vector.load %arg17[%get3A_82, %get3A_83] : memref<1x64xf32, #tpu.memory_space<vmem>>, vector<1x64xf32>
        %add3A_85 = arith.addf %get3A_84, %broadcast_in_dim3A_68 : vector<1x64xf32>
        %swap3A_86 = arith.constant 0 : index
        %swap3A_87 = arith.constant 0 : index
        %swap3A_88 = vector.load %arg17[%swap3A_86, %swap3A_87] : memref<1x64xf32, #tpu.memory_space<vmem>>, vector<1x64xf32>
        tpu.vector_store %arg17[%swap3A_86, %swap3A_87], %add3A_85 {strides = array<i32>} : memref<1x64xf32, #tpu.memory_space<vmem>>, vector<1x64xf32>,
      } else {
      }
      %eq3A_77 = arith.constant 14 : i32
      %eq3A_78 = arith.cmpi eq, %arg0, %eq3A_77 : i32
      %convert_element_type3A_79 = arith.extui %eq3A_78 : i1 to i32
      %cond3A_80 = arith.constant 0 : i32
      %cond3A_81 = arith.cmpi ne, %convert_element_type3A_79, %cond3A_80 : i32
      scf.if %cond3A_81 {
        %get3A_82 = arith.constant 0 : index
        %get3A_83 = arith.constant 0 : index
        %get3A_84 = vector.load %arg17[%get3A_82, %get3A_83] : memref<1x64xf32, #tpu.memory_space<vmem>>, vector<1x64xf32>
        %div3A_85 = arith.constant 1.000000e+04 : f32
        %div3A_86 = vector.broadcast %div3A_85 : f32 to vector<1x64xf32>
        %div3A_87 = arith.divf %get3A_84, %div3A_86 : vector<1x64xf32>
        %get3A_88 = arith.constant 0 : index
        %get3A_89 = arith.constant 0 : index
        %get3A_90 = vector.load %arg9[%get3A_88, %get3A_89] : memref<64x64xf32, #tpu.memory_space<vmem>>, vector<64x64xf32>
        %dot_general3A_91 = arith.constant dense<0.000000e+00> : vector<1x64xf32>
        %dot_general3A_92 = tpu.matmul %div3A_87, %get3A_90, %dot_general3A_91 {dimension_numbers = #tpu.dot_dimension_numbers<[1], [0], [0], [1], [0, 0, 1, 1], [], []>, transpose_lhs_hint = false} : vector<1x64xf32>, vector<64x64xf32>, vector<1x64xf32> -> vector<1x64xf32>
        %get3A_93 = arith.constant 0 : index
        %get3A_94 = arith.constant 0 : index
        %get3A_95 = vector.load %arg10[%get3A_93, %get3A_94] : memref<1x64xf32, #tpu.memory_space<vmem>>, vector<1x64xf32>
        %add3A_96 = arith.addf %dot_general3A_92, %get3A_95 : vector<1x64xf32>
        %swap3A_97 = arith.constant 0 : index
        %swap3A_98 = arith.constant 0 : index
        %swap3A_99 = vector.load %arg12[%swap3A_97, %swap3A_98] : memref<1x64xf32, #tpu.memory_space<vmem>>, vector<1x64xf32>
        tpu.vector_store %arg12[%swap3A_97, %swap3A_98], %add3A_96 {strides = array<i32>} : memref<1x64xf32, #tpu.memory_space<vmem>>, vector<1x64xf32>,
      } else {
      }
    } else {
    }
    return
  }
  func.func @transform_0(%arg0: i32) -> (i32, i32) {
    %lt3A = arith.constant 5 : i32
    %lt3A_0 = arith.cmpi slt, %arg0, %lt3A : i32
    %jit3A = arith.constant 0 : i32
    %select_n3A = arith.select %lt3A_0, %arg0, %jit3A : i32
    %c0_i32 = arith.constant 0 : i32
    %c0_i32_1 = arith.constant 0 : i32
    return %select_n3A, %c0_i32 : i32, i32
  }
  func.func @transform_1(%arg0: i32) -> (i32, i32, i32) {
    %lt3A = arith.constant 5 : i32
    %lt3A_0 = arith.cmpi slt, %arg0, %lt3A : i32
    %jit3A = arith.constant 0 : i32
    %select_n3A = arith.select %lt3A_0, %arg0, %jit3A : i32
    %c0_i32 = arith.constant 0 : i32
    %c0_i32_1 = arith.constant 0 : i32
    %c0_i32_2 = arith.constant 0 : i32
    return %c0_i32, %select_n3A, %c0_i32_1 : i32, i32, i32
  }
  func.func @transform_2(%arg0: i32) -> (i32, i32) {
    %lt3A = arith.constant 5 : i32
    %lt3A_0 = arith.cmpi slt, %arg0, %lt3A : i32
    %jit3A = arith.constant 0 : i32
    %select_n3A = arith.select %lt3A_0, %arg0, %jit3A : i32
    %c0_i32 = arith.constant 0 : i32
    %c0_i32_1 = arith.constant 0 : i32
    return %select_n3A, %c0_i32 : i32, i32
  }
  func.func @transform_3(%arg0: i32) -> (i32, i32) {
    %c0_i32 = arith.constant 0 : i32
    %c0_i32_0 = arith.constant 0 : i32
    %c0_i32_1 = arith.constant 0 : i32
    return %c0_i32, %c0_i32_0 : i32, i32
  }
  func.func @transform_4(%arg0: i32) -> (i32, i32) {
    %c0_i32 = arith.constant 0 : i32
    %c0_i32_0 = arith.constant 0 : i32
    %c0_i32_1 = arith.constant 0 : i32
    return %c0_i32, %c0_i32_0 : i32, i32
  }
  func.func @transform_5(%arg0: i32) -> (i32, i32) {
    %c0_i32 = arith.constant 0 : i32
    %c0_i32_0 = arith.constant 0 : i32
    %c0_i32_1 = arith.constant 0 : i32
    return %c0_i32, %c0_i32_0 : i32, i32
  }
  func.func @transform_6(%arg0: i32) -> (i32, i32) {
    %c0_i32 = arith.constant 0 : i32
    %c0_i32_0 = arith.constant 0 : i32
    %c0_i32_1 = arith.constant 0 : i32
    return %c0_i32, %c0_i32_0 : i32, i32
  }
  func.func @transform_7(%arg0: i32) -> (i32, i32) {
    %c0_i32 = arith.constant 0 : i32
    %c0_i32_0 = arith.constant 0 : i32
    %c0_i32_1 = arith.constant 0 : i32
    return %c0_i32, %c0_i32_0 : i32, i32
  }
  func.func @transform_8(%arg0: i32) -> (i32, i32) {
    %c0_i32 = arith.constant 0 : i32
    %c0_i32_0 = arith.constant 0 : i32
    %c0_i32_1 = arith.constant 0 : i32
    return %c0_i32, %c0_i32_0 : i32, i32
  }
  func.func @transform_9(%arg0: i32) -> (i32, i32) {
    %c0_i32 = arith.constant 0 : i32
    %c0_i32_0 = arith.constant 0 : i32
    %c0_i32_1 = arith.constant 0 : i32
    return %c0_i32, %c0_i32_0 : i32, i32
  }
  func.func @transform_10(%arg0: i32) -> (i32, i32) {
    %sub3A = arith.constant 10 : i32
    %sub3A_0 = arith.subi %arg0, %sub3A : i32
    %max3A = arith.constant 0 : i32
    %max3A_1 = arith.maxsi %sub3A_0, %max3A : i32
    %c0_i32 = arith.constant 0 : i32
    %c0_i32_2 = arith.constant 0 : i32
    return %max3A_1, %c0_i32 : i32, i32
  }
  func.func @transform_11(%arg0: i32) -> (i32, i32) {
    %c0_i32 = arith.constant 0 : i32
    %c0_i32_0 = arith.constant 0 : i32
    %c0_i32_1 = arith.constant 0 : i32
    return %c0_i32, %c0_i32_0 : i32, i32
  }
}

</mosaic_0001>

<sc_bundles>
// kernel: kernel.11.cloned.1.call-start
scs
__scs_entry_jumppad:
0x0: {  	(pc) =	sbr.rel $0x88, $3  }
0x1: {  	(tag) =	ssettag $0x0;
	lr =	simm.s32 $0x1  }
0x2: {  	[smem:$0x3F92] =	sst lr;
	_ =	strace $0xD0000000  }
0x3: {  	_ = 	snop  }
0x4: {  	_ = 	snop  }
0x5: {  	_ = 	snop  }
0x6: {  	_ = 	snop  }
0x7: {  	_ = 	snop  }
__scs_overlays_trampoline_lowered:
0x8: {  	[smem:$0x3FA1] =	sst s0  }
0x9: {  	[smem:$0x3FA2] =	sst s1  }
0xa: {  	[smem:$0x3FA3] =	sst s2  }
0xb: {  	[smem:$0x3FA4] =	sst s3  }
0xc: {  	[smem:$0x3FA5] =	sst s4  }
0xd: {  	[smem:$0x3FA6] =	sst s5  }
0xe: {  	[smem:$0x3FA7] =	sst s6  }
0xf: {  	[smem:$0x3FA8] =	sst s7  }
0x10: {  	[smem:$0x3FA9] =	sst s8  }
0x11: {  	[smem:$0x3FAA] =	sst s9;
	s0 =	simm.s32 @!p0 $0x0  }
0x12: {  	s1 =	sld [smem:$0x3F90];
	s0 =	simm.s32 @p0 $0x1  }
0x13: {  	[smem:$0x3FAB] =	sst s0;
	s0 =	simm.s32 @!p1 $0x0  }
0x14: {  	s2 =	sld [smem:$0x3F8F];
	s0 =	simm.s32 @p1 $0x1  }
0x15: {  	[smem:$0x3FAC] =	sst s0;
	s0 =	simm.s32 @!p2 $0x0  }
0x16: {  	s3 =	sld [smem:$0x3FDB];
	s0 =	simm.s32 @p2 $0x1  }
0x17: {  	s4 =	simm.s32 $0x1BF5;
	[smem:$0x3FAE] =	sst s0  }
0x18: {  	s0 =	sld [smem:$0x3F91];
	_ =	swait.ge [sflag:s4], $0x0  }
0x19: {  	s7 =	sld [smem:$0x3F92]  }
0x1a: {  	s8 =	sadd.s32 $0xFFFFE003, lr  }
0x1b: {  	s9 =	sadd.s32 $0xFFFFFEF7, lr;
	s5 =	simm.s32 $0xFFFFFFFF;
	p2 =	slt.u32 s8, $0xFFFFF086  }
0x1c: {  	p1 =	slt.u32 s9, $0xF7A;
	s5 =	simm.s32 @!p2 $0x0  }
0x1d: {  	s5 =	simm.s32 @p1 $0x1;
	p0 =	seq.s32 s7, s2  }
0x1e: {  	s7 =	smul.u32 @!p0 $0xF7A, s2;
	p2 =	seq.s32 @!p0 s5, $0x0  }
0x1f: {  	s9 =	smul.u32 $0xF7A, s1;
	s8 =	simm.s32 @!p0 $0x1BF5;
	p2 =	por !p2, p0  }
0x20: {  	[sflag:s8] =	ssyncset.s32 @!p0 $0xFFFFF086;
	s6 =	sadd.s32 @!p0 s3, s7;
	s7 =	simm.s32 @!p0 $0x108  }
0x21: {  	s3 =	sadd.s32 s3, s9;
	s6 =	sadd.s32 @!p0 $0x88, s6;
	s7 =	simm.s32 @p2 $0x1082  }
0x22: {  	[simem:s7], [sflag:s8] =	dma.local @!p0 [hbm:s6], $0xF7A  }
0x23: {  	s9 =	sor.u32 $0xD0000000, s2;
	s6 =	simm.s32 $0x108;
	_ =	swait.ge @!p0 [sflag:s8], $0x0  }
0x24: {  	s3 =	sadd.s32 $0x88, s3;
	s6 =	simm.s32 @!p1 $0x1082;
	[sflag:s4] =	ssyncset.s32 $0xFFFFF086  }
0x25: {  	[simem:s6], [sflag:s4] =	dma.local [hbm:s3], $0xF7A  }
0x26: {  	[smem:$0x3F92] =	sst s1;
	(tag) =	ssettag s2;
	_ =	strace s9  }
0x27: {  	s1 =	sld [smem:$0x3FA2]  }
0x28: {  	s2 =	sld [smem:$0x3FA3]  }
0x29: {  	s4 =	sld [smem:$0x3FA5]  }
0x2a: {  	p0 =	seq.s32 s5, $0x0;
	s5 =	sld [smem:$0x3FA6]  }
0x2b: {  	s6 =	sld [smem:$0x3FA7]  }
0x2c: {  	s7 =	sld [smem:$0x3FA8]  }
0x2d: {  	s3 =	simm.s32 $0x108;
	s8 =	sld [smem:$0x3FA9]  }
0x2e: {  	s3 =	simm.s32 @!p0 $0x1082;
	s9 =	sld [smem:$0x3FAA]  }
0x2f: {  	lr =	sadd.s32 s0, s3;
	s0 =	sld [smem:$0x3FA1]  }
0x30: {  	s3 =	sld [smem:$0x3FA4]  }
0x31: {  	[smem:$0x3FAD] =	sst s10  }
0x32: {  	s10 =	sld [smem:$0x3FAB];
	_ =	sdelay $0x3  }
0x33: {  	p0 =	seq.s32 s10, $0x1;
	s10 =	sld [smem:$0x3FAD];
	_ =	sdelay $0x3  }
0x34: {  	[smem:$0x3FAD] =	sst s10  }
0x35: {  	s10 =	sld [smem:$0x3FAC];
	_ =	sdelay $0x3  }
0x36: {  	p1 =	seq.s32 s10, $0x1;
	s10 =	sld [smem:$0x3FAD];
	_ =	sdelay $0x3  }
0x37: {  	[smem:$0x3FAD] =	sst s10  }
0x38: {  	s10 =	sld [smem:$0x3FAE]  }
0x39: {  	_ = 	snop;
	(pc) =	sbr.ind lr, $3  }
0x3a: {  	_ = 	snop  }
0x3b: {  	_ = 	snop  }
0x3c: {  	p2 =	seq.s32 s10, $0x1;
	s10 =	sld [smem:$0x3FAD]  }
0x3d: {  	_ =	shalt  }
0x3e: {  	_ =	shalt  }
0x3f: {  	_ =	shalt  }
0x40: {  	_ =	shalt  }
0x41: {  	_ =	shalt  }
0x42: {  	_ =	shalt  }
0x43: {  	_ =	shalt  }
0x44: {  	_ =	shalt  }
0x45: {  	_ =	shalt  }
0x46: {  	_ =	shalt  }
0x47: {  	_ =	shalt  }
0x48: {  	_ =	shalt  }
0x49: {  	_ =	shalt  }
0x4a: {  	_ =	shalt  }
0x4b: {  	_ =	shalt  }
0x4c: {  	_ =	shalt  }
0x4d: {  	_ =	shalt  }
0x4e: {  	_ =	shalt  }
0x4f: {  	_ =	shalt  }
0x50: {  	_ =	shalt  }
0x51: {  	_ =	shalt  }
0x52: {  	_ =	shalt  }
0x53: {  	_ =	shalt  }
0x54: {  	_ =	shalt  }
0x55: {  	_ =	shalt  }
0x56: {  	_ =	shalt  }
0x57: {  	_ =	shalt  }
0x58: {  	_ =	shalt  }
0x59: {  	_ =	shalt  }
0x5a: {  	_ =	shalt  }
0x5b: {  	_ =	shalt  }
0x5c: {  	_ =	shalt  }
0x5d: {  	_ =	shalt  }
0x5e: {  	_ =	shalt  }
0x5f: {  	_ =	shalt  }
0x60: {  	_ =	shalt  }
0x61: {  	_ =	shalt  }
0x62: {  	_ =	shalt  }
0x63: {  	_ =	shalt  }
0x64: {  	_ =	shalt  }
0x65: {  	_ =	shalt  }
0x66: {  	_ =	shalt  }
0x67: {  	_ =	shalt  }
0x68: {  	_ =	shalt  }
0x69: {  	_ =	shalt  }
0x6a: {  	_ =	shalt  }
0x6b: {  	_ =	shalt  }
0x6c: {  	_ =	shalt  }
0x6d: {  	_ =	shalt  }
0x6e: {  	_ =	shalt  }
0x6f: {  	_ =	shalt  }
0x70: {  	_ =	shalt  }
0x71: {  	_ =	shalt  }
0x72: {  	_ =	shalt  }
0x73: {  	_ =	shalt  }
0x74: {  	_ =	shalt  }
0x75: {  	_ =	shalt  }
0x76: {  	_ =	shalt  }
0x77: {  	_ =	shalt  }
0x78: {  	_ =	shalt  }
0x79: {  	_ =	shalt  }
0x7a: {  	_ =	shalt  }
0x7b: {  	_ =	shalt  }
0x7c: {  	_ =	shalt  }
0x7d: {  	_ =	shalt  }
0x7e: {  	_ =	shalt  }
0x7f: {  	_ =	shalt  }
0x80: {  	_ =	shalt  }
0x81: {  	_ =	shalt  }
0x82: {  	_ =	shalt  }
0x83: {  	_ =	shalt  }
0x84: {  	_ =	shalt  }
0x85: {  	_ =	shalt  }
0x86: {  	_ =	shalt  }
0x87: {  	_ =	shalt  }
.Lfunc_end0:
.L_simem_size_0:
called_computation.1_lowered:
.L_overlay_start_0:
0x88: {  	s2 =	sld [smem:$0x3FD9]  }
0x89: {  	s3 =	sld [smem:$0x3FFE];
	_ =	sdelay $0x1  }
0x8a: {  	s1 =	srdreg.scid  }
0x8b: {  	s0 =	sand.u32 $0x1, s1  }
0x8c: {  	s16 =	sshll.u32 s0, $0xA;
	s2 =	sadd.s32 s3, s2  }
0x8d: {  	s2 =	sadd.s32 s2, s16  }
0x8e: {  	[smem:$0x3FB9] =	sst s2  }
0x8f: {  	_ = 	snop  }
0x90: {  	(tm) =	ssettm $0x1  }
0x91: {  	s17 =	sld [smem:$0x3FFB];
	_ =	sdelay $0x3  }
0x92: {  	_ =	strace s17  }
0x93: {  	s2 =	sld [smem:$0x3FFC];
	_ =	sdelay $0x3  }
0x94: {  	_ =	strace s2  }
0x95: {  	s2 =	sld [smem:$0x3FFD];
	_ =	sdelay $0x3  }
0x96: {  	_ =	strace s2  }
0x97: {  	_ =	strace $0x8FFFFFFF  }
0x98: {  	s18 =	sld [smem:$0x3FDB];
	_ =	sdelay $0x1  }
0x99: {  	s19 =	simm.s32 $_scs_section_size  }
0x9a: {  	s4 =	simm.s32 $_size__tile_overlayer_lowered;
	s5 =	simm.s32 $_tile_overlayer_lowered  }
0x9b: {  	s22 =	simm.s32 $0x1BFF;
	s21 =	sshll.u32 s5, $0x1;
	s2 =	sadd.s32 s19, s18  }
0x9c: {  	s6 =	simm.s32 $0x0;
	s20 =	sshll.u32 s4, $0x1;
	s4 =	sadd.s32 s21, s2  }
0x9d: {  	[timem:s6], [sflag:s22] =	dma.local [hbm:s4], s20  }
0x9e: {  	_ =	swait.ge [sflag:s22], s20  }
0x9f: {  	s3 =	ssub.s32 $0x0, s20;
	[sflag:s22] =	ssyncset.done $0x0  }
0xa0: {  	[sflag:s22] =	ssyncadd.s32 s3;
	_ =	sdelay $0x1  }
0xa1: {  	s23 =	simm.s32 $0x1B8B  }
0xa2: {  	_ =	swait.ge [sflag:s23], $0x1  }
0xa3: {  	[sflag:s23] =	ssyncset.done $0x0  }
0xa4: {  	s25 =	simm.s32 $0x1B8E;
	s24 =	sld [smem:$0x3FFE];
	[sflag:s23] =	ssyncadd.s32 $0xFFFFFFFF  }
0xa5: {  	s26 =	simm.s32 $execute0_lowered;
	[smem:$0x3FD2] =	sst s25  }
0xa6: {  	s4 =	sshll.u32 s26, $0x1;
	_ =	strace $0x80000049;
	[dreg:$0x1] =	wrdreg $0xFFFFFFFF  }
0xa7: {  	s28 =	simm.s32 $_size_execute0_lowered;
	s2 =	sadd.s32 s2, s4;
	[dreg:$0x0] =	wrdreg $0x0  }
0xa8: {  	s4 =	sshll.u32 s28, $0x1;
	[dreg:$0x2] =	wrdreg s2  }
0xa9: {  	[dreg:$0x3] =	wrdreg s4  }
0xaa: {  	[dreg:$0x4] =	wrdreg $0xC0  }
0xab: {  	_ =	task [dreg:s6], $0x5FFFF  }
0xac: {  	[dreg:$0x1] =	wrdreg $0xFFFFFFFF  }
0xad: {  	[dreg:$0x0] =	wrdreg $0x60  }
0xae: {  	[dreg:$0x2] =	wrdreg s24  }
0xaf: {  	[dreg:$0x3] =	wrdreg $0xC7000  }
0xb0: {  	[dreg:$0x4] =	wrdreg $0x9  }
0xb1: {  	_ =	task.clear_ibuf [dreg:s6], $0x5FFFF;
	_ =	strace $0x90000049  }
0xb2: {  	s29 =	simm.s32 $0x9;
	_ =	strace $0x8000004B  }
0xb3: {  	_ =	swait.ge [sflag:s29], $0x1  }
0xb4: {  	[sflag:s29] =	ssyncadd.s32 $0xFFFFFFFF  }
0xb5: {  	_ =	strace $0x9000004B  }
0xb6: {  	_ =	sfence  }
0xb7: {  	s30 =	sld [smem:$0x0];
	_ =	sdelay $0x2  }
0xb8: {  	s31 =	sshll.u32 s1, $0xD;
	s1 =	sshrl.u32 s1, $0x2  }
0xb9: {  	s3 =	sand.u32 $0x4000, s31;
	s1 =	sadd.s32 s1, s30  }
0xba: {  	s0 =	sor.u32 s3, s0;
	s1 =	sshll.u32 s1, $0x11  }
0xbb: {  	s0 =	sor.u32 s1, s0  }
0xbc: {  	s0 =	sadd.s32 $0x8F2B, s0  }
0xbd: {  	[sflag:s0] =	ssyncadd.remote.s32 $0x1  }
0xbe: {  	_ =	sfence.sel $0xFFFF  }
0xbf: {  	[dreg:$0x0] =	wrdreg $0xFFFFFFFF;
	(pc) =	sbr.abs _section_cstart, $3  }
0xc0: {  	[dreg:$0x1] =	wrdreg $0xFFFFFFFF  }
0xc1: {  	_ =	task.clear_ibuf [dreg:s6], $0x2FFFF;
	_ =	strace $0x9FFFFFFF  }
0xc2: {  	(tm) =	ssettm $0x7FFFFFFF  }
0xc3: {  	_ =	shalt  }
tec
execute0_lowered:
.L_overlay_start_1:
0x0: {  	(tag) =	ssettag $0x1  }
0x1: {  	s0 =	rddreg [dreg:$0x0];
	s1 =	srdreg.scid  }
0x2: {  	s7 =	stileid.u32;
	s2 =	rddreg [dreg:$0x1];
	s4 =	simm.s32 $0x0  }
0x3: {  	s8 =	simm.s32 $0x50;
	s13 =	simm.s32 $0x4F00;
	s14 =	simm.s32 $0x1  }
0x4: {  	s15 =	simm.s32 $0x7;
	s16 =	simm.s32 $0x28;
	s17 =	simm.s32 $0xB300  }
0x5: {  	s18 =	simm.s32 $0x2;
	s19 =	simm.s32 $0x6300;
	s20 =	simm.s32 $0x3  }
0x6: {  	s21 =	simm.s32 $0x7700;
	s22 =	simm.s32 $0x4;
	s29 =	simm.s32 $0x9F00  }
0x7: {  	s31 =	simm.s32 $0x9;
	s12 =	simm.s32 $0xA;
	s30 =	simm.s32 $0x0  }
0x8: {  	s1 =	sand.u32 $0x1, s1;
	s3 =	sshll.u32 s7, $0x1;
	[smem:$0x7FF] =	sst s4  }
0x9: {  	s4 =	sadd.s32 $0x16400, s0;
	s24 =	smul.u32 $0x13800, s7;
	p0 =	seq.s32 s7, $0xF  }
0xa: {  	s25 =	smul.u32 $0x4E000, s7;
	s3 =	sor.u32 s1, s3;
	_ =	strace $0x8000004A  }
0xb: {  	s5 =	ssub.s32 $0x2, s1;
	s1 =	smul.u32 $0x138800, s1;
	s8 =	simm.s32 @!p0 $0x4E  }
0xc: {  	[dreg:$0x3] =	wrdreg s29;
	s3 =	smul.u32 $0x4E2, s3;
	s6 =	sshrl.u32 s5, $0x1  }
0xd: {  	[dreg:$0x6] =	wrdreg s8;
	s5 =	ssub.s32 s5, s6;
	s6 =	sshrl.u32 s25, $0x2  }
0xe: {  	s3 =	sadd.s32 s3, s0;
	s0 =	sadd.s32 $0x3D600, s0;
	s28 =	smax.u32 s5, $0x1  }
0xf: {  	s23 =	sadd.s32 $0xC600, s3;
	s3 =	sadd.s32 $0x2800, s3;
	[dreg:$0xa] =	wrdreg s28  }
0x10: {  	s6 =	sadd.s32 s6, s2;
	[dreg:$0x5] =	wrdreg s3;
	s3 =	sadd.s32 s24, s1  }
0x11: {  	[dreg:$0x7] =	wrdreg s6;
	s1 =	sshrl.u32 s1, $0x3;
	s3 =	sshrl.u32 s3, $0x3  }
0x12: {  	[dreg:$0x4] =	wrdreg s23;
	s1 =	sadd.s32 s0, s1;
	s0 =	sadd.s32 s0, s3  }
0x13: {  	s26 =	sadd.s32 $0x24900, s1;
	[dreg:$0x8] =	wrdreg s0;
	s0 =	sadd.s32 $0x124800, s2  }
0x14: {  	s23 =	simm.s32 $0x8B00;
	[dreg:$0x9] =	wrdreg s26;
	s0 =	sshrl.u32 @p0 s0, $0x3  }
0x15: {  	v0 =	vimm.f32 $0.0e+00;
	s24 =	simm.s32 $0x5;
	s26 =	simm.s32 $0x6;
	[dreg:$0xb] =	wrdreg s0  }
.LBB2_1:
0x16: {  	s0 =	simm.s32 $0x0;
	s1 =	rddreg [dreg:$0x4]  }
0x17: {  	[tilespmem:s0], [sflag:$0x7] =	stream.linear.gather [hbm4b:s1+s0], $0x2710, $0x38;
	[tilespmem:$0x1FF80] =	vst v63  }
0x18: {  	s29 =	rddreg [dreg:$0x5];
	s3 =	simm.s32 $0x2780  }
0x19: {  	[tilespmem:s3], [sflag:$0x7] =	stream.linear.gather [hbm4b:s29+s0], $0x2710, $0x38;
	[tilespmem:$0x1FF80] =	vst v63  }
0x1a: {  	s0 =	simm.s32 $0x0;
	s3 =	simm.s32 $0x200  }
.LBB2_2:
0x1b: {  	p1 =	sne.s32 s3, $0x4E00;
	[tilespmem:s0+$0x4F70] =	vst v0  }
0x1c: {  	[tilespmem:s0+$0x4F00] =	vst v0  }
0x1d: {  	[tilespmem:s0+$0x4F10] =	vst v0  }
.Ltmp0:
0x1e: {  	[tilespmem:s0+$0x4F20] =	vst v0;
	(pc) =	sbr.rel @p1 .LBB2_2-.Ltmp0, $4  }
0x1f: {  	[tilespmem:s0+$0x4F30] =	vst v0  }
0x20: {  	[tilespmem:s0+$0x4F40] =	vst v0  }
0x21: {  	[tilespmem:s0+$0x4F50] =	vst v0  }
0x22: {  	[tilespmem:s0+$0x4F60] =	vst v0;
	s0 =	sshra.s32 s3, $0x2;
	s3 =	sadd.s32 $0x200, s3  }
0x23: {  	[tilespmem:s0+$0x4F70] =	vst v0  }
0x24: {  	[tilespmem:s0+$0x4F00] =	vst v0  }
0x25: {  	[tilespmem:s0+$0x4F10] =	vst v0  }
0x26: {  	[tilespmem:s0+$0x4F20] =	vst v0;
	p1 =	sne.s32 s8, $0x1  }
.Ltmp1:
0x27: {  	[tilespmem:s0+$0x4F30] =	vst v0;
	(pc) =	sbr.rel @!p1 .LBB2_5-.Ltmp1, $4  }
0x28: {  	[tilespmem:s0+$0x4F40] =	vst v0  }
0x29: {  	[tilespmem:s0+$0x4F50] =	vst v0  }
0x2a: {  	[tilespmem:s0+$0x4F60] =	vst v0;
	s0 =	sadd.s32 $0xFFFFFFFF, s8;
	s3 =	smov.u32 s6  }
0x2b: {  	[spmem:s6] =	stream.linear.scatter [tilespmem:s13], [sflag:$0x1], $0x400, $0x38;
	[tilespmem:$0x1FF80] =	vst v63  }
.LBB2_4:
0x2c: {  	p2 =	sne.s32 s0, $0x1  }
.Ltmp2:
0x2d: {  	_ = 	snop;
	(pc) =	sbr.rel @p2 .LBB2_4-.Ltmp2, $3  }
0x2e: {  	_ = 	snop  }
0x2f: {  	s0 =	sadd.s32 $0xFFFFFFFF, s0;
	s3 =	sadd.s32 $0x400, s3;
	_ =	sdelay $0x1  }
0x30: {  	[spmem:s3] =	stream.linear.scatter [tilespmem:s13], [sflag:$0x1], $0x400, $0x38;
	[tilespmem:$0x1FF80] =	vst v63  }
.LBB2_5:
.Ltmp3:
0x31: {  	(pc) =	sbr.rel @!p1 .LBB2_7-.Ltmp3, $3  }
0x32: {  	_ =	sdelay $0x1  }
0x33: {  	_ =	swait.ge [sflag:s14], $0x400  }
0x34: {  	s0 =	sadd.s32 $0xFFFFFFFF, s8;
	[sflag:s14] =	ssyncset.done $0x0  }
.LBB2_6:
0x35: {  	p1 =	sne.s32 s0, $0x1;
	s0 =	sadd.s32 $0xFFFFFFFF, s0;
	[sflag:s14] =	ssyncadd.s32 $0xFFFFFC00  }
.Ltmp4:
0x36: {  	(pc) =	sbr.rel @p1 .LBB2_6-.Ltmp4, $3  }
0x37: {  	_ =	sdelay $0x1  }
0x38: {  	_ =	swait.ge [sflag:s14], $0x400  }
0x39: {  	[sflag:s14] =	ssyncset.done $0x0  }
.LBB2_7:
0x3a: {  	[sflag:s14] =	ssyncadd.s32 $0xFFFFFC00  }
0x3b: {  	_ =	swait.ge [sflag:s15], $0x2710  }
0x3c: {  	[sflag:s15] =	ssyncset.done $0x0  }
0x3d: {  	[sflag:s15] =	ssyncadd.s32 $0xFFFFD8F0  }
0x3e: {  	_ =	swait.ge [sflag:s15], $0x2710  }
0x3f: {  	[sflag:s15] =	ssyncset.done $0x0  }
0x40: {  	p1 =	por $0x0, $0x0;
	[sflag:s15] =	ssyncadd.s32 $0xFFFFD8F0  }
0x41: {  	s0 =	simm.s32 @p1 $0x7;
	[bflag:$0x0] =	sbarrier.arrive $0xFFFF  }
0x42: {  	_ =	swait.ge @p1 [sflag:s0], $0x1400  }
0x43: {  	s3 =	simm.s32 @p1 $0x0;
	s5 =	simm.s32 @p1 $0x28;
	[sflag:s0] =	ssyncset.done @p1 $0x0  }
0x44: {  	s6 =	simm.s32 @p1 $0x8;
	[sflag:s0] =	ssyncadd.s32 @p1 $0xFFFFEC00;
	s0 =	simm.s32 @p1 $0x4F00  }
0x45: {  	[tilespmem:s0], [sflag:$0x1] =	stream.indirect.gather @p1 [hbm4b:s4+s5], $0x80, s3, s5, $0xb8;
	[tilespmem:$0x1FF80] =	vst v63  }
0x46: {  	_ =	swait.ge @p1 [sflag:s6], $0x1400  }
0x47: {  	s0 =	simm.s32 @p1 $0x28;
	[sflag:s6] =	ssyncset.done @p1 $0x0  }
0x48: {  	s3 =	simm.s32 @p1 $0x6300;
	[sflag:s6] =	ssyncadd.s32 @p1 $0xFFFFEC00;
	s6 =	simm.s32 @p1 $0x9  }
0x49: {  	[tilespmem:s3], [sflag:$0x2] =	stream.indirect.gather @p1 [hbm4b:s4+s5], $0x80, s0, s5, $0xb8;
	[tilespmem:$0x1FF80] =	vst v63  }
0x4a: {  	_ =	swait.ge @p1 [sflag:s6], $0x1400  }
0x4b: {  	s0 =	simm.s32 @p1 $0x50;
	[sflag:s6] =	ssyncset.done @p1 $0x0  }
0x4c: {  	s3 =	simm.s32 @p1 $0x7700;
	[sflag:s6] =	ssyncadd.s32 @p1 $0xFFFFEC00;
	s6 =	simm.s32 @p1 $0xA  }
0x4d: {  	[tilespmem:s3], [sflag:$0x3] =	stream.indirect.gather @p1 [hbm4b:s4+s5], $0x80, s0, s5, $0xb8;
	[tilespmem:$0x1FF80] =	vst v63  }
0x4e: {  	_ =	swait.ge @p1 [sflag:s6], $0x1400  }
0x4f: {  	s0 =	simm.s32 @p1 $0x78;
	[sflag:s6] =	ssyncset.done @p1 $0x0  }
0x50: {  	s3 =	simm.s32 @p1 $0x8B00;
	[sflag:s6] =	ssyncadd.s32 @p1 $0xFFFFEC00;
	s6 =	simm.s32 @p1 $0xB  }
0x51: {  	[tilespmem:s3], [sflag:$0x4] =	stream.indirect.gather @p1 [hbm4b:s4+s5], $0x80, s0, s5, $0xb8;
	[tilespmem:$0x1FF80] =	vst v63  }
0x52: {  	_ =	swait.ge @p1 [sflag:s6], $0x1400  }
0x53: {  	s9 =	simm.s32 @p1 $0xC;
	[sflag:s6] =	ssyncset.done @p1 $0x0  }
0x54: {  	s0 =	simm.s32 $0xA0;
	s3 =	simm.s32 @p1 $0x9F00;
	[sflag:s6] =	ssyncadd.s32 @p1 $0xFFFFEC00  }
0x55: {  	[tilespmem:s3], [sflag:$0x5] =	stream.indirect.gather @p1 [hbm4b:s4+s5], $0x80, s0, s5, $0xb8;
	[tilespmem:$0x1FF80] =	vst v63  }
0x56: {  	_ =	swait.ge @p1 [sflag:s9], $0x1400  }
0x57: {  	s0 =	simm.s32 @!p1 $0x28;
	[sflag:s9] =	ssyncset.done @p1 $0x0  }
0x58: {  	s3 =	simm.s32 @!p1 $0x0;
	s5 =	simm.s32 @!p1 $0x4F00;
	[sflag:s9] =	ssyncadd.s32 @p1 $0xFFFFEC00  }
0x59: {  	[tilespmem:s5], [sflag:$0x1] =	stream.indirect.gather @!p1 [hbm4b:s4+s0], $0x80, s3, s0, $0xb8;
	[tilespmem:$0x1FF80] =	vst v63  }
0x5a: {  	s3 =	simm.s32 @!p1 $0x6300  }
0x5b: {  	[tilespmem:s3], [sflag:$0x2] =	stream.indirect.gather @!p1 [hbm4b:s4+s0], $0x80, s0, s0, $0xb8;
	[tilespmem:$0x1FF80] =	vst v63  }
0x5c: {  	s5 =	simm.s32 @!p1 $0x7700;
	s3 =	simm.s32 @!p1 $0x50  }
0x5d: {  	[tilespmem:s5], [sflag:$0x3] =	stream.indirect.gather @!p1 [hbm4b:s4+s0], $0x80, s3, s0, $0xb8;
	[tilespmem:$0x1FF80] =	vst v63  }
0x5e: {  	s6 =	simm.s32 @!p1 $0x8B00;
	s3 =	simm.s32 @p1 $0x0;
	s5 =	simm.s32 @!p1 $0x78  }
0x5f: {  	[tilespmem:s6], [sflag:$0x4] =	stream.indirect.gather @!p1 [hbm4b:s4+s0], $0x80, s5, s0, $0xb8;
	[tilespmem:$0x1FF80] =	vst v63  }
0x60: {  	s3 =	simm.s32 @!p1 $0x0;
	s5 =	simm.s32 @!p1 $0xA0;
	s6 =	simm.s32 @!p1 $0x9F00  }
0x61: {  	[tilespmem:s6], [sflag:$0x5] =	stream.indirect.gather @!p1 [hbm4b:s4+s0], $0x80, s5, s0, $0xb8;
	[tilespmem:$0x1FF80] =	vst v63  }
0x62: {  	s25 =	sadd.s32 $0xC8, s3  }
0x63: {  	[tilespmem:s17], [sflag:$0x6] =	stream.indirect.gather [hbm4b:s4+s16], $0x80, s25, s16, $0xb8;
	[tilespmem:$0x1FF80] =	vst v63  }
0x64: {  	_ =	swait.ge [sflag:s14], $0x1400  }
0x65: {  	[sflag:s14] =	ssyncset.done $0x0  }
0x66: {  	s28 =	sadd.s32 $0x2780, s3;
	[sflag:s14] =	ssyncadd.s32 $0xFFFFEC00  }
0x67: {  	[spmem:s2] =	stream.indirect.scatter.add.f32 [tilespmem:s13], [sflag:$0x7], $0x80, s28, s16, $0xb8;
	[tilespmem:$0x1FF80] =	vst v63  }
0x68: {  	s0 =	simm.s32 @p1 $0x28;
	_ =	swait.ge [sflag:s18], $0x1400  }
0x69: {  	s0 =	simm.s32 @!p1 $0x28;
	[sflag:s18] =	ssyncset.done $0x0  }
0x6a: {  	s0 =	sadd.s32 $0x2780, s0;
	[sflag:s18] =	ssyncadd.s32 $0xFFFFEC00  }
0x6b: {  	[spmem:s2] =	stream.indirect.scatter.add.f32 [tilespmem:s19], [sflag:$0x8], $0x80, s0, s16, $0xb8;
	[tilespmem:$0x1FF80] =	vst v63  }
0x6c: {  	s0 =	simm.s32 @p1 $0x50;
	_ =	swait.ge [sflag:s20], $0x1400  }
0x6d: {  	s0 =	simm.s32 @!p1 $0x50;
	[sflag:s20] =	ssyncset.done $0x0  }
0x6e: {  	s0 =	sadd.s32 $0x2780, s0;
	[sflag:s20] =	ssyncadd.s32 $0xFFFFEC00  }
0x6f: {  	[spmem:s2] =	stream.indirect.scatter.add.f32 [tilespmem:s21], [sflag:$0x9], $0x80, s0, s16, $0xb8;
	[tilespmem:$0x1FF80] =	vst v63  }
0x70: {  	s0 =	simm.s32 @p1 $0x78;
	_ =	swait.ge [sflag:s22], $0x1400  }
0x71: {  	s0 =	simm.s32 @!p1 $0x78;
	[sflag:s22] =	ssyncset.done $0x0  }
0x72: {  	s0 =	sadd.s32 $0x2780, s0;
	[sflag:s22] =	ssyncadd.s32 $0xFFFFEC00  }
0x73: {  	[spmem:s2] =	stream.indirect.scatter.add.f32 [tilespmem:s23], [sflag:$0xA], $0x80, s0, s16, $0xb8;
	[tilespmem:$0x1FF80] =	vst v63  }
0x74: {  	s10 =	sadd.s32 $0x2848, s3;
	s0 =	simm.s32 $0xA0;
	_ =	swait.ge [sflag:s24], $0x1400  }
0x75: {  	s3 =	simm.s32 $0x190;
	s0 =	simm.s32 @!p1 $0xA0;
	[sflag:s24] =	ssyncset.done $0x0  }
0x76: {  	s29 =	rddreg [dreg:$0x3];
	s0 =	sadd.s32 $0x2780, s0;
	[sflag:s24] =	ssyncadd.s32 $0xFFFFEC00  }
0x77: {  	[spmem:s2] =	stream.indirect.scatter.add.f32 [tilespmem:s29], [sflag:$0xB], $0x80, s0, s16, $0xb8;
	[tilespmem:$0x1FF80] =	vst v63  }
0x78: {  	s5 =	simm.s32 $0x280;
	p1 =	por $0x1, $0x1;
	s0 =	simm.s32 $0x190  }
.LBB2_8:
0x79: {  	_ =	swait.ge [sflag:s26], $0x1400  }
0x7a: {  	[sflag:s26] =	ssyncset.done $0x0  }
0x7b: {  	s11 =	simm.s32 @p1 $0x7;
	[sflag:s26] =	ssyncadd.s32 $0xFFFFEC00  }
0x7c: {  	[spmem:s2] =	stream.indirect.scatter.add.f32 [tilespmem:s17], [sflag:$0xC], $0x80, s10, s16, $0xb8;
	[tilespmem:$0x1FF80] =	vst v63  }
0x7d: {  	s6 =	sadd.s32 @p1 $0xFFFFFF60, s0;
	_ =	swait.ge @p1 [sflag:s11], $0x1400  }
0x7e: {  	s28 =	sadd.s32 @p1 $0xFFFFFF60, s3;
	s7 =	simm.s32 @p1 $0x28;
	[sflag:s11] =	ssyncset.done @p1 $0x0  }
0x7f: {  	s8 =	simm.s32 @p1 $0x8;
	[sflag:s11] =	ssyncadd.s32 @p1 $0xFFFFEC00;
	s11 =	simm.s32 @p1 $0x4F00  }
0x80: {  	[tilespmem:s11], [sflag:$0x1] =	stream.indirect.gather @p1 [hbm4b:s4+s7], $0x80, s28, s7, $0xb8;
	[tilespmem:$0x1FF80] =	vst v63  }
0x81: {  	s1 =	smov.u32 s5;
	s25 =	sadd.s32 @p1 $0xFFFFFF88, s0;
	_ =	swait.ge @p1 [sflag:s8], $0x1400  }
0x82: {  	s9 =	sadd.s32 @p1 $0xFFFFFFB0, s0;
	s29 =	simm.s32 @p1 $0x6300;
	[sflag:s8] =	ssyncset.done @p1 $0x0  }
0x83: {  	s28 =	sadd.s32 @p1 $0xFFFFFF88, s3;
	[sflag:s8] =	ssyncadd.s32 @p1 $0xFFFFEC00;
	s8 =	simm.s32 @p1 $0x9  }
0x84: {  	[tilespmem:s29], [sflag:$0x2] =	stream.indirect.gather @p1 [hbm4b:s4+s7], $0x80, s28, s7, $0xb8;
	[tilespmem:$0x1FF80] =	vst v63  }
0x85: {  	s10 =	sadd.s32 @p1 $0xFFFFFFD8, s0;
	s11 =	smov.u32 s0;
	_ =	swait.ge @p1 [sflag:s8], $0x1400  }
0x86: {  	s0 =	smov.u32 s1;
	s1 =	simm.s32 @p1 $0xA;
	[sflag:s8] =	ssyncset.done @p1 $0x0  }
0x87: {  	s28 =	sadd.s32 @p1 $0xFFFFFFB0, s3;
	s29 =	simm.s32 @p1 $0x7700;
	[sflag:s8] =	ssyncadd.s32 @p1 $0xFFFFEC00  }
0x88: {  	[tilespmem:s29], [sflag:$0x3] =	stream.indirect.gather @p1 [hbm4b:s4+s7], $0x80, s28, s7, $0xb8;
	[tilespmem:$0x1FF80] =	vst v63  }
0x89: {  	_ =	swait.ge @p1 [sflag:s1], $0x1400  }
0x8a: {  	s8 =	sadd.s32 @p1 $0xFFFFFFD8, s3;
	[sflag:s1] =	ssyncset.done @p1 $0x0  }
0x8b: {  	s28 =	simm.s32 @p1 $0x8B00;
	[sflag:s1] =	ssyncadd.s32 @p1 $0xFFFFEC00;
	s1 =	simm.s32 @p1 $0xB  }
0x8c: {  	[tilespmem:s28], [sflag:$0x4] =	stream.indirect.gather @p1 [hbm4b:s4+s7], $0x80, s8, s7, $0xb8;
	[tilespmem:$0x1FF80] =	vst v63  }
0x8d: {  	_ =	swait.ge @p1 [sflag:s1], $0x1400  }
0x8e: {  	[sflag:s1] =	ssyncset.done @p1 $0x0  }
0x8f: {  	s8 =	simm.s32 @p1 $0x9F00;
	s28 =	simm.s32 @p1 $0xC;
	[sflag:s1] =	ssyncadd.s32 @p1 $0xFFFFEC00  }
0x90: {  	[tilespmem:s8], [sflag:$0x5] =	stream.indirect.gather @p1 [hbm4b:s4+s7], $0x80, s3, s7, $0xb8;
	[tilespmem:$0x1FF80] =	vst v63  }
0x91: {  	_ =	swait.ge @p1 [sflag:s28], $0x1400  }
0x92: {  	s1 =	simm.s32 @!p1 $0x28;
	[sflag:s28] =	ssyncset.done @p1 $0x0  }
0x93: {  	s7 =	simm.s32 @!p1 $0x0;
	s8 =	simm.s32 @!p1 $0x4F00;
	[sflag:s28] =	ssyncadd.s32 @p1 $0xFFFFEC00  }
0x94: {  	[tilespmem:s8], [sflag:$0x1] =	stream.indirect.gather @!p1 [hbm4b:s4+s1], $0x80, s7, s1, $0xb8;
	[tilespmem:$0x1FF80] =	vst v63  }
0x95: {  	s7 =	simm.s32 @!p1 $0x6300  }
0x96: {  	[tilespmem:s7], [sflag:$0x2] =	stream.indirect.gather @!p1 [hbm4b:s4+s1], $0x80, s1, s1, $0xb8;
	[tilespmem:$0x1FF80] =	vst v63  }
0x97: {  	s8 =	simm.s32 @!p1 $0x7700;
	s7 =	simm.s32 @!p1 $0x50  }
0x98: {  	[tilespmem:s8], [sflag:$0x3] =	stream.indirect.gather @!p1 [hbm4b:s4+s1], $0x80, s7, s1, $0xb8;
	[tilespmem:$0x1FF80] =	vst v63  }
0x99: {  	s7 =	simm.s32 @!p1 $0x78;
	s8 =	simm.s32 @!p1 $0x8B00  }
0x9a: {  	[tilespmem:s8], [sflag:$0x4] =	stream.indirect.gather @!p1 [hbm4b:s4+s1], $0x80, s7, s1, $0xb8;
	[tilespmem:$0x1FF80] =	vst v63  }
0x9b: {  	s6 =	simm.s32 @!p1 $0x0;
	s7 =	simm.s32 @!p1 $0xA0;
	s8 =	simm.s32 @!p1 $0x9F00  }
0x9c: {  	[tilespmem:s8], [sflag:$0x5] =	stream.indirect.gather @!p1 [hbm4b:s4+s1], $0x80, s7, s1, $0xb8;
	[tilespmem:$0x1FF80] =	vst v63  }
0x9d: {  	s29 =	sadd.s32 $0xC8, s6  }
0x9e: {  	[tilespmem:s17], [sflag:$0x6] =	stream.indirect.gather [hbm4b:s4+s16], $0x80, s29, s16, $0xb8;
	[tilespmem:$0x1FF80] =	vst v63  }
0x9f: {  	_ =	swait.ge [sflag:s14], $0x1400  }
0xa0: {  	[sflag:s14] =	ssyncset.done $0x0  }
0xa1: {  	s7 =	sadd.s32 $0x2780, s6;
	[sflag:s14] =	ssyncadd.s32 $0xFFFFEC00  }
0xa2: {  	[spmem:s2] =	stream.indirect.scatter.add.f32 [tilespmem:s13], [sflag:$0x7], $0x80, s7, s16, $0xb8;
	[tilespmem:$0x1FF80] =	vst v63  }
0xa3: {  	_ =	swait.ge [sflag:s18], $0x1400  }
0xa4: {  	s25 =	simm.s32 @!p1 $0x28;
	[sflag:s18] =	ssyncset.done $0x0  }
0xa5: {  	s8 =	sadd.s32 $0x2780, s25;
	[sflag:s18] =	ssyncadd.s32 $0xFFFFEC00  }
0xa6: {  	[spmem:s2] =	stream.indirect.scatter.add.f32 [tilespmem:s19], [sflag:$0x8], $0x80, s8, s16, $0xb8;
	[tilespmem:$0x1FF80] =	vst v63  }
0xa7: {  	_ =	swait.ge [sflag:s20], $0x1400  }
0xa8: {  	s9 =	simm.s32 @!p1 $0x50;
	[sflag:s20] =	ssyncset.done $0x0  }
0xa9: {  	s9 =	sadd.s32 $0x2780, s9;
	[sflag:s20] =	ssyncadd.s32 $0xFFFFEC00  }
0xaa: {  	[spmem:s2] =	stream.indirect.scatter.add.f32 [tilespmem:s21], [sflag:$0x9], $0x80, s9, s16, $0xb8;
	[tilespmem:$0x1FF80] =	vst v63  }
0xab: {  	_ =	swait.ge [sflag:s22], $0x1400  }
0xac: {  	s5 =	sadd.s32 $0xF0, s5;
	s10 =	simm.s32 @!p1 $0x78;
	[sflag:s22] =	ssyncset.done $0x0  }
0xad: {  	p2 =	sne.s32 s5, $0x2710;
	s25 =	sadd.s32 $0x2780, s10;
	[sflag:s22] =	ssyncadd.s32 $0xFFFFEC00  }
0xae: {  	[spmem:s2] =	stream.indirect.scatter.add.f32 [tilespmem:s23], [sflag:$0xA], $0x80, s25, s16, $0xb8;
	[tilespmem:$0x1FF80] =	vst v63  }
.Ltmp5:
0xaf: {  	_ = 	snop;
	(pc) =	sbr.rel @p2 .LBB2_8-.Ltmp5, $4  }
0xb0: {  	s11 =	simm.s32 @!p1 $0xA0;
	s3 =	sadd.s32 $0xF0, s3;
	_ =	swait.ge [sflag:s24], $0x1400  }
0xb1: {  	p1 =	sne.s32 s0, $0xA0;
	s10 =	sadd.s32 $0x2848, s6;
	[sflag:s24] =	ssyncset.done $0x0  }
0xb2: {  	s29 =	sadd.s32 $0x2780, s11;
	s28 =	rddreg [dreg:$0x3];
	[sflag:s24] =	ssyncadd.s32 $0xFFFFEC00  }
0xb3: {  	[spmem:s2] =	stream.indirect.scatter.add.f32 [tilespmem:s28], [sflag:$0xB], $0x80, s29, s16, $0xb8;
	[tilespmem:$0x1FF80] =	vst v63  }
0xb4: {  	_ =	swait.ge [sflag:s26], $0x1400  }
0xb5: {  	[sflag:s26] =	ssyncset.done $0x0  }
0xb6: {  	s1 =	simm.s32 @p1 $0x7;
	[sflag:s26] =	ssyncadd.s32 $0xFFFFEC00  }
0xb7: {  	[spmem:s2] =	stream.indirect.scatter.add.f32 [tilespmem:s17], [sflag:$0xC], $0x80, s10, s16, $0xb8;
	[tilespmem:$0x1FF80] =	vst v63  }
0xb8: {  	_ =	swait.ge @p1 [sflag:s1], $0x1400  }
0xb9: {  	s5 =	sadd.s32 @p1 $0xFFFFFF60, s3;
	[sflag:s1] =	ssyncset.done @p1 $0x0  }
0xba: {  	s6 =	simm.s32 @p1 $0x28;
	[sflag:s1] =	ssyncadd.s32 @p1 $0xFFFFEC00;
	s1 =	simm.s32 @p1 $0x4F00  }
0xbb: {  	[tilespmem:s1], [sflag:$0x1] =	stream.indirect.gather @p1 [hbm4b:s4+s6], $0x80, s5, s6, $0xb8;
	[tilespmem:$0x1FF80] =	vst v63  }
0xbc: {  	s1 =	simm.s32 @p1 $0x8  }
0xbd: {  	_ =	swait.ge @p1 [sflag:s1], $0x1400  }
0xbe: {  	[sflag:s1] =	ssyncset.done @p1 $0x0  }
0xbf: {  	s5 =	sadd.s32 @p1 $0xFFFFFF88, s3;
	[sflag:s1] =	ssyncadd.s32 @p1 $0xFFFFEC00;
	s1 =	simm.s32 @p1 $0x6300  }
0xc0: {  	[tilespmem:s1], [sflag:$0x2] =	stream.indirect.gather @p1 [hbm4b:s4+s6], $0x80, s5, s6, $0xb8;
	[tilespmem:$0x1FF80] =	vst v63  }
0xc1: {  	s1 =	simm.s32 @p1 $0x9  }
0xc2: {  	_ =	swait.ge @p1 [sflag:s1], $0x1400  }
0xc3: {  	[sflag:s1] =	ssyncset.done @p1 $0x0  }
0xc4: {  	s5 =	sadd.s32 @p1 $0xFFFFFFB0, s3;
	[sflag:s1] =	ssyncadd.s32 @p1 $0xFFFFEC00;
	s1 =	simm.s32 @p1 $0x7700  }
0xc5: {  	[tilespmem:s1], [sflag:$0x3] =	stream.indirect.gather @p1 [hbm4b:s4+s6], $0x80, s5, s6, $0xb8;
	[tilespmem:$0x1FF80] =	vst v63  }
0xc6: {  	s1 =	simm.s32 @p1 $0xA  }
0xc7: {  	_ =	swait.ge @p1 [sflag:s1], $0x1400  }
0xc8: {  	[sflag:s1] =	ssyncset.done @p1 $0x0  }
0xc9: {  	s5 =	sadd.s32 @p1 $0xFFFFFFD8, s3;
	[sflag:s1] =	ssyncadd.s32 @p1 $0xFFFFEC00;
	s1 =	simm.s32 @p1 $0x8B00  }
0xca: {  	[tilespmem:s1], [sflag:$0x4] =	stream.indirect.gather @p1 [hbm4b:s4+s6], $0x80, s5, s6, $0xb8;
	[tilespmem:$0x1FF80] =	vst v63  }
0xcb: {  	s1 =	simm.s32 @p1 $0xB  }
0xcc: {  	_ =	swait.ge @p1 [sflag:s1], $0x1400  }
0xcd: {  	[sflag:s1] =	ssyncset.done @p1 $0x0  }
0xce: {  	[sflag:s1] =	ssyncadd.s32 @p1 $0xFFFFEC00;
	s1 =	simm.s32 @p1 $0x9F00  }
0xcf: {  	[tilespmem:s1], [sflag:$0x5] =	stream.indirect.gather @p1 [hbm4b:s4+s6], $0x80, s3, s6, $0xb8;
	[tilespmem:$0x1FF80] =	vst v63  }
0xd0: {  	s1 =	simm.s32 @p1 $0xC  }
0xd1: {  	_ =	swait.ge @p1 [sflag:s1], $0x1400  }
0xd2: {  	s5 =	simm.s32 @!p1 $0x0;
	[sflag:s1] =	ssyncset.done @p1 $0x0  }
0xd3: {  	s3 =	simm.s32 @!p1 $0x28;
	[sflag:s1] =	ssyncadd.s32 @p1 $0xFFFFEC00;
	s1 =	simm.s32 @!p1 $0x4F00  }
0xd4: {  	[tilespmem:s1], [sflag:$0x1] =	stream.indirect.gather @!p1 [hbm4b:s4+s3], $0x80, s5, s3, $0xb8;
	[tilespmem:$0x1FF80] =	vst v63  }
0xd5: {  	s1 =	simm.s32 @!p1 $0x6300  }
0xd6: {  	[tilespmem:s1], [sflag:$0x2] =	stream.indirect.gather @!p1 [hbm4b:s4+s3], $0x80, s3, s3, $0xb8;
	[tilespmem:$0x1FF80] =	vst v63  }
0xd7: {  	s5 =	simm.s32 @!p1 $0x7700;
	s1 =	simm.s32 @!p1 $0x50  }
0xd8: {  	[tilespmem:s5], [sflag:$0x3] =	stream.indirect.gather @!p1 [hbm4b:s4+s3], $0x80, s1, s3, $0xb8;
	[tilespmem:$0x1FF80] =	vst v63  }
0xd9: {  	s1 =	simm.s32 @!p1 $0x78;
	s5 =	simm.s32 @!p1 $0x8B00  }
0xda: {  	[tilespmem:s5], [sflag:$0x4] =	stream.indirect.gather @!p1 [hbm4b:s4+s3], $0x80, s1, s3, $0xb8;
	[tilespmem:$0x1FF80] =	vst v63  }
0xdb: {  	s1 =	simm.s32 @!p1 $0xA0;
	s5 =	simm.s32 @!p1 $0x9F00  }
0xdc: {  	[tilespmem:s5], [sflag:$0x5] =	stream.indirect.gather @!p1 [hbm4b:s4+s3], $0x80, s1, s3, $0xb8;
	[tilespmem:$0x1FF80] =	vst v63  }
0xdd: {  	s1 =	sadd.s32 @p1 $0xFFFFFF60, s0  }
0xde: {  	s1 =	simm.s32 @!p1 $0x0  }
0xdf: {  	s11 =	sadd.s32 $0xC8, s1  }
0xe0: {  	[tilespmem:s17], [sflag:$0x6] =	stream.indirect.gather [hbm4b:s4+s16], $0x80, s11, s16, $0xb8;
	[tilespmem:$0x1FF80] =	vst v63  }
0xe1: {  	_ =	swait.ge [sflag:s14], $0x1400  }
0xe2: {  	[sflag:s14] =	ssyncset.done $0x0  }
0xe3: {  	s25 =	sadd.s32 $0x2780, s1;
	[sflag:s14] =	ssyncadd.s32 $0xFFFFEC00  }
0xe4: {  	[spmem:s2] =	stream.indirect.scatter.add.f32 [tilespmem:s13], [sflag:$0x7], $0x80, s25, s16, $0xb8;
	[tilespmem:$0x1FF80] =	vst v63  }
0xe5: {  	s3 =	sadd.s32 @p1 $0xFFFFFF88, s0;
	_ =	swait.ge [sflag:s18], $0x1400  }
0xe6: {  	s3 =	simm.s32 @!p1 $0x28;
	[sflag:s18] =	ssyncset.done $0x0  }
0xe7: {  	s3 =	sadd.s32 $0x2780, s3;
	[sflag:s18] =	ssyncadd.s32 $0xFFFFEC00  }
0xe8: {  	[spmem:s2] =	stream.indirect.scatter.add.f32 [tilespmem:s19], [sflag:$0x8], $0x80, s3, s16, $0xb8;
	[tilespmem:$0x1FF80] =	vst v63  }
0xe9: {  	s3 =	sadd.s32 @p1 $0xFFFFFFB0, s0;
	_ =	swait.ge [sflag:s20], $0x1400  }
0xea: {  	s3 =	simm.s32 @!p1 $0x50;
	[sflag:s20] =	ssyncset.done $0x0  }
0xeb: {  	s3 =	sadd.s32 $0x2780, s3;
	[sflag:s20] =	ssyncadd.s32 $0xFFFFEC00  }
0xec: {  	[spmem:s2] =	stream.indirect.scatter.add.f32 [tilespmem:s21], [sflag:$0x9], $0x80, s3, s16, $0xb8;
	[tilespmem:$0x1FF80] =	vst v63  }
0xed: {  	s3 =	sadd.s32 @p1 $0xFFFFFFD8, s0;
	_ =	swait.ge [sflag:s22], $0x1400  }
0xee: {  	s3 =	simm.s32 @!p1 $0x78;
	[sflag:s22] =	ssyncset.done $0x0  }
0xef: {  	s3 =	sadd.s32 $0x2780, s3;
	[sflag:s22] =	ssyncadd.s32 $0xFFFFEC00  }
0xf0: {  	[spmem:s2] =	stream.indirect.scatter.add.f32 [tilespmem:s23], [sflag:$0xA], $0x80, s3, s16, $0xb8;
	[tilespmem:$0x1FF80] =	vst v63  }
0xf1: {  	_ =	swait.ge [sflag:s24], $0x1400  }
0xf2: {  	s0 =	simm.s32 @!p1 $0xA0;
	[sflag:s24] =	ssyncset.done $0x0  }
0xf3: {  	s0 =	sadd.s32 $0x2780, s0;
	s28 =	rddreg [dreg:$0x3];
	[sflag:s24] =	ssyncadd.s32 $0xFFFFEC00  }
0xf4: {  	[spmem:s2] =	stream.indirect.scatter.add.f32 [tilespmem:s28], [sflag:$0xB], $0x80, s0, s16, $0xb8;
	[tilespmem:$0x1FF80] =	vst v63  }
0xf5: {  	_ =	swait.ge [sflag:s26], $0x1400  }
0xf6: {  	[sflag:s26] =	ssyncset.done $0x0  }
0xf7: {  	s29 =	sadd.s32 $0x2848, s1;
	[sflag:s26] =	ssyncadd.s32 $0xFFFFEC00  }
0xf8: {  	[spmem:s2] =	stream.indirect.scatter.add.f32 [tilespmem:s17], [sflag:$0xC], $0x80, s29, s16, $0xb8;
	[tilespmem:$0x1FF80] =	vst v63  }
0xf9: {  	_ =	swait.ge [sflag:s15], $0x1400  }
0xfa: {  	[sflag:s15] =	ssyncset.done $0x0  }
0xfb: {  	s1 =	simm.s32 $0x2670;
	s3 =	simm.s32 $0x8;
	[sflag:s15] =	ssyncadd.s32 $0xFFFFEC00  }
0xfc: {  	[tilespmem:s13], [sflag:$0x1] =	stream.indirect.gather [hbm4b:s4+s16], $0x80, s1, s16, $0xb8;
	[tilespmem:$0x1FF80] =	vst v63  }
0xfd: {  	_ =	swait.ge [sflag:s3], $0x1400  }
0xfe: {  	[sflag:s3] =	ssyncset.done $0x0  }
0xff: {  	s5 =	simm.s32 $0x2698;
	[sflag:s3] =	ssyncadd.s32 $0xFFFFEC00  }
0x100: {  	[tilespmem:s19], [sflag:$0x2] =	stream.indirect.gather [hbm4b:s4+s16], $0x80, s5, s16, $0xb8;
	[tilespmem:$0x1FF80] =	vst v63  }
0x101: {  	_ =	swait.ge [sflag:s31], $0x1400  }
0x102: {  	[sflag:s31] =	ssyncset.done $0x0  }
0x103: {  	s6 =	simm.s32 $0x26C0;
	[sflag:s31] =	ssyncadd.s32 $0xFFFFEC00  }
0x104: {  	[tilespmem:s21], [sflag:$0x3] =	stream.indirect.gather [hbm4b:s4+s16], $0x80, s6, s16, $0xb8;
	[tilespmem:$0x1FF80] =	vst v63  }
0x105: {  	_ =	swait.ge [sflag:s12], $0x1400  }
0x106: {  	[sflag:s12] =	ssyncset.done $0x0  }
0x107: {  	s7 =	simm.s32 $0x26E8;
	[sflag:s12] =	ssyncadd.s32 $0xFFFFEC00  }
0x108: {  	[tilespmem:s23], [sflag:$0x4] =	stream.indirect.gather [hbm4b:s4+s16], $0x80, s7, s16, $0xb8;
	[tilespmem:$0x1FF80] =	vst v63  }
0x109: {  	_ =	swait.ge [sflag:s14], $0x1400  }
0x10a: {  	[sflag:s14] =	ssyncset.done $0x0  }
0x10b: {  	s8 =	simm.s32 $0x4DF0;
	[sflag:s14] =	ssyncadd.s32 $0xFFFFEC00  }
0x10c: {  	[spmem:s2] =	stream.indirect.scatter.add.f32 [tilespmem:s13], [sflag:$0x7], $0x80, s8, s16, $0xb8;
	[tilespmem:$0x1FF80] =	vst v63  }
0x10d: {  	_ =	swait.ge [sflag:s18], $0x1400  }
0x10e: {  	[sflag:s18] =	ssyncset.done $0x0  }
0x10f: {  	s9 =	simm.s32 $0x4E18;
	[sflag:s18] =	ssyncadd.s32 $0xFFFFEC00  }
0x110: {  	[spmem:s2] =	stream.indirect.scatter.add.f32 [tilespmem:s19], [sflag:$0x8], $0x80, s9, s16, $0xb8;
	[tilespmem:$0x1FF80] =	vst v63  }
0x111: {  	_ =	swait.ge [sflag:s20], $0x1400  }
0x112: {  	[sflag:s20] =	ssyncset.done $0x0  }
0x113: {  	s10 =	simm.s32 $0x4E40;
	[sflag:s20] =	ssyncadd.s32 $0xFFFFEC00  }
0x114: {  	[spmem:s2] =	stream.indirect.scatter.add.f32 [tilespmem:s21], [sflag:$0x9], $0x80, s10, s16, $0xb8;
	[tilespmem:$0x1FF80] =	vst v63  }
0x115: {  	_ =	swait.ge [sflag:s22], $0x1400  }
0x116: {  	[sflag:s22] =	ssyncset.done $0x0  }
0x117: {  	s11 =	simm.s32 $0x4E68;
	[sflag:s22] =	ssyncadd.s32 $0xFFFFEC00  }
0x118: {  	[spmem:s2] =	stream.indirect.scatter.add.f32 [tilespmem:s23], [sflag:$0xA], $0x80, s11, s16, $0xb8;
	[tilespmem:$0x1FF80] =	vst v63  }
0x119: {  	_ =	swait.ge [sflag:s15], $0x1400  }
0x11a: {  	[sflag:s15] =	ssyncset.done $0x0  }
0x11b: {  	[sflag:s15] =	ssyncadd.s32 $0xFFFFEC00  }
0x11c: {  	_ =	swait.ge [sflag:s3], $0x1400  }
0x11d: {  	[sflag:s3] =	ssyncset.done $0x0  }
0x11e: {  	[sflag:s3] =	ssyncadd.s32 $0xFFFFEC00  }
0x11f: {  	_ =	swait.ge [sflag:s31], $0x1400  }
0x120: {  	[sflag:s31] =	ssyncset.done $0x0  }
0x121: {  	[sflag:s31] =	ssyncadd.s32 $0xFFFFEC00  }
0x122: {  	_ =	swait.ge [sflag:s12], $0x1400  }
0x123: {  	[sflag:s12] =	ssyncset.done $0x0  }
0x124: {  	s25 =	simm.s32 $0xB;
	[sflag:s12] =	ssyncadd.s32 $0xFFFFEC00  }
0x125: {  	_ =	swait.ge [sflag:s25], $0x1400  }
0x126: {  	[sflag:s25] =	ssyncset.done $0x0  }
0x127: {  	s28 =	simm.s32 $0xC;
	[sflag:s25] =	ssyncadd.s32 $0xFFFFEC00  }
0x128: {  	_ =	swait.ge [sflag:s28], $0x1400  }
0x129: {  	[sflag:s28] =	ssyncset.done $0x0  }
0x12a: {  	[sflag:s28] =	ssyncadd.s32 $0xFFFFEC00  }
0x12b: {  	[bflag:$0x0] =	sbarrier.arrive $0xFFFF  }
0x12c: {  	s1 =	rddreg [dreg:$0x9]  }
0x12d: {  	s0 =	simm.s32 @p0 $0x1FCD;
	s3 =	rddreg [dreg:$0xb]  }
0x12e: {  	[hbm:s1], [sflag:s0] =	dma.local @p0 [spmem:s3], $0x2800  }
0x12f: {  	s0 =	simm.s32 @p0 $0xD  }
0x130: {  	_ =	swait.ge @p0 [sflag:s0], $0x2800  }
0x131: {  	s1 =	stileid.u32;
	s6 =	rddreg [dreg:$0x7]  }
0x132: {  	s1 =	sshll.u32 @!p0 s1, $0x6;
	[sflag:s0] =	ssyncset.done @p0 $0x0;
	s3 =	rddreg [dreg:$0x8]  }
0x133: {  	[sflag:s0] =	ssyncadd.s32 @p0 $0xFFFFD800;
	s0 =	sor.u32 @!p0 $0x1C0D, s1;
	s1 =	sshrl.u32 @!p0 s6, $0x3  }
0x134: {  	[hbm:s3], [sflag:s0] =	dma.local @!p0 [spmem:s1], $0x2700  }
0x135: {  	s0 =	simm.s32 @!p0 $0xD  }
0x136: {  	_ =	swait.ge @!p0 [sflag:s0], $0x2700  }
0x137: {  	s30 =	sadd.s32 $0x1, s30;
	s29 =	rddreg [dreg:$0xa]  }
0x138: {  	p1 =	sne.s32 s30, s29  }
.Ltmp6:
0x139: {  	_ = 	snop;
	(pc) =	sbr.rel @p1 .LBB2_1-.Ltmp6, $3  }
0x13a: {  	_ =	sdelay $0x1  }
0x13b: {  	[sflag:s0] =	ssyncset.done @!p0 $0x0  }
0x13c: {  	s8 =	rddreg [dreg:$0x6];
	[sflag:s0] =	ssyncadd.s32 @!p0 $0xFFFFD900  }
0x13d: {  	_ =	sfence.sel $0x180000  }
0x13e: {  	[bflag:$0x0] =	sbarrier.arrive $0xFFFF  }
0x13f: {  	_ =	strace $0x9000004A  }
0x140: {  	s0 =	stileid.u32;
	[bflag:$0x2] =	sbarrier.arrive $0xFFFF  }
0x141: {  	p0 =	sne.s32 s0, $0x0;
	s0 =	rddreg [dreg:$0x2]  }
0x142: {  	s0 =	sadd.s32 @!p0 $0x100000, s0  }
0x143: {  	[sflag:s0] =	ssyncadd.tile.s32 @!p0 $0x1;
	_ =	shalt  }
.Lfunc_end2:
_tile_overlayer_lowered:
.L_overlay_start_2:
0x144: {  	(tag) =	ssettag $0x2  }
0x145: {  	s0 =	rddreg [dreg:$0x0];
	s2 =	stileid.u32  }
0x146: {  	s1 =	rddreg [dreg:$0x1];
	p0 =	sne.s32 s2, $0x0  }
0x147: {  	s3 =	rddreg [dreg:$0x2];
	[bflag:$0x3] =	sbarrier.arrive $0xFFFF;
	s2 =	simm.s32 @!p0 $0x1C0D  }
0x148: {  	[timem:s3], [sflag:s2] =	dma.local @!p0 [hbm:s0], s1  }
0x149: {  	s0 =	simm.s32 @!p0 $0xD  }
0x14a: {  	_ =	swait.ge @!p0 [sflag:s0], s1  }
0x14b: {  	s1 =	ssub.s32 @!p0 $0x0, s1;
	[sflag:s0] =	ssyncset.done @!p0 $0x0  }
0x14c: {  	[sflag:s0] =	ssyncadd.s32 @!p0 s1  }
0x14d: {  	[bflag:$0x3] =	sbarrier.arrive $0xFFFF  }
0x14e: {  	_ =	shalt  }

// kernel: kernel.14.cloned.1.call-start
scs
__scs_entry_jumppad:
0x0: {  	(pc) =	sbr.rel $0x88, $3  }
0x1: {  	(tag) =	ssettag $0x0;
	lr =	simm.s32 $0x1  }
0x2: {  	[smem:$0x3F92] =	sst lr;
	_ =	strace $0xD0000000  }
0x3: {  	_ = 	snop  }
0x4: {  	_ = 	snop  }
0x5: {  	_ = 	snop  }
0x6: {  	_ = 	snop  }
0x7: {  	_ = 	snop  }
__scs_overlays_trampoline_lowered:
0x8: {  	[smem:$0x3FA1] =	sst s0  }
0x9: {  	[smem:$0x3FA2] =	sst s1  }
0xa: {  	[smem:$0x3FA3] =	sst s2  }
0xb: {  	[smem:$0x3FA4] =	sst s3  }
0xc: {  	[smem:$0x3FA5] =	sst s4  }
0xd: {  	[smem:$0x3FA6] =	sst s5  }
0xe: {  	[smem:$0x3FA7] =	sst s6  }
0xf: {  	[smem:$0x3FA8] =	sst s7  }
0x10: {  	[smem:$0x3FA9] =	sst s8  }
0x11: {  	[smem:$0x3FAA] =	sst s9;
	s0 =	simm.s32 @!p0 $0x0  }
0x12: {  	s1 =	sld [smem:$0x3F90];
	s0 =	simm.s32 @p0 $0x1  }
0x13: {  	[smem:$0x3FAB] =	sst s0;
	s0 =	simm.s32 @!p1 $0x0  }
0x14: {  	s2 =	sld [smem:$0x3F8F];
	s0 =	simm.s32 @p1 $0x1  }
0x15: {  	[smem:$0x3FAC] =	sst s0;
	s0 =	simm.s32 @!p2 $0x0  }
0x16: {  	s3 =	sld [smem:$0x3FDB];
	s0 =	simm.s32 @p2 $0x1  }
0x17: {  	s4 =	simm.s32 $0x1BF5;
	[smem:$0x3FAE] =	sst s0  }
0x18: {  	s0 =	sld [smem:$0x3F91];
	_ =	swait.ge [sflag:s4], $0x0  }
0x19: {  	s7 =	sld [smem:$0x3F92]  }
0x1a: {  	s8 =	sadd.s32 $0xFFFFE003, lr  }
0x1b: {  	s9 =	sadd.s32 $0xFFFFFEF7, lr;
	s5 =	simm.s32 $0xFFFFFFFF;
	p2 =	slt.u32 s8, $0xFFFFF086  }
0x1c: {  	p1 =	slt.u32 s9, $0xF7A;
	s5 =	simm.s32 @!p2 $0x0  }
0x1d: {  	s5 =	simm.s32 @p1 $0x1;
	p0 =	seq.s32 s7, s2  }
0x1e: {  	s7 =	smul.u32 @!p0 $0xF7A, s2;
	p2 =	seq.s32 @!p0 s5, $0x0  }
0x1f: {  	s9 =	smul.u32 $0xF7A, s1;
	s8 =	simm.s32 @!p0 $0x1BF5;
	p2 =	por !p2, p0  }
0x20: {  	[sflag:s8] =	ssyncset.s32 @!p0 $0xFFFFF086;
	s6 =	sadd.s32 @!p0 s3, s7;
	s7 =	simm.s32 @!p0 $0x108  }
0x21: {  	s3 =	sadd.s32 s3, s9;
	s6 =	sadd.s32 @!p0 $0x88, s6;
	s7 =	simm.s32 @p2 $0x1082  }
0x22: {  	[simem:s7], [sflag:s8] =	dma.local @!p0 [hbm:s6], $0xF7A  }
0x23: {  	s9 =	sor.u32 $0xD0000000, s2;
	s6 =	simm.s32 $0x108;
	_ =	swait.ge @!p0 [sflag:s8], $0x0  }
0x24: {  	s3 =	sadd.s32 $0x88, s3;
	s6 =	simm.s32 @!p1 $0x1082;
	[sflag:s4] =	ssyncset.s32 $0xFFFFF086  }
0x25: {  	[simem:s6], [sflag:s4] =	dma.local [hbm:s3], $0xF7A  }
0x26: {  	[smem:$0x3F92] =	sst s1;
	(tag) =	ssettag s2;
	_ =	strace s9  }
0x27: {  	s1 =	sld [smem:$0x3FA2]  }
0x28: {  	s2 =	sld [smem:$0x3FA3]  }
0x29: {  	s4 =	sld [smem:$0x3FA5]  }
0x2a: {  	p0 =	seq.s32 s5, $0x0;
	s5 =	sld [smem:$0x3FA6]  }
0x2b: {  	s6 =	sld [smem:$0x3FA7]  }
0x2c: {  	s7 =	sld [smem:$0x3FA8]  }
0x2d: {  	s3 =	simm.s32 $0x108;
	s8 =	sld [smem:$0x3FA9]  }
0x2e: {  	s3 =	simm.s32 @!p0 $0x1082;
	s9 =	sld [smem:$0x3FAA]  }
0x2f: {  	lr =	sadd.s32 s0, s3;
	s0 =	sld [smem:$0x3FA1]  }
0x30: {  	s3 =	sld [smem:$0x3FA4]  }
0x31: {  	[smem:$0x3FAD] =	sst s10  }
0x32: {  	s10 =	sld [smem:$0x3FAB];
	_ =	sdelay $0x3  }
0x33: {  	p0 =	seq.s32 s10, $0x1;
	s10 =	sld [smem:$0x3FAD];
	_ =	sdelay $0x3  }
0x34: {  	[smem:$0x3FAD] =	sst s10  }
0x35: {  	s10 =	sld [smem:$0x3FAC];
	_ =	sdelay $0x3  }
0x36: {  	p1 =	seq.s32 s10, $0x1;
	s10 =	sld [smem:$0x3FAD];
	_ =	sdelay $0x3  }
0x37: {  	[smem:$0x3FAD] =	sst s10  }
0x38: {  	s10 =	sld [smem:$0x3FAE]  }
0x39: {  	_ = 	snop;
	(pc) =	sbr.ind lr, $3  }
0x3a: {  	_ = 	snop  }
0x3b: {  	_ = 	snop  }
0x3c: {  	p2 =	seq.s32 s10, $0x1;
	s10 =	sld [smem:$0x3FAD]  }
0x3d: {  	_ =	shalt  }
0x3e: {  	_ =	shalt  }
0x3f: {  	_ =	shalt  }
0x40: {  	_ =	shalt  }
0x41: {  	_ =	shalt  }
0x42: {  	_ =	shalt  }
0x43: {  	_ =	shalt  }
0x44: {  	_ =	shalt  }
0x45: {  	_ =	shalt  }
0x46: {  	_ =	shalt  }
0x47: {  	_ =	shalt  }
0x48: {  	_ =	shalt  }
0x49: {  	_ =	shalt  }
0x4a: {  	_ =	shalt  }
0x4b: {  	_ =	shalt  }
0x4c: {  	_ =	shalt  }
0x4d: {  	_ =	shalt  }
0x4e: {  	_ =	shalt  }
0x4f: {  	_ =	shalt  }
0x50: {  	_ =	shalt  }
0x51: {  	_ =	shalt  }
0x52: {  	_ =	shalt  }
0x53: {  	_ =	shalt  }
0x54: {  	_ =	shalt  }
0x55: {  	_ =	shalt  }
0x56: {  	_ =	shalt  }
0x57: {  	_ =	shalt  }
0x58: {  	_ =	shalt  }
0x59: {  	_ =	shalt  }
0x5a: {  	_ =	shalt  }
0x5b: {  	_ =	shalt  }
0x5c: {  	_ =	shalt  }
0x5d: {  	_ =	shalt  }
0x5e: {  	_ =	shalt  }
0x5f: {  	_ =	shalt  }
0x60: {  	_ =	shalt  }
0x61: {  	_ =	shalt  }
0x62: {  	_ =	shalt  }
0x63: {  	_ =	shalt  }
0x64: {  	_ =	shalt  }
0x65: {  	_ =	shalt  }
0x66: {  	_ =	shalt  }
0x67: {  	_ =	shalt  }
0x68: {  	_ =	shalt  }
0x69: {  	_ =	shalt  }
0x6a: {  	_ =	shalt  }
0x6b: {  	_ =	shalt  }
0x6c: {  	_ =	shalt  }
0x6d: {  	_ =	shalt  }
0x6e: {  	_ =	shalt  }
0x6f: {  	_ =	shalt  }
0x70: {  	_ =	shalt  }
0x71: {  	_ =	shalt  }
0x72: {  	_ =	shalt  }
0x73: {  	_ =	shalt  }
0x74: {  	_ =	shalt  }
0x75: {  	_ =	shalt  }
0x76: {  	_ =	shalt  }
0x77: {  	_ =	shalt  }
0x78: {  	_ =	shalt  }
0x79: {  	_ =	shalt  }
0x7a: {  	_ =	shalt  }
0x7b: {  	_ =	shalt  }
0x7c: {  	_ =	shalt  }
0x7d: {  	_ =	shalt  }
0x7e: {  	_ =	shalt  }
0x7f: {  	_ =	shalt  }
0x80: {  	_ =	shalt  }
0x81: {  	_ =	shalt  }
0x82: {  	_ =	shalt  }
0x83: {  	_ =	shalt  }
0x84: {  	_ =	shalt  }
0x85: {  	_ =	shalt  }
0x86: {  	_ =	shalt  }
0x87: {  	_ =	shalt  }
.Lfunc_end0:
.L_simem_size_0:
called_computation.2_lowered:
.L_overlay_start_0:
0x88: {  	s2 =	sld [smem:$0x3FD9]  }
0x89: {  	s3 =	sld [smem:$0x3FFE];
	_ =	sdelay $0x1  }
0x8a: {  	s1 =	srdreg.scid  }
0x8b: {  	s0 =	sand.u32 $0x1, s1  }
0x8c: {  	s16 =	sshll.u32 s0, $0xA;
	s2 =	sadd.s32 s3, s2  }
0x8d: {  	s2 =	sadd.s32 s2, s16  }
0x8e: {  	[smem:$0x3FB9] =	sst s2  }
0x8f: {  	_ = 	snop  }
0x90: {  	(tm) =	ssettm $0x1  }
0x91: {  	s17 =	sld [smem:$0x3FFB];
	_ =	sdelay $0x3  }
0x92: {  	_ =	strace s17  }
0x93: {  	s2 =	sld [smem:$0x3FFC];
	_ =	sdelay $0x3  }
0x94: {  	_ =	strace s2  }
0x95: {  	s2 =	sld [smem:$0x3FFD];
	_ =	sdelay $0x3  }
0x96: {  	_ =	strace s2  }
0x97: {  	_ =	strace $0x8FFFFFFF  }
0x98: {  	s18 =	sld [smem:$0x3FDB];
	_ =	sdelay $0x1  }
0x99: {  	s19 =	simm.s32 $_scs_section_size  }
0x9a: {  	s4 =	simm.s32 $_size__tile_overlayer_lowered;
	s5 =	simm.s32 $_tile_overlayer_lowered  }
0x9b: {  	s22 =	simm.s32 $0x1BFF;
	s21 =	sshll.u32 s5, $0x1;
	s2 =	sadd.s32 s19, s18  }
0x9c: {  	s6 =	simm.s32 $0x0;
	s20 =	sshll.u32 s4, $0x1;
	s4 =	sadd.s32 s21, s2  }
0x9d: {  	[timem:s6], [sflag:s22] =	dma.local [hbm:s4], s20  }
0x9e: {  	_ =	swait.ge [sflag:s22], s20  }
0x9f: {  	s3 =	ssub.s32 $0x0, s20;
	[sflag:s22] =	ssyncset.done $0x0  }
0xa0: {  	[sflag:s22] =	ssyncadd.s32 s3;
	_ =	sdelay $0x1  }
0xa1: {  	s23 =	simm.s32 $0x1B8B  }
0xa2: {  	_ =	swait.ge [sflag:s23], $0x1  }
0xa3: {  	[sflag:s23] =	ssyncset.done $0x0  }
0xa4: {  	s25 =	simm.s32 $0x1B8E;
	s24 =	sld [smem:$0x3FFE];
	[sflag:s23] =	ssyncadd.s32 $0xFFFFFFFF  }
0xa5: {  	s26 =	simm.s32 $execute0_lowered;
	[smem:$0x3FD2] =	sst s25  }
0xa6: {  	s4 =	sshll.u32 s26, $0x1;
	_ =	strace $0x8000004C;
	[dreg:$0x1] =	wrdreg $0xFFFFFFFF  }
0xa7: {  	s28 =	simm.s32 $_size_execute0_lowered;
	s2 =	sadd.s32 s2, s4;
	[dreg:$0x0] =	wrdreg $0x0  }
0xa8: {  	s4 =	sshll.u32 s28, $0x1;
	[dreg:$0x2] =	wrdreg s2  }
0xa9: {  	[dreg:$0x3] =	wrdreg s4  }
0xaa: {  	[dreg:$0x4] =	wrdreg $0xC0  }
0xab: {  	_ =	task [dreg:s6], $0x5FFFF  }
0xac: {  	[dreg:$0x1] =	wrdreg $0xFFFFFFFF  }
0xad: {  	[dreg:$0x0] =	wrdreg $0x60  }
0xae: {  	[dreg:$0x2] =	wrdreg s24  }
0xaf: {  	[dreg:$0x3] =	wrdreg $0xC7000  }
0xb0: {  	[dreg:$0x4] =	wrdreg $0x9  }
0xb1: {  	_ =	task.clear_ibuf [dreg:s6], $0x5FFFF;
	_ =	strace $0x9000004C  }
0xb2: {  	s29 =	simm.s32 $0x9;
	_ =	strace $0x8000004E  }
0xb3: {  	_ =	swait.ge [sflag:s29], $0x1  }
0xb4: {  	[sflag:s29] =	ssyncadd.s32 $0xFFFFFFFF  }
0xb5: {  	_ =	strace $0x9000004E  }
0xb6: {  	_ =	sfence  }
0xb7: {  	s30 =	sld [smem:$0x0];
	_ =	sdelay $0x2  }
0xb8: {  	s31 =	sshll.u32 s1, $0xD;
	s1 =	sshrl.u32 s1, $0x2  }
0xb9: {  	s3 =	sand.u32 $0x4000, s31;
	s1 =	sadd.s32 s1, s30  }
0xba: {  	s0 =	sor.u32 s3, s0;
	s1 =	sshll.u32 s1, $0x11  }
0xbb: {  	s0 =	sor.u32 s1, s0  }
0xbc: {  	s0 =	sadd.s32 $0x8F2B, s0  }
0xbd: {  	[sflag:s0] =	ssyncadd.remote.s32 $0x1  }
0xbe: {  	_ =	sfence.sel $0xFFFF  }
0xbf: {  	[dreg:$0x0] =	wrdreg $0xFFFFFFFF;
	(pc) =	sbr.abs _section_cstart, $3  }
0xc0: {  	[dreg:$0x1] =	wrdreg $0xFFFFFFFF  }
0xc1: {  	_ =	task.clear_ibuf [dreg:s6], $0x2FFFF;
	_ =	strace $0x9FFFFFFF  }
0xc2: {  	(tm) =	ssettm $0x7FFFFFFF  }
0xc3: {  	_ =	shalt  }
tec
execute0_lowered:
.L_overlay_start_1:
0x0: {  	(tag) =	ssettag $0x1  }
0x1: {  	s0 =	rddreg [dreg:$0x0];
	s1 =	srdreg.scid  }
0x2: {  	s7 =	stileid.u32;
	s2 =	rddreg [dreg:$0x1];
	s4 =	simm.s32 $0x0  }
0x3: {  	s8 =	simm.s32 $0x50;
	s13 =	simm.s32 $0x4F00;
	s14 =	simm.s32 $0x1  }
0x4: {  	s15 =	simm.s32 $0x7;
	s16 =	simm.s32 $0x28;
	s17 =	simm.s32 $0xB300  }
0x5: {  	s18 =	simm.s32 $0x2;
	s19 =	simm.s32 $0x6300;
	s20 =	simm.s32 $0x3  }
0x6: {  	s21 =	simm.s32 $0x7700;
	s22 =	simm.s32 $0x4;
	s29 =	simm.s32 $0x9F00  }
0x7: {  	s31 =	simm.s32 $0x9;
	s12 =	simm.s32 $0xA;
	s30 =	simm.s32 $0x0  }
0x8: {  	s1 =	sand.u32 $0x1, s1;
	s3 =	sshll.u32 s7, $0x1;
	[smem:$0x7FF] =	sst s4  }
0x9: {  	s4 =	sadd.s32 $0x16400, s0;
	s24 =	smul.u32 $0x13800, s7;
	p0 =	seq.s32 s7, $0xF  }
0xa: {  	s25 =	smul.u32 $0x4E000, s7;
	s3 =	sor.u32 s1, s3;
	_ =	strace $0x8000004D  }
0xb: {  	s5 =	ssub.s32 $0x2, s1;
	s1 =	smul.u32 $0x138800, s1;
	s8 =	simm.s32 @!p0 $0x4E  }
0xc: {  	[dreg:$0x3] =	wrdreg s29;
	s3 =	smul.u32 $0x4E2, s3;
	s6 =	sshrl.u32 s5, $0x1  }
0xd: {  	[dreg:$0x6] =	wrdreg s8;
	s5 =	ssub.s32 s5, s6;
	s6 =	sshrl.u32 s25, $0x2  }
0xe: {  	s3 =	sadd.s32 s3, s0;
	s0 =	sadd.s32 $0x3D600, s0;
	s28 =	smax.u32 s5, $0x1  }
0xf: {  	s23 =	sadd.s32 $0xC600, s3;
	s3 =	sadd.s32 $0x2800, s3;
	[dreg:$0xa] =	wrdreg s28  }
0x10: {  	s6 =	sadd.s32 s6, s2;
	[dreg:$0x5] =	wrdreg s3;
	s3 =	sadd.s32 s24, s1  }
0x11: {  	[dreg:$0x7] =	wrdreg s6;
	s1 =	sshrl.u32 s1, $0x3;
	s3 =	sshrl.u32 s3, $0x3  }
0x12: {  	[dreg:$0x4] =	wrdreg s23;
	s1 =	sadd.s32 s0, s1;
	s0 =	sadd.s32 s0, s3  }
0x13: {  	s26 =	sadd.s32 $0x24900, s1;
	[dreg:$0x8] =	wrdreg s0;
	s0 =	sadd.s32 $0x124800, s2  }
0x14: {  	s23 =	simm.s32 $0x8B00;
	[dreg:$0x9] =	wrdreg s26;
	s0 =	sshrl.u32 @p0 s0, $0x3  }
0x15: {  	v0 =	vimm.f32 $0.0e+00;
	s24 =	simm.s32 $0x5;
	s26 =	simm.s32 $0x6;
	[dreg:$0xb] =	wrdreg s0  }
.LBB2_1:
0x16: {  	s0 =	simm.s32 $0x0;
	s1 =	rddreg [dreg:$0x4]  }
0x17: {  	[tilespmem:s0], [sflag:$0x7] =	stream.linear.gather [hbm4b:s1+s0], $0x2710, $0x38;
	[tilespmem:$0x1FF80] =	vst v63  }
0x18: {  	s29 =	rddreg [dreg:$0x5];
	s3 =	simm.s32 $0x2780  }
0x19: {  	[tilespmem:s3], [sflag:$0x7] =	stream.linear.gather [hbm4b:s29+s0], $0x2710, $0x38;
	[tilespmem:$0x1FF80] =	vst v63  }
0x1a: {  	s0 =	simm.s32 $0x0;
	s3 =	simm.s32 $0x200  }
.LBB2_2:
0x1b: {  	p1 =	sne.s32 s3, $0x4E00;
	[tilespmem:s0+$0x4F70] =	vst v0  }
0x1c: {  	[tilespmem:s0+$0x4F00] =	vst v0  }
0x1d: {  	[tilespmem:s0+$0x4F10] =	vst v0  }
.Ltmp0:
0x1e: {  	[tilespmem:s0+$0x4F20] =	vst v0;
	(pc) =	sbr.rel @p1 .LBB2_2-.Ltmp0, $4  }
0x1f: {  	[tilespmem:s0+$0x4F30] =	vst v0  }
0x20: {  	[tilespmem:s0+$0x4F40] =	vst v0  }
0x21: {  	[tilespmem:s0+$0x4F50] =	vst v0  }
0x22: {  	[tilespmem:s0+$0x4F60] =	vst v0;
	s0 =	sshra.s32 s3, $0x2;
	s3 =	sadd.s32 $0x200, s3  }
0x23: {  	[tilespmem:s0+$0x4F70] =	vst v0  }
0x24: {  	[tilespmem:s0+$0x4F00] =	vst v0  }
0x25: {  	[tilespmem:s0+$0x4F10] =	vst v0  }
0x26: {  	[tilespmem:s0+$0x4F20] =	vst v0;
	p1 =	sne.s32 s8, $0x1  }
.Ltmp1:
0x27: {  	[tilespmem:s0+$0x4F30] =	vst v0;
	(pc) =	sbr.rel @!p1 .LBB2_5-.Ltmp1, $4  }
0x28: {  	[tilespmem:s0+$0x4F40] =	vst v0  }
0x29: {  	[tilespmem:s0+$0x4F50] =	vst v0  }
0x2a: {  	[tilespmem:s0+$0x4F60] =	vst v0;
	s0 =	sadd.s32 $0xFFFFFFFF, s8;
	s3 =	smov.u32 s6  }
0x2b: {  	[spmem:s6] =	stream.linear.scatter [tilespmem:s13], [sflag:$0x1], $0x400, $0x38;
	[tilespmem:$0x1FF80] =	vst v63  }
.LBB2_4:
0x2c: {  	p2 =	sne.s32 s0, $0x1  }
.Ltmp2:
0x2d: {  	_ = 	snop;
	(pc) =	sbr.rel @p2 .LBB2_4-.Ltmp2, $3  }
0x2e: {  	_ = 	snop  }
0x2f: {  	s0 =	sadd.s32 $0xFFFFFFFF, s0;
	s3 =	sadd.s32 $0x400, s3;
	_ =	sdelay $0x1  }
0x30: {  	[spmem:s3] =	stream.linear.scatter [tilespmem:s13], [sflag:$0x1], $0x400, $0x38;
	[tilespmem:$0x1FF80] =	vst v63  }
.LBB2_5:
.Ltmp3:
0x31: {  	(pc) =	sbr.rel @!p1 .LBB2_7-.Ltmp3, $3  }
0x32: {  	_ =	sdelay $0x1  }
0x33: {  	_ =	swait.ge [sflag:s14], $0x400  }
0x34: {  	s0 =	sadd.s32 $0xFFFFFFFF, s8;
	[sflag:s14] =	ssyncset.done $0x0  }
.LBB2_6:
0x35: {  	p1 =	sne.s32 s0, $0x1;
	s0 =	sadd.s32 $0xFFFFFFFF, s0;
	[sflag:s14] =	ssyncadd.s32 $0xFFFFFC00  }
.Ltmp4:
0x36: {  	(pc) =	sbr.rel @p1 .LBB2_6-.Ltmp4, $3  }
0x37: {  	_ =	sdelay $0x1  }
0x38: {  	_ =	swait.ge [sflag:s14], $0x400  }
0x39: {  	[sflag:s14] =	ssyncset.done $0x0  }
.LBB2_7:
0x3a: {  	[sflag:s14] =	ssyncadd.s32 $0xFFFFFC00  }
0x3b: {  	_ =	swait.ge [sflag:s15], $0x2710  }
0x3c: {  	[sflag:s15] =	ssyncset.done $0x0  }
0x3d: {  	[sflag:s15] =	ssyncadd.s32 $0xFFFFD8F0  }
0x3e: {  	_ =	swait.ge [sflag:s15], $0x2710  }
0x3f: {  	[sflag:s15] =	ssyncset.done $0x0  }
0x40: {  	p1 =	por $0x0, $0x0;
	[sflag:s15] =	ssyncadd.s32 $0xFFFFD8F0  }
0x41: {  	s0 =	simm.s32 @p1 $0x7;
	[bflag:$0x0] =	sbarrier.arrive $0xFFFF  }
0x42: {  	_ =	swait.ge @p1 [sflag:s0], $0x1400  }
0x43: {  	s3 =	simm.s32 @p1 $0x0;
	s5 =	simm.s32 @p1 $0x28;
	[sflag:s0] =	ssyncset.done @p1 $0x0  }
0x44: {  	s6 =	simm.s32 @p1 $0x8;
	[sflag:s0] =	ssyncadd.s32 @p1 $0xFFFFEC00;
	s0 =	simm.s32 @p1 $0x4F00  }
0x45: {  	[tilespmem:s0], [sflag:$0x1] =	stream.indirect.gather @p1 [hbm4b:s4+s5], $0x80, s3, s5, $0xb8;
	[tilespmem:$0x1FF80] =	vst v63  }
0x46: {  	_ =	swait.ge @p1 [sflag:s6], $0x1400  }
0x47: {  	s0 =	simm.s32 @p1 $0x28;
	[sflag:s6] =	ssyncset.done @p1 $0x0  }
0x48: {  	s3 =	simm.s32 @p1 $0x6300;
	[sflag:s6] =	ssyncadd.s32 @p1 $0xFFFFEC00;
	s6 =	simm.s32 @p1 $0x9  }
0x49: {  	[tilespmem:s3], [sflag:$0x2] =	stream.indirect.gather @p1 [hbm4b:s4+s5], $0x80, s0, s5, $0xb8;
	[tilespmem:$0x1FF80] =	vst v63  }
0x4a: {  	_ =	swait.ge @p1 [sflag:s6], $0x1400  }
0x4b: {  	s0 =	simm.s32 @p1 $0x50;
	[sflag:s6] =	ssyncset.done @p1 $0x0  }
0x4c: {  	s3 =	simm.s32 @p1 $0x7700;
	[sflag:s6] =	ssyncadd.s32 @p1 $0xFFFFEC00;
	s6 =	simm.s32 @p1 $0xA  }
0x4d: {  	[tilespmem:s3], [sflag:$0x3] =	stream.indirect.gather @p1 [hbm4b:s4+s5], $0x80, s0, s5, $0xb8;
	[tilespmem:$0x1FF80] =	vst v63  }
0x4e: {  	_ =	swait.ge @p1 [sflag:s6], $0x1400  }
0x4f: {  	s0 =	simm.s32 @p1 $0x78;
	[sflag:s6] =	ssyncset.done @p1 $0x0  }
0x50: {  	s3 =	simm.s32 @p1 $0x8B00;
	[sflag:s6] =	ssyncadd.s32 @p1 $0xFFFFEC00;
	s6 =	simm.s32 @p1 $0xB  }
0x51: {  	[tilespmem:s3], [sflag:$0x4] =	stream.indirect.gather @p1 [hbm4b:s4+s5], $0x80, s0, s5, $0xb8;
	[tilespmem:$0x1FF80] =	vst v63  }
0x52: {  	_ =	swait.ge @p1 [sflag:s6], $0x1400  }
0x53: {  	s9 =	simm.s32 @p1 $0xC;
	[sflag:s6] =	ssyncset.done @p1 $0x0  }
0x54: {  	s0 =	simm.s32 $0xA0;
	s3 =	simm.s32 @p1 $0x9F00;
	[sflag:s6] =	ssyncadd.s32 @p1 $0xFFFFEC00  }
0x55: {  	[tilespmem:s3], [sflag:$0x5] =	stream.indirect.gather @p1 [hbm4b:s4+s5], $0x80, s0, s5, $0xb8;
	[tilespmem:$0x1FF80] =	vst v63  }
0x56: {  	_ =	swait.ge @p1 [sflag:s9], $0x1400  }
0x57: {  	s0 =	simm.s32 @!p1 $0x28;
	[sflag:s9] =	ssyncset.done @p1 $0x0  }
0x58: {  	s3 =	simm.s32 @!p1 $0x0;
	s5 =	simm.s32 @!p1 $0x4F00;
	[sflag:s9] =	ssyncadd.s32 @p1 $0xFFFFEC00  }
0x59: {  	[tilespmem:s5], [sflag:$0x1] =	stream.indirect.gather @!p1 [hbm4b:s4+s0], $0x80, s3, s0, $0xb8;
	[tilespmem:$0x1FF80] =	vst v63  }
0x5a: {  	s3 =	simm.s32 @!p1 $0x6300  }
0x5b: {  	[tilespmem:s3], [sflag:$0x2] =	stream.indirect.gather @!p1 [hbm4b:s4+s0], $0x80, s0, s0, $0xb8;
	[tilespmem:$0x1FF80] =	vst v63  }
0x5c: {  	s5 =	simm.s32 @!p1 $0x7700;
	s3 =	simm.s32 @!p1 $0x50  }
0x5d: {  	[tilespmem:s5], [sflag:$0x3] =	stream.indirect.gather @!p1 [hbm4b:s4+s0], $0x80, s3, s0, $0xb8;
	[tilespmem:$0x1FF80] =	vst v63  }
0x5e: {  	s6 =	simm.s32 @!p1 $0x8B00;
	s3 =	simm.s32 @p1 $0x0;
	s5 =	simm.s32 @!p1 $0x78  }
0x5f: {  	[tilespmem:s6], [sflag:$0x4] =	stream.indirect.gather @!p1 [hbm4b:s4+s0], $0x80, s5, s0, $0xb8;
	[tilespmem:$0x1FF80] =	vst v63  }
0x60: {  	s3 =	simm.s32 @!p1 $0x0;
	s5 =	simm.s32 @!p1 $0xA0;
	s6 =	simm.s32 @!p1 $0x9F00  }
0x61: {  	[tilespmem:s6], [sflag:$0x5] =	stream.indirect.gather @!p1 [hbm4b:s4+s0], $0x80, s5, s0, $0xb8;
	[tilespmem:$0x1FF80] =	vst v63  }
0x62: {  	s25 =	sadd.s32 $0xC8, s3  }
0x63: {  	[tilespmem:s17], [sflag:$0x6] =	stream.indirect.gather [hbm4b:s4+s16], $0x80, s25, s16, $0xb8;
	[tilespmem:$0x1FF80] =	vst v63  }
0x64: {  	_ =	swait.ge [sflag:s14], $0x1400  }
0x65: {  	[sflag:s14] =	ssyncset.done $0x0  }
0x66: {  	s28 =	sadd.s32 $0x2780, s3;
	[sflag:s14] =	ssyncadd.s32 $0xFFFFEC00  }
0x67: {  	[spmem:s2] =	stream.indirect.scatter.add.f32 [tilespmem:s13], [sflag:$0x7], $0x80, s28, s16, $0xb8;
	[tilespmem:$0x1FF80] =	vst v63  }
0x68: {  	s0 =	simm.s32 @p1 $0x28;
	_ =	swait.ge [sflag:s18], $0x1400  }
0x69: {  	s0 =	simm.s32 @!p1 $0x28;
	[sflag:s18] =	ssyncset.done $0x0  }
0x6a: {  	s0 =	sadd.s32 $0x2780, s0;
	[sflag:s18] =	ssyncadd.s32 $0xFFFFEC00  }
0x6b: {  	[spmem:s2] =	stream.indirect.scatter.add.f32 [tilespmem:s19], [sflag:$0x8], $0x80, s0, s16, $0xb8;
	[tilespmem:$0x1FF80] =	vst v63  }
0x6c: {  	s0 =	simm.s32 @p1 $0x50;
	_ =	swait.ge [sflag:s20], $0x1400  }
0x6d: {  	s0 =	simm.s32 @!p1 $0x50;
	[sflag:s20] =	ssyncset.done $0x0  }
0x6e: {  	s0 =	sadd.s32 $0x2780, s0;
	[sflag:s20] =	ssyncadd.s32 $0xFFFFEC00  }
0x6f: {  	[spmem:s2] =	stream.indirect.scatter.add.f32 [tilespmem:s21], [sflag:$0x9], $0x80, s0, s16, $0xb8;
	[tilespmem:$0x1FF80] =	vst v63  }
0x70: {  	s0 =	simm.s32 @p1 $0x78;
	_ =	swait.ge [sflag:s22], $0x1400  }
0x71: {  	s0 =	simm.s32 @!p1 $0x78;
	[sflag:s22] =	ssyncset.done $0x0  }
0x72: {  	s0 =	sadd.s32 $0x2780, s0;
	[sflag:s22] =	ssyncadd.s32 $0xFFFFEC00  }
0x73: {  	[spmem:s2] =	stream.indirect.scatter.add.f32 [tilespmem:s23], [sflag:$0xA], $0x80, s0, s16, $0xb8;
	[tilespmem:$0x1FF80] =	vst v63  }
0x74: {  	s10 =	sadd.s32 $0x2848, s3;
	s0 =	simm.s32 $0xA0;
	_ =	swait.ge [sflag:s24], $0x1400  }
0x75: {  	s3 =	simm.s32 $0x190;
	s0 =	simm.s32 @!p1 $0xA0;
	[sflag:s24] =	ssyncset.done $0x0  }
0x76: {  	s29 =	rddreg [dreg:$0x3];
	s0 =	sadd.s32 $0x2780, s0;
	[sflag:s24] =	ssyncadd.s32 $0xFFFFEC00  }
0x77: {  	[spmem:s2] =	stream.indirect.scatter.add.f32 [tilespmem:s29], [sflag:$0xB], $0x80, s0, s16, $0xb8;
	[tilespmem:$0x1FF80] =	vst v63  }
0x78: {  	s5 =	simm.s32 $0x280;
	p1 =	por $0x1, $0x1;
	s0 =	simm.s32 $0x190  }
.LBB2_8:
0x79: {  	_ =	swait.ge [sflag:s26], $0x1400  }
0x7a: {  	[sflag:s26] =	ssyncset.done $0x0  }
0x7b: {  	s11 =	simm.s32 @p1 $0x7;
	[sflag:s26] =	ssyncadd.s32 $0xFFFFEC00  }
0x7c: {  	[spmem:s2] =	stream.indirect.scatter.add.f32 [tilespmem:s17], [sflag:$0xC], $0x80, s10, s16, $0xb8;
	[tilespmem:$0x1FF80] =	vst v63  }
0x7d: {  	s6 =	sadd.s32 @p1 $0xFFFFFF60, s0;
	_ =	swait.ge @p1 [sflag:s11], $0x1400  }
0x7e: {  	s28 =	sadd.s32 @p1 $0xFFFFFF60, s3;
	s7 =	simm.s32 @p1 $0x28;
	[sflag:s11] =	ssyncset.done @p1 $0x0  }
0x7f: {  	s8 =	simm.s32 @p1 $0x8;
	[sflag:s11] =	ssyncadd.s32 @p1 $0xFFFFEC00;
	s11 =	simm.s32 @p1 $0x4F00  }
0x80: {  	[tilespmem:s11], [sflag:$0x1] =	stream.indirect.gather @p1 [hbm4b:s4+s7], $0x80, s28, s7, $0xb8;
	[tilespmem:$0x1FF80] =	vst v63  }
0x81: {  	s1 =	smov.u32 s5;
	s25 =	sadd.s32 @p1 $0xFFFFFF88, s0;
	_ =	swait.ge @p1 [sflag:s8], $0x1400  }
0x82: {  	s9 =	sadd.s32 @p1 $0xFFFFFFB0, s0;
	s29 =	simm.s32 @p1 $0x6300;
	[sflag:s8] =	ssyncset.done @p1 $0x0  }
0x83: {  	s28 =	sadd.s32 @p1 $0xFFFFFF88, s3;
	[sflag:s8] =	ssyncadd.s32 @p1 $0xFFFFEC00;
	s8 =	simm.s32 @p1 $0x9  }
0x84: {  	[tilespmem:s29], [sflag:$0x2] =	stream.indirect.gather @p1 [hbm4b:s4+s7], $0x80, s28, s7, $0xb8;
	[tilespmem:$0x1FF80] =	vst v63  }
0x85: {  	s10 =	sadd.s32 @p1 $0xFFFFFFD8, s0;
	s11 =	smov.u32 s0;
	_ =	swait.ge @p1 [sflag:s8], $0x1400  }
0x86: {  	s0 =	smov.u32 s1;
	s1 =	simm.s32 @p1 $0xA;
	[sflag:s8] =	ssyncset.done @p1 $0x0  }
0x87: {  	s28 =	sadd.s32 @p1 $0xFFFFFFB0, s3;
	s29 =	simm.s32 @p1 $0x7700;
	[sflag:s8] =	ssyncadd.s32 @p1 $0xFFFFEC00  }
0x88: {  	[tilespmem:s29], [sflag:$0x3] =	stream.indirect.gather @p1 [hbm4b:s4+s7], $0x80, s28, s7, $0xb8;
	[tilespmem:$0x1FF80] =	vst v63  }
0x89: {  	_ =	swait.ge @p1 [sflag:s1], $0x1400  }
0x8a: {  	s8 =	sadd.s32 @p1 $0xFFFFFFD8, s3;
	[sflag:s1] =	ssyncset.done @p1 $0x0  }
0x8b: {  	s28 =	simm.s32 @p1 $0x8B00;
	[sflag:s1] =	ssyncadd.s32 @p1 $0xFFFFEC00;
	s1 =	simm.s32 @p1 $0xB  }
0x8c: {  	[tilespmem:s28], [sflag:$0x4] =	stream.indirect.gather @p1 [hbm4b:s4+s7], $0x80, s8, s7, $0xb8;
	[tilespmem:$0x1FF80] =	vst v63  }
0x8d: {  	_ =	swait.ge @p1 [sflag:s1], $0x1400  }
0x8e: {  	[sflag:s1] =	ssyncset.done @p1 $0x0  }
0x8f: {  	s8 =	simm.s32 @p1 $0x9F00;
	s28 =	simm.s32 @p1 $0xC;
	[sflag:s1] =	ssyncadd.s32 @p1 $0xFFFFEC00  }
0x90: {  	[tilespmem:s8], [sflag:$0x5] =	stream.indirect.gather @p1 [hbm4b:s4+s7], $0x80, s3, s7, $0xb8;
	[tilespmem:$0x1FF80] =	vst v63  }
0x91: {  	_ =	swait.ge @p1 [sflag:s28], $0x1400  }
0x92: {  	s1 =	simm.s32 @!p1 $0x28;
	[sflag:s28] =	ssyncset.done @p1 $0x0  }
0x93: {  	s7 =	simm.s32 @!p1 $0x0;
	s8 =	simm.s32 @!p1 $0x4F00;
	[sflag:s28] =	ssyncadd.s32 @p1 $0xFFFFEC00  }
0x94: {  	[tilespmem:s8], [sflag:$0x1] =	stream.indirect.gather @!p1 [hbm4b:s4+s1], $0x80, s7, s1, $0xb8;
	[tilespmem:$0x1FF80] =	vst v63  }
0x95: {  	s7 =	simm.s32 @!p1 $0x6300  }
0x96: {  	[tilespmem:s7], [sflag:$0x2] =	stream.indirect.gather @!p1 [hbm4b:s4+s1], $0x80, s1, s1, $0xb8;
	[tilespmem:$0x1FF80] =	vst v63  }
0x97: {  	s8 =	simm.s32 @!p1 $0x7700;
	s7 =	simm.s32 @!p1 $0x50  }
0x98: {  	[tilespmem:s8], [sflag:$0x3] =	stream.indirect.gather @!p1 [hbm4b:s4+s1], $0x80, s7, s1, $0xb8;
	[tilespmem:$0x1FF80] =	vst v63  }
0x99: {  	s7 =	simm.s32 @!p1 $0x78;
	s8 =	simm.s32 @!p1 $0x8B00  }
0x9a: {  	[tilespmem:s8], [sflag:$0x4] =	stream.indirect.gather @!p1 [hbm4b:s4+s1], $0x80, s7, s1, $0xb8;
	[tilespmem:$0x1FF80] =	vst v63  }
0x9b: {  	s6 =	simm.s32 @!p1 $0x0;
	s7 =	simm.s32 @!p1 $0xA0;
	s8 =	simm.s32 @!p1 $0x9F00  }
0x9c: {  	[tilespmem:s8], [sflag:$0x5] =	stream.indirect.gather @!p1 [hbm4b:s4+s1], $0x80, s7, s1, $0xb8;
	[tilespmem:$0x1FF80] =	vst v63  }
0x9d: {  	s29 =	sadd.s32 $0xC8, s6  }
0x9e: {  	[tilespmem:s17], [sflag:$0x6] =	stream.indirect.gather [hbm4b:s4+s16], $0x80, s29, s16, $0xb8;
	[tilespmem:$0x1FF80] =	vst v63  }
0x9f: {  	_ =	swait.ge [sflag:s14], $0x1400  }
0xa0: {  	[sflag:s14] =	ssyncset.done $0x0  }
0xa1: {  	s7 =	sadd.s32 $0x2780, s6;
	[sflag:s14] =	ssyncadd.s32 $0xFFFFEC00  }
0xa2: {  	[spmem:s2] =	stream.indirect.scatter.add.f32 [tilespmem:s13], [sflag:$0x7], $0x80, s7, s16, $0xb8;
	[tilespmem:$0x1FF80] =	vst v63  }
0xa3: {  	_ =	swait.ge [sflag:s18], $0x1400  }
0xa4: {  	s25 =	simm.s32 @!p1 $0x28;
	[sflag:s18] =	ssyncset.done $0x0  }
0xa5: {  	s8 =	sadd.s32 $0x2780, s25;
	[sflag:s18] =	ssyncadd.s32 $0xFFFFEC00  }
0xa6: {  	[spmem:s2] =	stream.indirect.scatter.add.f32 [tilespmem:s19], [sflag:$0x8], $0x80, s8, s16, $0xb8;
	[tilespmem:$0x1FF80] =	vst v63  }
0xa7: {  	_ =	swait.ge [sflag:s20], $0x1400  }
0xa8: {  	s9 =	simm.s32 @!p1 $0x50;
	[sflag:s20] =	ssyncset.done $0x0  }
0xa9: {  	s9 =	sadd.s32 $0x2780, s9;
	[sflag:s20] =	ssyncadd.s32 $0xFFFFEC00  }
0xaa: {  	[spmem:s2] =	stream.indirect.scatter.add.f32 [tilespmem:s21], [sflag:$0x9], $0x80, s9, s16, $0xb8;
	[tilespmem:$0x1FF80] =	vst v63  }
0xab: {  	_ =	swait.ge [sflag:s22], $0x1400  }
0xac: {  	s5 =	sadd.s32 $0xF0, s5;
	s10 =	simm.s32 @!p1 $0x78;
	[sflag:s22] =	ssyncset.done $0x0  }
0xad: {  	p2 =	sne.s32 s5, $0x2710;
	s25 =	sadd.s32 $0x2780, s10;
	[sflag:s22] =	ssyncadd.s32 $0xFFFFEC00  }
0xae: {  	[spmem:s2] =	stream.indirect.scatter.add.f32 [tilespmem:s23], [sflag:$0xA], $0x80, s25, s16, $0xb8;
	[tilespmem:$0x1FF80] =	vst v63  }
.Ltmp5:
0xaf: {  	_ = 	snop;
	(pc) =	sbr.rel @p2 .LBB2_8-.Ltmp5, $4  }
0xb0: {  	s11 =	simm.s32 @!p1 $0xA0;
	s3 =	sadd.s32 $0xF0, s3;
	_ =	swait.ge [sflag:s24], $0x1400  }
0xb1: {  	p1 =	sne.s32 s0, $0xA0;
	s10 =	sadd.s32 $0x2848, s6;
	[sflag:s24] =	ssyncset.done $0x0  }
0xb2: {  	s29 =	sadd.s32 $0x2780, s11;
	s28 =	rddreg [dreg:$0x3];
	[sflag:s24] =	ssyncadd.s32 $0xFFFFEC00  }
0xb3: {  	[spmem:s2] =	stream.indirect.scatter.add.f32 [tilespmem:s28], [sflag:$0xB], $0x80, s29, s16, $0xb8;
	[tilespmem:$0x1FF80] =	vst v63  }
0xb4: {  	_ =	swait.ge [sflag:s26], $0x1400  }
0xb5: {  	[sflag:s26] =	ssyncset.done $0x0  }
0xb6: {  	s1 =	simm.s32 @p1 $0x7;
	[sflag:s26] =	ssyncadd.s32 $0xFFFFEC00  }
0xb7: {  	[spmem:s2] =	stream.indirect.scatter.add.f32 [tilespmem:s17], [sflag:$0xC], $0x80, s10, s16, $0xb8;
	[tilespmem:$0x1FF80] =	vst v63  }
0xb8: {  	_ =	swait.ge @p1 [sflag:s1], $0x1400  }
0xb9: {  	s5 =	sadd.s32 @p1 $0xFFFFFF60, s3;
	[sflag:s1] =	ssyncset.done @p1 $0x0  }
0xba: {  	s6 =	simm.s32 @p1 $0x28;
	[sflag:s1] =	ssyncadd.s32 @p1 $0xFFFFEC00;
	s1 =	simm.s32 @p1 $0x4F00  }
0xbb: {  	[tilespmem:s1], [sflag:$0x1] =	stream.indirect.gather @p1 [hbm4b:s4+s6], $0x80, s5, s6, $0xb8;
	[tilespmem:$0x1FF80] =	vst v63  }
0xbc: {  	s1 =	simm.s32 @p1 $0x8  }
0xbd: {  	_ =	swait.ge @p1 [sflag:s1], $0x1400  }
0xbe: {  	[sflag:s1] =	ssyncset.done @p1 $0x0  }
0xbf: {  	s5 =	sadd.s32 @p1 $0xFFFFFF88, s3;
	[sflag:s1] =	ssyncadd.s32 @p1 $0xFFFFEC00;
	s1 =	simm.s32 @p1 $0x6300  }
0xc0: {  	[tilespmem:s1], [sflag:$0x2] =	stream.indirect.gather @p1 [hbm4b:s4+s6], $0x80, s5, s6, $0xb8;
	[tilespmem:$0x1FF80] =	vst v63  }
0xc1: {  	s1 =	simm.s32 @p1 $0x9  }
0xc2: {  	_ =	swait.ge @p1 [sflag:s1], $0x1400  }
0xc3: {  	[sflag:s1] =	ssyncset.done @p1 $0x0  }
0xc4: {  	s5 =	sadd.s32 @p1 $0xFFFFFFB0, s3;
	[sflag:s1] =	ssyncadd.s32 @p1 $0xFFFFEC00;
	s1 =	simm.s32 @p1 $0x7700  }
0xc5: {  	[tilespmem:s1], [sflag:$0x3] =	stream.indirect.gather @p1 [hbm4b:s4+s6], $0x80, s5, s6, $0xb8;
	[tilespmem:$0x1FF80] =	vst v63  }
0xc6: {  	s1 =	simm.s32 @p1 $0xA  }
0xc7: {  	_ =	swait.ge @p1 [sflag:s1], $0x1400  }
0xc8: {  	[sflag:s1] =	ssyncset.done @p1 $0x0  }
0xc9: {  	s5 =	sadd.s32 @p1 $0xFFFFFFD8, s3;
	[sflag:s1] =	ssyncadd.s32 @p1 $0xFFFFEC00;
	s1 =	simm.s32 @p1 $0x8B00  }
0xca: {  	[tilespmem:s1], [sflag:$0x4] =	stream.indirect.gather @p1 [hbm4b:s4+s6], $0x80, s5, s6, $0xb8;
	[tilespmem:$0x1FF80] =	vst v63  }
0xcb: {  	s1 =	simm.s32 @p1 $0xB  }
0xcc: {  	_ =	swait.ge @p1 [sflag:s1], $0x1400  }
0xcd: {  	[sflag:s1] =	ssyncset.done @p1 $0x0  }
0xce: {  	[sflag:s1] =	ssyncadd.s32 @p1 $0xFFFFEC00;
	s1 =	simm.s32 @p1 $0x9F00  }
0xcf: {  	[tilespmem:s1], [sflag:$0x5] =	stream.indirect.gather @p1 [hbm4b:s4+s6], $0x80, s3, s6, $0xb8;
	[tilespmem:$0x1FF80] =	vst v63  }
0xd0: {  	s1 =	simm.s32 @p1 $0xC  }
0xd1: {  	_ =	swait.ge @p1 [sflag:s1], $0x1400  }
0xd2: {  	s5 =	simm.s32 @!p1 $0x0;
	[sflag:s1] =	ssyncset.done @p1 $0x0  }
0xd3: {  	s3 =	simm.s32 @!p1 $0x28;
	[sflag:s1] =	ssyncadd.s32 @p1 $0xFFFFEC00;
	s1 =	simm.s32 @!p1 $0x4F00  }
0xd4: {  	[tilespmem:s1], [sflag:$0x1] =	stream.indirect.gather @!p1 [hbm4b:s4+s3], $0x80, s5, s3, $0xb8;
	[tilespmem:$0x1FF80] =	vst v63  }
0xd5: {  	s1 =	simm.s32 @!p1 $0x6300  }
0xd6: {  	[tilespmem:s1], [sflag:$0x2] =	stream.indirect.gather @!p1 [hbm4b:s4+s3], $0x80, s3, s3, $0xb8;
	[tilespmem:$0x1FF80] =	vst v63  }
0xd7: {  	s5 =	simm.s32 @!p1 $0x7700;
	s1 =	simm.s32 @!p1 $0x50  }
0xd8: {  	[tilespmem:s5], [sflag:$0x3] =	stream.indirect.gather @!p1 [hbm4b:s4+s3], $0x80, s1, s3, $0xb8;
	[tilespmem:$0x1FF80] =	vst v63  }
0xd9: {  	s1 =	simm.s32 @!p1 $0x78;
	s5 =	simm.s32 @!p1 $0x8B00  }
0xda: {  	[tilespmem:s5], [sflag:$0x4] =	stream.indirect.gather @!p1 [hbm4b:s4+s3], $0x80, s1, s3, $0xb8;
	[tilespmem:$0x1FF80] =	vst v63  }
0xdb: {  	s1 =	simm.s32 @!p1 $0xA0;
	s5 =	simm.s32 @!p1 $0x9F00  }
0xdc: {  	[tilespmem:s5], [sflag:$0x5] =	stream.indirect.gather @!p1 [hbm4b:s4+s3], $0x80, s1, s3, $0xb8;
	[tilespmem:$0x1FF80] =	vst v63  }
0xdd: {  	s1 =	sadd.s32 @p1 $0xFFFFFF60, s0  }
0xde: {  	s1 =	simm.s32 @!p1 $0x0  }
0xdf: {  	s11 =	sadd.s32 $0xC8, s1  }
0xe0: {  	[tilespmem:s17], [sflag:$0x6] =	stream.indirect.gather [hbm4b:s4+s16], $0x80, s11, s16, $0xb8;
	[tilespmem:$0x1FF80] =	vst v63  }
0xe1: {  	_ =	swait.ge [sflag:s14], $0x1400  }
0xe2: {  	[sflag:s14] =	ssyncset.done $0x0  }
0xe3: {  	s25 =	sadd.s32 $0x2780, s1;
	[sflag:s14] =	ssyncadd.s32 $0xFFFFEC00  }
0xe4: {  	[spmem:s2] =	stream.indirect.scatter.add.f32 [tilespmem:s13], [sflag:$0x7], $0x80, s25, s16, $0xb8;
	[tilespmem:$0x1FF80] =	vst v63  }
0xe5: {  	s3 =	sadd.s32 @p1 $0xFFFFFF88, s0;
	_ =	swait.ge [sflag:s18], $0x1400  }
0xe6: {  	s3 =	simm.s32 @!p1 $0x28;
	[sflag:s18] =	ssyncset.done $0x0  }
0xe7: {  	s3 =	sadd.s32 $0x2780, s3;
	[sflag:s18] =	ssyncadd.s32 $0xFFFFEC00  }
0xe8: {  	[spmem:s2] =	stream.indirect.scatter.add.f32 [tilespmem:s19], [sflag:$0x8], $0x80, s3, s16, $0xb8;
	[tilespmem:$0x1FF80] =	vst v63  }
0xe9: {  	s3 =	sadd.s32 @p1 $0xFFFFFFB0, s0;
	_ =	swait.ge [sflag:s20], $0x1400  }
0xea: {  	s3 =	simm.s32 @!p1 $0x50;
	[sflag:s20] =	ssyncset.done $0x0  }
0xeb: {  	s3 =	sadd.s32 $0x2780, s3;
	[sflag:s20] =	ssyncadd.s32 $0xFFFFEC00  }
0xec: {  	[spmem:s2] =	stream.indirect.scatter.add.f32 [tilespmem:s21], [sflag:$0x9], $0x80, s3, s16, $0xb8;
	[tilespmem:$0x1FF80] =	vst v63  }
0xed: {  	s3 =	sadd.s32 @p1 $0xFFFFFFD8, s0;
	_ =	swait.ge [sflag:s22], $0x1400  }
0xee: {  	s3 =	simm.s32 @!p1 $0x78;
	[sflag:s22] =	ssyncset.done $0x0  }
0xef: {  	s3 =	sadd.s32 $0x2780, s3;
	[sflag:s22] =	ssyncadd.s32 $0xFFFFEC00  }
0xf0: {  	[spmem:s2] =	stream.indirect.scatter.add.f32 [tilespmem:s23], [sflag:$0xA], $0x80, s3, s16, $0xb8;
	[tilespmem:$0x1FF80] =	vst v63  }
0xf1: {  	_ =	swait.ge [sflag:s24], $0x1400  }
0xf2: {  	s0 =	simm.s32 @!p1 $0xA0;
	[sflag:s24] =	ssyncset.done $0x0  }
0xf3: {  	s0 =	sadd.s32 $0x2780, s0;
	s28 =	rddreg [dreg:$0x3];
	[sflag:s24] =	ssyncadd.s32 $0xFFFFEC00  }
0xf4: {  	[spmem:s2] =	stream.indirect.scatter.add.f32 [tilespmem:s28], [sflag:$0xB], $0x80, s0, s16, $0xb8;
	[tilespmem:$0x1FF80] =	vst v63  }
0xf5: {  	_ =	swait.ge [sflag:s26], $0x1400  }
0xf6: {  	[sflag:s26] =	ssyncset.done $0x0  }
0xf7: {  	s29 =	sadd.s32 $0x2848, s1;
	[sflag:s26] =	ssyncadd.s32 $0xFFFFEC00  }
0xf8: {  	[spmem:s2] =	stream.indirect.scatter.add.f32 [tilespmem:s17], [sflag:$0xC], $0x80, s29, s16, $0xb8;
	[tilespmem:$0x1FF80] =	vst v63  }
0xf9: {  	_ =	swait.ge [sflag:s15], $0x1400  }
0xfa: {  	[sflag:s15] =	ssyncset.done $0x0  }
0xfb: {  	s1 =	simm.s32 $0x2670;
	s3 =	simm.s32 $0x8;
	[sflag:s15] =	ssyncadd.s32 $0xFFFFEC00  }
0xfc: {  	[tilespmem:s13], [sflag:$0x1] =	stream.indirect.gather [hbm4b:s4+s16], $0x80, s1, s16, $0xb8;
	[tilespmem:$0x1FF80] =	vst v63  }
0xfd: {  	_ =	swait.ge [sflag:s3], $0x1400  }
0xfe: {  	[sflag:s3] =	ssyncset.done $0x0  }
0xff: {  	s5 =	simm.s32 $0x2698;
	[sflag:s3] =	ssyncadd.s32 $0xFFFFEC00  }
0x100: {  	[tilespmem:s19], [sflag:$0x2] =	stream.indirect.gather [hbm4b:s4+s16], $0x80, s5, s16, $0xb8;
	[tilespmem:$0x1FF80] =	vst v63  }
0x101: {  	_ =	swait.ge [sflag:s31], $0x1400  }
0x102: {  	[sflag:s31] =	ssyncset.done $0x0  }
0x103: {  	s6 =	simm.s32 $0x26C0;
	[sflag:s31] =	ssyncadd.s32 $0xFFFFEC00  }
0x104: {  	[tilespmem:s21], [sflag:$0x3] =	stream.indirect.gather [hbm4b:s4+s16], $0x80, s6, s16, $0xb8;
	[tilespmem:$0x1FF80] =	vst v63  }
0x105: {  	_ =	swait.ge [sflag:s12], $0x1400  }
0x106: {  	[sflag:s12] =	ssyncset.done $0x0  }
0x107: {  	s7 =	simm.s32 $0x26E8;
	[sflag:s12] =	ssyncadd.s32 $0xFFFFEC00  }
0x108: {  	[tilespmem:s23], [sflag:$0x4] =	stream.indirect.gather [hbm4b:s4+s16], $0x80, s7, s16, $0xb8;
	[tilespmem:$0x1FF80] =	vst v63  }
0x109: {  	_ =	swait.ge [sflag:s14], $0x1400  }
0x10a: {  	[sflag:s14] =	ssyncset.done $0x0  }
0x10b: {  	s8 =	simm.s32 $0x4DF0;
	[sflag:s14] =	ssyncadd.s32 $0xFFFFEC00  }
0x10c: {  	[spmem:s2] =	stream.indirect.scatter.add.f32 [tilespmem:s13], [sflag:$0x7], $0x80, s8, s16, $0xb8;
	[tilespmem:$0x1FF80] =	vst v63  }
0x10d: {  	_ =	swait.ge [sflag:s18], $0x1400  }
0x10e: {  	[sflag:s18] =	ssyncset.done $0x0  }
0x10f: {  	s9 =	simm.s32 $0x4E18;
	[sflag:s18] =	ssyncadd.s32 $0xFFFFEC00  }
0x110: {  	[spmem:s2] =	stream.indirect.scatter.add.f32 [tilespmem:s19], [sflag:$0x8], $0x80, s9, s16, $0xb8;
	[tilespmem:$0x1FF80] =	vst v63  }
0x111: {  	_ =	swait.ge [sflag:s20], $0x1400  }
0x112: {  	[sflag:s20] =	ssyncset.done $0x0  }
0x113: {  	s10 =	simm.s32 $0x4E40;
	[sflag:s20] =	ssyncadd.s32 $0xFFFFEC00  }
0x114: {  	[spmem:s2] =	stream.indirect.scatter.add.f32 [tilespmem:s21], [sflag:$0x9], $0x80, s10, s16, $0xb8;
	[tilespmem:$0x1FF80] =	vst v63  }
0x115: {  	_ =	swait.ge [sflag:s22], $0x1400  }
0x116: {  	[sflag:s22] =	ssyncset.done $0x0  }
0x117: {  	s11 =	simm.s32 $0x4E68;
	[sflag:s22] =	ssyncadd.s32 $0xFFFFEC00  }
0x118: {  	[spmem:s2] =	stream.indirect.scatter.add.f32 [tilespmem:s23], [sflag:$0xA], $0x80, s11, s16, $0xb8;
	[tilespmem:$0x1FF80] =	vst v63  }
0x119: {  	_ =	swait.ge [sflag:s15], $0x1400  }
0x11a: {  	[sflag:s15] =	ssyncset.done $0x0  }
0x11b: {  	[sflag:s15] =	ssyncadd.s32 $0xFFFFEC00  }
0x11c: {  	_ =	swait.ge [sflag:s3], $0x1400  }
0x11d: {  	[sflag:s3] =	ssyncset.done $0x0  }
0x11e: {  	[sflag:s3] =	ssyncadd.s32 $0xFFFFEC00  }
0x11f: {  	_ =	swait.ge [sflag:s31], $0x1400  }
0x120: {  	[sflag:s31] =	ssyncset.done $0x0  }
0x121: {  	[sflag:s31] =	ssyncadd.s32 $0xFFFFEC00  }
0x122: {  	_ =	swait.ge [sflag:s12], $0x1400  }
0x123: {  	[sflag:s12] =	ssyncset.done $0x0  }
0x124: {  	s25 =	simm.s32 $0xB;
	[sflag:s12] =	ssyncadd.s32 $0xFFFFEC00  }
0x125: {  	_ =	swait.ge [sflag:s25], $0x1400  }
0x126: {  	[sflag:s25] =	ssyncset.done $0x0  }
0x127: {  	s28 =	simm.s32 $0xC;
	[sflag:s25] =	ssyncadd.s32 $0xFFFFEC00  }
0x128: {  	_ =	swait.ge [sflag:s28], $0x1400  }
0x129: {  	[sflag:s28] =	ssyncset.done $0x0  }
0x12a: {  	[sflag:s28] =	ssyncadd.s32 $0xFFFFEC00  }
0x12b: {  	[bflag:$0x0] =	sbarrier.arrive $0xFFFF  }
0x12c: {  	s1 =	rddreg [dreg:$0x9]  }
0x12d: {  	s0 =	simm.s32 @p0 $0x1FCD;
	s3 =	rddreg [dreg:$0xb]  }
0x12e: {  	[hbm:s1], [sflag:s0] =	dma.local @p0 [spmem:s3], $0x2800  }
0x12f: {  	s0 =	simm.s32 @p0 $0xD  }
0x130: {  	_ =	swait.ge @p0 [sflag:s0], $0x2800  }
0x131: {  	s1 =	stileid.u32;
	s6 =	rddreg [dreg:$0x7]  }
0x132: {  	s1 =	sshll.u32 @!p0 s1, $0x6;
	[sflag:s0] =	ssyncset.done @p0 $0x0;
	s3 =	rddreg [dreg:$0x8]  }
0x133: {  	[sflag:s0] =	ssyncadd.s32 @p0 $0xFFFFD800;
	s0 =	sor.u32 @!p0 $0x1C0D, s1;
	s1 =	sshrl.u32 @!p0 s6, $0x3  }
0x134: {  	[hbm:s3], [sflag:s0] =	dma.local @!p0 [spmem:s1], $0x2700  }
0x135: {  	s0 =	simm.s32 @!p0 $0xD  }
0x136: {  	_ =	swait.ge @!p0 [sflag:s0], $0x2700  }
0x137: {  	s30 =	sadd.s32 $0x1, s30;
	s29 =	rddreg [dreg:$0xa]  }
0x138: {  	p1 =	sne.s32 s30, s29  }
.Ltmp6:
0x139: {  	_ = 	snop;
	(pc) =	sbr.rel @p1 .LBB2_1-.Ltmp6, $3  }
0x13a: {  	_ =	sdelay $0x1  }
0x13b: {  	[sflag:s0] =	ssyncset.done @!p0 $0x0  }
0x13c: {  	s8 =	rddreg [dreg:$0x6];
	[sflag:s0] =	ssyncadd.s32 @!p0 $0xFFFFD900  }
0x13d: {  	_ =	sfence.sel $0x180000  }
0x13e: {  	[bflag:$0x0] =	sbarrier.arrive $0xFFFF  }
0x13f: {  	_ =	strace $0x9000004D  }
0x140: {  	s0 =	stileid.u32;
	[bflag:$0x2] =	sbarrier.arrive $0xFFFF  }
0x141: {  	p0 =	sne.s32 s0, $0x0;
	s0 =	rddreg [dreg:$0x2]  }
0x142: {  	s0 =	sadd.s32 @!p0 $0x100000, s0  }
0x143: {  	[sflag:s0] =	ssyncadd.tile.s32 @!p0 $0x1;
	_ =	shalt  }
.Lfunc_end2:
_tile_overlayer_lowered:
.L_overlay_start_2:
0x144: {  	(tag) =	ssettag $0x2  }
0x145: {  	s0 =	rddreg [dreg:$0x0];
	s2 =	stileid.u32  }
0x146: {  	s1 =	rddreg [dreg:$0x1];
	p0 =	sne.s32 s2, $0x0  }
0x147: {  	s3 =	rddreg [dreg:$0x2];
	[bflag:$0x3] =	sbarrier.arrive $0xFFFF;
	s2 =	simm.s32 @!p0 $0x1C0D  }
0x148: {  	[timem:s3], [sflag:s2] =	dma.local @!p0 [hbm:s0], s1  }
0x149: {  	s0 =	simm.s32 @!p0 $0xD  }
0x14a: {  	_ =	swait.ge @!p0 [sflag:s0], s1  }
0x14b: {  	s1 =	ssub.s32 @!p0 $0x0, s1;
	[sflag:s0] =	ssyncset.done @!p0 $0x0  }
0x14c: {  	[sflag:s0] =	ssyncadd.s32 @!p0 s1  }
0x14d: {  	[bflag:$0x3] =	sbarrier.arrive $0xFFFF  }
0x14e: {  	_ =	shalt  }

// kernel: kernel.8.cloned.1.call-start
scs
__scs_entry_jumppad:
0x0: {  	(pc) =	sbr.rel $0x88, $3  }
0x1: {  	(tag) =	ssettag $0x0;
	lr =	simm.s32 $0x1  }
0x2: {  	[smem:$0x3F92] =	sst lr;
	_ =	strace $0xD0000000  }
0x3: {  	_ = 	snop  }
0x4: {  	_ = 	snop  }
0x5: {  	_ = 	snop  }
0x6: {  	_ = 	snop  }
0x7: {  	_ = 	snop  }
__scs_overlays_trampoline_lowered:
0x8: {  	[smem:$0x3FA1] =	sst s0  }
0x9: {  	[smem:$0x3FA2] =	sst s1  }
0xa: {  	[smem:$0x3FA3] =	sst s2  }
0xb: {  	[smem:$0x3FA4] =	sst s3  }
0xc: {  	[smem:$0x3FA5] =	sst s4  }
0xd: {  	[smem:$0x3FA6] =	sst s5  }
0xe: {  	[smem:$0x3FA7] =	sst s6  }
0xf: {  	[smem:$0x3FA8] =	sst s7  }
0x10: {  	[smem:$0x3FA9] =	sst s8  }
0x11: {  	[smem:$0x3FAA] =	sst s9;
	s0 =	simm.s32 @!p0 $0x0  }
0x12: {  	s1 =	sld [smem:$0x3F90];
	s0 =	simm.s32 @p0 $0x1  }
0x13: {  	[smem:$0x3FAB] =	sst s0;
	s0 =	simm.s32 @!p1 $0x0  }
0x14: {  	s2 =	sld [smem:$0x3F8F];
	s0 =	simm.s32 @p1 $0x1  }
0x15: {  	[smem:$0x3FAC] =	sst s0;
	s0 =	simm.s32 @!p2 $0x0  }
0x16: {  	s3 =	sld [smem:$0x3FDB];
	s0 =	simm.s32 @p2 $0x1  }
0x17: {  	s4 =	simm.s32 $0x1BF5;
	[smem:$0x3FAE] =	sst s0  }
0x18: {  	s0 =	sld [smem:$0x3F91];
	_ =	swait.ge [sflag:s4], $0x0  }
0x19: {  	s7 =	sld [smem:$0x3F92]  }
0x1a: {  	s8 =	sadd.s32 $0xFFFFE003, lr  }
0x1b: {  	s9 =	sadd.s32 $0xFFFFFEF7, lr;
	s5 =	simm.s32 $0xFFFFFFFF;
	p2 =	slt.u32 s8, $0xFFFFF086  }
0x1c: {  	p1 =	slt.u32 s9, $0xF7A;
	s5 =	simm.s32 @!p2 $0x0  }
0x1d: {  	s5 =	simm.s32 @p1 $0x1;
	p0 =	seq.s32 s7, s2  }
0x1e: {  	s7 =	smul.u32 @!p0 $0xF7A, s2;
	p2 =	seq.s32 @!p0 s5, $0x0  }
0x1f: {  	s9 =	smul.u32 $0xF7A, s1;
	s8 =	simm.s32 @!p0 $0x1BF5;
	p2 =	por !p2, p0  }
0x20: {  	[sflag:s8] =	ssyncset.s32 @!p0 $0xFFFFF086;
	s6 =	sadd.s32 @!p0 s3, s7;
	s7 =	simm.s32 @!p0 $0x108  }
0x21: {  	s3 =	sadd.s32 s3, s9;
	s6 =	sadd.s32 @!p0 $0x88, s6;
	s7 =	simm.s32 @p2 $0x1082  }
0x22: {  	[simem:s7], [sflag:s8] =	dma.local @!p0 [hbm:s6], $0xF7A  }
0x23: {  	s9 =	sor.u32 $0xD0000000, s2;
	s6 =	simm.s32 $0x108;
	_ =	swait.ge @!p0 [sflag:s8], $0x0  }
0x24: {  	s3 =	sadd.s32 $0x88, s3;
	s6 =	simm.s32 @!p1 $0x1082;
	[sflag:s4] =	ssyncset.s32 $0xFFFFF086  }
0x25: {  	[simem:s6], [sflag:s4] =	dma.local [hbm:s3], $0xF7A  }
0x26: {  	[smem:$0x3F92] =	sst s1;
	(tag) =	ssettag s2;
	_ =	strace s9  }
0x27: {  	s1 =	sld [smem:$0x3FA2]  }
0x28: {  	s2 =	sld [smem:$0x3FA3]  }
0x29: {  	s4 =	sld [smem:$0x3FA5]  }
0x2a: {  	p0 =	seq.s32 s5, $0x0;
	s5 =	sld [smem:$0x3FA6]  }
0x2b: {  	s6 =	sld [smem:$0x3FA7]  }
0x2c: {  	s7 =	sld [smem:$0x3FA8]  }
0x2d: {  	s3 =	simm.s32 $0x108;
	s8 =	sld [smem:$0x3FA9]  }
0x2e: {  	s3 =	simm.s32 @!p0 $0x1082;
	s9 =	sld [smem:$0x3FAA]  }
0x2f: {  	lr =	sadd.s32 s0, s3;
	s0 =	sld [smem:$0x3FA1]  }
0x30: {  	s3 =	sld [smem:$0x3FA4]  }
0x31: {  	[smem:$0x3FAD] =	sst s10  }
0x32: {  	s10 =	sld [smem:$0x3FAB];
	_ =	sdelay $0x3  }
0x33: {  	p0 =	seq.s32 s10, $0x1;
	s10 =	sld [smem:$0x3FAD];
	_ =	sdelay $0x3  }
0x34: {  	[smem:$0x3FAD] =	sst s10  }
0x35: {  	s10 =	sld [smem:$0x3FAC];
	_ =	sdelay $0x3  }
0x36: {  	p1 =	seq.s32 s10, $0x1;
	s10 =	sld [smem:$0x3FAD];
	_ =	sdelay $0x3  }
0x37: {  	[smem:$0x3FAD] =	sst s10  }
0x38: {  	s10 =	sld [smem:$0x3FAE]  }
0x39: {  	_ = 	snop;
	(pc) =	sbr.ind lr, $3  }
0x3a: {  	_ = 	snop  }
0x3b: {  	_ = 	snop  }
0x3c: {  	p2 =	seq.s32 s10, $0x1;
	s10 =	sld [smem:$0x3FAD]  }
0x3d: {  	_ =	shalt  }
0x3e: {  	_ =	shalt  }
0x3f: {  	_ =	shalt  }
0x40: {  	_ =	shalt  }
0x41: {  	_ =	shalt  }
0x42: {  	_ =	shalt  }
0x43: {  	_ =	shalt  }
0x44: {  	_ =	shalt  }
0x45: {  	_ =	shalt  }
0x46: {  	_ =	shalt  }
0x47: {  	_ =	shalt  }
0x48: {  	_ =	shalt  }
0x49: {  	_ =	shalt  }
0x4a: {  	_ =	shalt  }
0x4b: {  	_ =	shalt  }
0x4c: {  	_ =	shalt  }
0x4d: {  	_ =	shalt  }
0x4e: {  	_ =	shalt  }
0x4f: {  	_ =	shalt  }
0x50: {  	_ =	shalt  }
0x51: {  	_ =	shalt  }
0x52: {  	_ =	shalt  }
0x53: {  	_ =	shalt  }
0x54: {  	_ =	shalt  }
0x55: {  	_ =	shalt  }
0x56: {  	_ =	shalt  }
0x57: {  	_ =	shalt  }
0x58: {  	_ =	shalt  }
0x59: {  	_ =	shalt  }
0x5a: {  	_ =	shalt  }
0x5b: {  	_ =	shalt  }
0x5c: {  	_ =	shalt  }
0x5d: {  	_ =	shalt  }
0x5e: {  	_ =	shalt  }
0x5f: {  	_ =	shalt  }
0x60: {  	_ =	shalt  }
0x61: {  	_ =	shalt  }
0x62: {  	_ =	shalt  }
0x63: {  	_ =	shalt  }
0x64: {  	_ =	shalt  }
0x65: {  	_ =	shalt  }
0x66: {  	_ =	shalt  }
0x67: {  	_ =	shalt  }
0x68: {  	_ =	shalt  }
0x69: {  	_ =	shalt  }
0x6a: {  	_ =	shalt  }
0x6b: {  	_ =	shalt  }
0x6c: {  	_ =	shalt  }
0x6d: {  	_ =	shalt  }
0x6e: {  	_ =	shalt  }
0x6f: {  	_ =	shalt  }
0x70: {  	_ =	shalt  }
0x71: {  	_ =	shalt  }
0x72: {  	_ =	shalt  }
0x73: {  	_ =	shalt  }
0x74: {  	_ =	shalt  }
0x75: {  	_ =	shalt  }
0x76: {  	_ =	shalt  }
0x77: {  	_ =	shalt  }
0x78: {  	_ =	shalt  }
0x79: {  	_ =	shalt  }
0x7a: {  	_ =	shalt  }
0x7b: {  	_ =	shalt  }
0x7c: {  	_ =	shalt  }
0x7d: {  	_ =	shalt  }
0x7e: {  	_ =	shalt  }
0x7f: {  	_ =	shalt  }
0x80: {  	_ =	shalt  }
0x81: {  	_ =	shalt  }
0x82: {  	_ =	shalt  }
0x83: {  	_ =	shalt  }
0x84: {  	_ =	shalt  }
0x85: {  	_ =	shalt  }
0x86: {  	_ =	shalt  }
0x87: {  	_ =	shalt  }
.Lfunc_end0:
.L_simem_size_0:
called_computation_lowered:
.L_overlay_start_0:
0x88: {  	s2 =	sld [smem:$0x3FD9]  }
0x89: {  	s3 =	sld [smem:$0x3FFE];
	_ =	sdelay $0x1  }
0x8a: {  	s1 =	srdreg.scid  }
0x8b: {  	s0 =	sand.u32 $0x1, s1  }
0x8c: {  	s14 =	sshll.u32 s0, $0xA;
	s2 =	sadd.s32 s3, s2  }
0x8d: {  	s2 =	sadd.s32 s2, s14  }
0x8e: {  	[smem:$0x3FB9] =	sst s2  }
0x8f: {  	_ = 	snop  }
0x90: {  	s2 =	sld [smem:$0x3FD0];
	_ =	sdelay $0x2  }
0x91: {  	s15 =	simm.s32 $0xA;
	s4 =	simm.s32 $0x10  }
0x92: {  	[smem:s4], [sflag:s15] =	dma.local [hbm:s2], $0x1  }
0x93: {  	_ =	swait.eq [sflag:s15], $0x1  }
0x94: {  	[sflag:s15] =	ssyncset.done $0x0  }
0x95: {  	[sflag:s15] =	ssyncadd.s32 $0xFFFFFFFF  }
0x96: {  	s16 =	sld [smem:$0x10];
	(tm) =	ssettm $0x1  }
0x97: {  	s17 =	sld [smem:$0x3FFB];
	_ =	sdelay $0x3  }
0x98: {  	_ =	strace s17  }
0x99: {  	s3 =	sld [smem:$0x3FFC];
	_ =	sdelay $0x3  }
0x9a: {  	_ =	strace s3  }
0x9b: {  	s3 =	sld [smem:$0x3FFD];
	_ =	sdelay $0x3  }
0x9c: {  	_ =	strace s3  }
0x9d: {  	_ =	strace $0x8FFFFFFF  }
0x9e: {  	s18 =	sld [smem:$0x3FDB];
	_ =	sdelay $0x1  }
0x9f: {  	s19 =	simm.s32 $_scs_section_size  }
0xa0: {  	s5 =	simm.s32 $_size__tile_overlayer_lowered;
	s6 =	simm.s32 $_tile_overlayer_lowered  }
0xa1: {  	s22 =	simm.s32 $0x1BFF;
	s21 =	sshll.u32 s6, $0x1;
	s3 =	sadd.s32 s19, s18  }
0xa2: {  	s7 =	simm.s32 $0x0;
	s20 =	sshll.u32 s5, $0x1;
	s5 =	sadd.s32 s21, s3  }
0xa3: {  	[timem:s7], [sflag:s22] =	dma.local [hbm:s5], s20  }
0xa4: {  	_ =	swait.ge [sflag:s22], s20  }
0xa5: {  	s4 =	ssub.s32 $0x0, s20;
	[sflag:s22] =	ssyncset.done $0x0  }
0xa6: {  	[sflag:s22] =	ssyncadd.s32 s4;
	_ =	sdelay $0x1  }
0xa7: {  	s23 =	simm.s32 $0x1B8B  }
0xa8: {  	_ =	swait.ge [sflag:s23], $0x1  }
0xa9: {  	[sflag:s23] =	ssyncset.done $0x0  }
0xaa: {  	s25 =	simm.s32 $0x1B8E;
	s24 =	sld [smem:$0x3FFE];
	[sflag:s23] =	ssyncadd.s32 $0xFFFFFFFF  }
0xab: {  	s26 =	simm.s32 $execute0_lowered;
	[smem:$0x3FD2] =	sst s25  }
0xac: {  	s5 =	sshll.u32 s26, $0x1;
	_ =	strace $0x80000046;
	[dreg:$0x1] =	wrdreg $0xFFFFFFFF  }
0xad: {  	s28 =	simm.s32 $_size_execute0_lowered;
	s3 =	sadd.s32 s3, s5;
	[dreg:$0x0] =	wrdreg $0x0  }
0xae: {  	s5 =	sshll.u32 s28, $0x1;
	[dreg:$0x2] =	wrdreg s3  }
0xaf: {  	[dreg:$0x3] =	wrdreg s5  }
0xb0: {  	[dreg:$0x4] =	wrdreg $0xC0  }
0xb1: {  	_ =	task [dreg:s7], $0x5FFFF  }
0xb2: {  	[dreg:$0x1] =	wrdreg $0xFFFFFFFF  }
0xb3: {  	[dreg:$0x0] =	wrdreg $0x60  }
0xb4: {  	[dreg:$0x2] =	wrdreg s24  }
0xb5: {  	[dreg:$0x3] =	wrdreg s16  }
0xb6: {  	[dreg:$0x4] =	wrdreg $0x9  }
0xb7: {  	_ =	task.clear_ibuf [dreg:s7], $0x5FFFF;
	_ =	strace $0x90000046  }
0xb8: {  	s29 =	simm.s32 $0x9;
	_ =	strace $0x80000048  }
0xb9: {  	_ =	swait.ge [sflag:s29], $0x1  }
0xba: {  	[sflag:s29] =	ssyncadd.s32 $0xFFFFFFFF  }
0xbb: {  	_ =	strace $0x90000048  }
0xbc: {  	_ =	sfence  }
0xbd: {  	s30 =	sld [smem:$0x0];
	_ =	sdelay $0x2  }
0xbe: {  	s31 =	sshll.u32 s1, $0xD;
	s1 =	sshrl.u32 s1, $0x2  }
0xbf: {  	s3 =	sand.u32 $0x4000, s31;
	s1 =	sadd.s32 s1, s30  }
0xc0: {  	s0 =	sor.u32 s3, s0;
	s1 =	sshll.u32 s1, $0x11  }
0xc1: {  	s0 =	sor.u32 s1, s0  }
0xc2: {  	s0 =	sadd.s32 $0x8F2B, s0  }
0xc3: {  	[sflag:s0] =	ssyncadd.remote.s32 $0x1  }
0xc4: {  	_ =	sfence.sel $0xFFFF  }
0xc5: {  	[dreg:$0x0] =	wrdreg $0xFFFFFFFF;
	(pc) =	sbr.abs _section_cstart, $3  }
0xc6: {  	[dreg:$0x1] =	wrdreg $0xFFFFFFFF  }
0xc7: {  	_ =	task.clear_ibuf [dreg:s7], $0x2FFFF;
	_ =	strace $0x9FFFFFFF  }
0xc8: {  	(tm) =	ssettm $0x7FFFFFFF  }
0xc9: {  	_ =	shalt  }
tec
execute0_lowered:
.L_overlay_start_1:
0x0: {  	(tag) =	ssettag $0x1  }
0x1: {  	s3 =	rddreg [dreg:$0x0]  }
0x2: {  	s1 =	srdreg.scid;
	s0 =	stileid.u32  }
0x3: {  	s4 =	rddreg [dreg:$0x1];
	s9 =	simm.s32 $0x400;
	s10 =	simm.s32 $0x0  }
0x4: {  	s5 =	sand.u32 $0x1, s1;
	s2 =	sshll.u32 s0, $0x1;
	s1 =	rddreg [dreg:$0x2]  }
0x5: {  	s7 =	sshrl.u32 s0, $0x2;
	s6 =	sor.u32 s5, s2;
	s2 =	simm.s32 $0x0  }
0x6: {  	s7 =	smul.u32 $0x13C00, s7;
	s5 =	ssub.s32 $0x2, s5;
	s8 =	sshll.u32 s6, $0x7  }
0x7: {  	[smem:$0x7FF] =	sst s2;
	s6 =	smul.u32 $0x4E2, s6;
	s31 =	sshrl.u32 s5, $0x1  }
0x8: {  	s8 =	sand.u32 $0x380, s8;
	_ =	strace $0x80000047;
	s5 =	ssub.s32 s5, s31  }
0x9: {  	s7 =	sor.u32 s7, s8;
	s3 =	sadd.s32 s6, s3;
	s5 =	smax.u32 s5, $0x1  }
0xa: {  	s6 =	simm.s32 $0x1;
	s8 =	simm.s32 $0x80;
	s7 =	sshrl.u32 s7, $0x3  }
0xb: {  	v0 =	vimm.f32 $0.0e+00;
	v1 =	vimm.f32 $1.000000000e+00;
	s3 =	sadd.s32 $0xC600, s3;
	s4 =	sadd.s32 s4, s7;
	s7 =	simm.s32 $0x2780  }
.LBB2_1:
0xc: {  	[tilespmem:s2], [sflag:$0x1] =	stream.linear.gather [hbm4b:s3+s2], $0x2710, $0x38;
	[tilespmem:$0x4F00] =	vst v63  }
0xd: {  	_ =	swait.ge [sflag:s6], $0x2710  }
0xe: {  	[sflag:s6] =	ssyncset.done $0x0  }
0xf: {  	s12 =	simm.s32 $0x140;
	s11 =	simm.s32 $0x0;
	[sflag:s6] =	ssyncadd.s32 $0xFFFFD8F0  }
.LBB2_2:
0x10: {  	p0 =	sne.s32 s12, $0x9B00;
	[tilespmem:s11+$0x27C0] =	vst v0;
	s13 =	smov.u32 s12;
	s12 =	sadd.s32 $0x140, s12  }
.Ltmp0:
0x11: {  	[tilespmem:s11+$0x27B0] =	vst v0;
	(pc) =	sbr.rel @p0 .LBB2_2-.Ltmp0, $4  }
0x12: {  	[tilespmem:s11+$0x27A0] =	vst v0  }
0x13: {  	[tilespmem:s11+$0x2780] =	vst v0  }
0x14: {  	[tilespmem:s11+$0x2790] =	vst v0  }
0x15: {  	s11 =	sshra.s32 s13, $0x2  }
0x16: {  	[tilespmem:s11+$0x27C0] =	vst v0  }
0x17: {  	[tilespmem:s11+$0x27B0] =	vst v0  }
0x18: {  	[tilespmem:s11+$0x27A0] =	vst v0  }
0x19: {  	[tilespmem:s11+$0x2780] =	vst v0  }
0x1a: {  	[tilespmem:s11+$0x2790] =	vst v0;
	s11 =	simm.s32 $0x0  }
.LBB2_4:
0x1b: {  	s12 =	sshra.s32 s11, $0x2  }
0x1c: {  	v2 =	vld [tilespmem:s12+$0x0];
	_ =	sdelay $0x7  }
0x1d: {  	[tilespmem:v2+s7+$0x0] =	vst.idx.add.f32.msk $0xffff, v1  }
0x1e: {  	v2 =	vld [tilespmem:s12+$0x10];
	_ =	sdelay $0x7  }
0x1f: {  	[tilespmem:v2+s7+$0x0] =	vst.idx.add.f32.msk $0xffff, v1  }
0x20: {  	v2 =	vld [tilespmem:s12+$0x20];
	_ =	sdelay $0x7  }
0x21: {  	[tilespmem:v2+s7+$0x0] =	vst.idx.add.f32.msk $0xffff, v1  }
0x22: {  	v2 =	vld [tilespmem:s12+$0x30];
	_ =	sdelay $0x7  }
0x23: {  	[tilespmem:v2+s7+$0x0] =	vst.idx.add.f32.msk $0xffff, v1  }
0x24: {  	v2 =	vld [tilespmem:s12+$0x40];
	_ =	sdelay $0x2  }
0x25: {  	p0 =	sne.s32 s11, $0x9B00  }
.Ltmp1:
0x26: {  	_ = 	snop;
	(pc) =	sbr.rel @p0 .LBB2_4-.Ltmp1, $2  }
0x27: {  	_ =	sdelay $0x2  }
0x28: {  	s11 =	sadd.s32 $0x140, s11;
	[tilespmem:v2+s7+$0x0] =	vst.idx.add.f32.msk $0xffff, v1  }
0x29: {  	s10 =	sadd.s32 $0x1, s10  }
0x2a: {  	p0 =	sne.s32 s10, s5  }
.Ltmp2:
0x2b: {  	_ = 	snop;
	(pc) =	sbr.rel @p0 .LBB2_1-.Ltmp2, $4  }
0x2c: {  	[hbm4b:s4+s8] =	stream.strided.scatter [tilespmem:s7], [sflag:$0x1], $0x2780, s9, s8, $0x38;
	[tilespmem:$0x4F00] =	vst v63  }
0x2d: {  	_ =	swait.ge [sflag:s6], $0x2780  }
0x2e: {  	[sflag:s6] =	ssyncset.done $0x0  }
0x2f: {  	[sflag:s6] =	ssyncadd.s32 $0xFFFFD880  }
0x30: {  	_ =	sfence.sel $0x180000  }
0x31: {  	[bflag:$0x0] =	sbarrier.arrive $0xFFFF  }
0x32: {  	p0 =	sne.s32 s0, $0x0;
	_ =	strace $0x90000047  }
0x33: {  	s0 =	sadd.s32 @!p0 $0x100000, s1;
	[bflag:$0x2] =	sbarrier.arrive $0xFFFF  }
0x34: {  	[sflag:s0] =	ssyncadd.tile.s32 @!p0 $0x1;
	_ =	shalt  }
.Lfunc_end2:
_tile_overlayer_lowered:
.L_overlay_start_2:
0x35: {  	(tag) =	ssettag $0x2  }
0x36: {  	s0 =	rddreg [dreg:$0x0];
	s2 =	stileid.u32  }
0x37: {  	s1 =	rddreg [dreg:$0x1];
	p0 =	sne.s32 s2, $0x0  }
0x38: {  	s3 =	rddreg [dreg:$0x2];
	[bflag:$0x3] =	sbarrier.arrive $0xFFFF;
	s2 =	simm.s32 @!p0 $0x1C01  }
0x39: {  	[timem:s3], [sflag:s2] =	dma.local @!p0 [hbm:s0], s1  }
0x3a: {  	s0 =	simm.s32 @!p0 $0x1  }
0x3b: {  	_ =	swait.ge @!p0 [sflag:s0], s1  }
0x3c: {  	s1 =	ssub.s32 @!p0 $0x0, s1;
	[sflag:s0] =	ssyncset.done @!p0 $0x0  }
0x3d: {  	[sflag:s0] =	ssyncadd.s32 @!p0 s1  }
0x3e: {  	[bflag:$0x3] =	sbarrier.arrive $0xFFFF  }
0x3f: {  	_ =	shalt  }

</sc_bundles>
